<compile_context>
chip_gen: v7x
topology: tpu7x:2x2x1
jax: 0.10.2.dev20260603
libtpu: 0.0.44.dev20260713+nightly
codegen_flags: <defaults>
</compile_context>

<pallas_src>
import functools
import math

import jax
import jax.numpy as jnp
from jax import lax
from jax.experimental import pallas as pl
from jax.experimental.pallas import tpu as pltpu
from jax.experimental.pallas import tpu_sc as plsc

_VOCAB = 100000
_DIM = 128
_MAX_LEN = 512
_BATCH = 1024
_SCALE = math.sqrt(float(_DIM))

_NC = 2
_NS = 16
_L = 16
_NW = _NC * _NS
_TOTAL = _BATCH * _MAX_LEN
_CHUNK = 128
_NCHUNK = _TOTAL // (_NW * _CHUNK)
_QUART = _MAX_LEN // 4
_NBUF = 4


@functools.partial(
    pl.kernel,
    mesh=plsc.VectorSubcoreMesh(core_axis_name="c", subcore_axis_name="s"),
    out_type=jax.ShapeDtypeStruct((_TOTAL, _DIM), jnp.float32),
    scratch_types=[
        pltpu.VMEM((_QUART, _DIM), jnp.float32),
    ] + [pltpu.VMEM((_CHUNK, _DIM), jnp.float32)] * _NBUF
      + [pltpu.VMEM((_CHUNK,), jnp.int32)] * _NBUF
      + [pltpu.SemaphoreType.DMA] * (3 * _NBUF),
)
def _embed(idx_hbm, table_hbm, pos_hbm, out_hbm, pos_v, *bufs_sems):
    rows = bufs_sems[:_NBUF]
    ib = bufs_sems[_NBUF:2 * _NBUF]
    gs = bufs_sems[2 * _NBUF:3 * _NBUF]
    os_ = bufs_sems[3 * _NBUF:4 * _NBUF]
    is_ = bufs_sems[4 * _NBUF:]
    wid = lax.axis_index("s") * _NC + lax.axis_index("c")
    m = lax.rem(wid, 4)
    base0 = _CHUNK * m + 4 * _CHUNK * lax.div(wid, 4)

    def row0(c):
        return base0 + 32 * _CHUNK * c

    def idx_load(c, b):
        return pltpu.make_async_copy(
            idx_hbm.at[pl.ds(row0(c), _CHUNK)], ib[b], is_[b])

    def gather(c, b):
        return pltpu.make_async_copy(
            table_hbm.at[ib[b]], rows[b], gs[b])

    def out_copy(c, b):
        return pltpu.make_async_copy(
            rows[b], out_hbm.at[pl.ds(row0(c), _CHUNK)], os_[b])

    def compute(b):
        buf = rows[b]

        @plsc.parallel_loop(0, _CHUNK, 1, unroll=4)
        def _(r):
            for j in range(_DIM // _L):
                sl = pl.ds(j * _L, _L)
                buf[r, sl] = buf[r, sl] * _SCALE + pos_v[r, sl]

    pos_load = pltpu.make_async_copy(
        pos_hbm.at[pl.ds(m * _QUART, _QUART)], pos_v, os_[0])
    pos_load.start()
    idx_load(0, 0).start()
    idx_load(1, 1).start()
    idx_load(2, 2).start()
    idx_load(0, 0).wait()
    gather(0, 0).start()
    idx_load(1, 1).wait()
    gather(1, 1).start()
    pos_load.wait()

    def group_body(g, carry):
        for b in range(_NBUF):
            c = _NBUF * g + b
            gather(c, b).wait()
            compute(b)
            out_copy(c, b).start()

            @pl.when(c + 3 < _NCHUNK)
            def _():
                b3 = (b + 3) % _NBUF
                idx_load(c + 3, b3).start()

            @pl.when(c + 2 < _NCHUNK)
            def _():
                b2 = (b + 2) % _NBUF

                @pl.when(c >= 2)
                def _():
                    out_copy(c - 2, b2).wait()

                idx_load(c + 2, b2).wait()
                gather(c + 2, b2).start()

        return carry

    lax.fori_loop(0, _NCHUNK // _NBUF, group_body, 0)
    for k in range(_NBUF):
        c = _NCHUNK - _NBUF + k
        out_copy(c, c % _NBUF).wait()


def kernel(inputs, table, pos_encoding):
    inputs = inputs[:, :_MAX_LEN]
    idx = inputs.reshape(-1)
    out = _embed(idx, table, pos_encoding)
    return out.reshape(inputs.shape[0], inputs.shape[1], _DIM)

# --- scband reference (transcript-rebuilt; emitter-appended) ---
"""Pipeline reference for scband-sinusoidal-embedder-50629074485829 (READ-ONLY COPY).

The authoritative reference and input builder live on the scoring server;
editing this copy changes nothing except your own understanding.
"""

import jax, jax.numpy as jnp
import numpy as np
import math

VOCAB = 100000
DIM = 128
MAX_LEN = 512
TEMP = 10000.0
BATCH = 1024
SEQ = 512


def _make_pos_encoding():
    position = np.arange(MAX_LEN)[:, np.newaxis]
    div_term = np.exp(np.arange(0, DIM, 2) * -(math.log(TEMP) / DIM))
    pe = np.zeros((MAX_LEN, DIM), dtype=np.float64)
    pe[:, 0::2] = np.sin(position * div_term)
    pe[:, 1::2] = np.cos(position * div_term[: DIM // 2])
    return jnp.asarray(pe.astype(np.float32))


def setup_inputs(seed: int = 0) -> dict:
    key = jax.random.key(seed)
    k1, k2 = jax.random.split(key)
    inputs = jax.random.randint(k1, (BATCH, SEQ), 0, VOCAB, dtype=jnp.int64 if jax.config.jax_enable_x64 else jnp.int32).astype(jnp.int32)
    table = jax.random.normal(k2, (VOCAB, DIM), dtype=jnp.float32) * 0.02
    pos_encoding = _make_pos_encoding()
    return {"inputs": inputs, "table": table, "pos_encoding": pos_encoding}


def reference(inputs, table, pos_encoding):
    # truncate to max_length (here seq == max_length, but keep faithful)
    inputs = inputs[:, :MAX_LEN]
    seq_len = inputs.shape[1]
    # token embedding lookup (gather) scaled by sqrt(dim)
    token_embeds = jnp.take(table, inputs, axis=0)
    token_embeds = token_embeds * jnp.sqrt(jnp.asarray(DIM, dtype=jnp.float32))
    # positional encoding gather and broadcast-add over batch
    pos_embeds = pos_encoding[:seq_len, :][None, :, :]
    embeddings = token_embeds + pos_embeds
    return embeddings

if __name__ == "__main__":
    import jax
    _d = setup_inputs()
    print(jax.jit(kernel)(*tuple(_d.values())))

</pallas_src>

<mosaic_0001>
#map = affine_map<(d0, d1) -> (0)>
#map1 = affine_map<(d0, d1) -> (0, 0)>
module attributes {stable_mosaic.version = 14 : i64} {
  func.func @_embed(%arg0: i32, %arg1: i32, %arg2: memref<524288xi32, #tpu.memory_space<hbm>>, %arg3: memref<100000x128xf32, #tpu.memory_space<hbm>>, %arg4: memref<512x128xf32, #tpu.memory_space<hbm>>, %arg5: memref<524288x128xf32, #tpu.memory_space<hbm>>, %arg6: memref<128x128xf32, #tpu.memory_space<vmem>>, %arg7: memref<128x128xf32, #tpu.memory_space<vmem>>, %arg8: memref<128x128xf32, #tpu.memory_space<vmem>>, %arg9: memref<128x128xf32, #tpu.memory_space<vmem>>, %arg10: memref<128x128xf32, #tpu.memory_space<vmem>>, %arg11: memref<128xi32, #tpu.memory_space<vmem>>, %arg12: memref<128xi32, #tpu.memory_space<vmem>>, %arg13: memref<128xi32, #tpu.memory_space<vmem>>, %arg14: memref<128xi32, #tpu.memory_space<vmem>>, %arg15: memref<!tpu.dma_semaphore, #tpu.memory_space<semaphore_mem>>, %arg16: memref<!tpu.dma_semaphore, #tpu.memory_space<semaphore_mem>>, %arg17: memref<!tpu.dma_semaphore, #tpu.memory_space<semaphore_mem>>, %arg18: memref<!tpu.dma_semaphore, #tpu.memory_space<semaphore_mem>>, %arg19: memref<!tpu.dma_semaphore, #tpu.memory_space<semaphore_mem>>, %arg20: memref<!tpu.dma_semaphore, #tpu.memory_space<semaphore_mem>>, %arg21: memref<!tpu.dma_semaphore, #tpu.memory_space<semaphore_mem>>, %arg22: memref<!tpu.dma_semaphore, #tpu.memory_space<semaphore_mem>>, %arg23: memref<!tpu.dma_semaphore, #tpu.memory_space<semaphore_mem>>, %arg24: memref<!tpu.dma_semaphore, #tpu.memory_space<semaphore_mem>>, %arg25: memref<!tpu.dma_semaphore, #tpu.memory_space<semaphore_mem>>, %arg26: memref<!tpu.dma_semaphore, #tpu.memory_space<semaphore_mem>>) attributes {dimension_semantics = [#tpu.dimension_semantics<core_parallel>, #tpu.dimension_semantics<subcore_parallel>], iteration_bounds = array<i64: 2, 16>, scalar_prefetch = 0 : i64, scratch_operands = 21 : i64, tpu.core_type = #tpu.core_type<sc_vector_subcore>, window_params = [{transform_indices = #map}, {transform_indices = #map1}, {transform_indices = #map1}, {transform_indices = #map1}]} {
    %mul3A = arith.constant 2 : i32
    %mul3A_0 = arith.muli %arg1, %mul3A : i32
    %add3A = arith.addi %mul3A_0, %arg0 : i32
    %rem3A = arith.constant 4 : i32
    %rem3A_1 = arith.remsi %add3A, %rem3A : i32
    %mul3A_2 = arith.constant 128 : i32
    %mul3A_3 = arith.muli %mul3A_2, %rem3A_1 : i32
    %div3A = arith.constant 4 : i32
    %div3A_4 = arith.divsi %add3A, %div3A : i32
    %mul3A_5 = arith.constant 512 : i32
    %mul3A_6 = arith.muli %mul3A_5, %div3A_4 : i32
    %add3A_7 = arith.addi %mul3A_3, %mul3A_6 : i32
    %mul3A_8 = arith.constant 128 : i32
    %mul3A_9 = arith.muli %rem3A_1, %mul3A_8 : i32
    %dma_start3A = arith.constant 0 : i32
    %dma_start3A_10 = tpu.memref_slice %arg4[%mul3A_9, %dma_start3A] : memref<512x128xf32, #tpu.memory_space<hbm>> -> memref<128x128xf32, #tpu.memory_space<hbm>>
    %dma_start3A_11 = arith.constant 0 : i32
    %dma_start3A_12 = tpu.memref_slice %arg4[%mul3A_9, %dma_start3A_11] : memref<512x128xf32, #tpu.memory_space<hbm>> -> memref<128x128xf32, #tpu.memory_space<hbm>>
    tpu.enqueue_dma source(%dma_start3A_12 : memref<128x128xf32, #tpu.memory_space<hbm>>) target(%arg6 : memref<128x128xf32, #tpu.memory_space<vmem>>) target_semaphore(%arg19 : memref<!tpu.dma_semaphore, #tpu.memory_space<semaphore_mem>>)
    %add3A_13 = arith.constant 0 : i32
    %add3A_14 = arith.addi %add3A_7, %add3A_13 : i32
    %dma_start3A_15 = tpu.memref_slice %arg2[%add3A_14] : memref<524288xi32, #tpu.memory_space<hbm>> -> memref<128xi32, #tpu.memory_space<hbm>>
    %dma_start3A_16 = tpu.memref_slice %arg2[%add3A_14] : memref<524288xi32, #tpu.memory_space<hbm>> -> memref<128xi32, #tpu.memory_space<hbm>>
    tpu.enqueue_dma source(%dma_start3A_16 : memref<128xi32, #tpu.memory_space<hbm>>) target(%arg11 : memref<128xi32, #tpu.memory_space<vmem>>) target_semaphore(%arg23 : memref<!tpu.dma_semaphore, #tpu.memory_space<semaphore_mem>>)
    %add3A_17 = arith.constant 4096 : i32
    %add3A_18 = arith.addi %add3A_7, %add3A_17 : i32
    %dma_start3A_19 = tpu.memref_slice %arg2[%add3A_18] : memref<524288xi32, #tpu.memory_space<hbm>> -> memref<128xi32, #tpu.memory_space<hbm>>
    %dma_start3A_20 = tpu.memref_slice %arg2[%add3A_18] : memref<524288xi32, #tpu.memory_space<hbm>> -> memref<128xi32, #tpu.memory_space<hbm>>
    tpu.enqueue_dma source(%dma_start3A_20 : memref<128xi32, #tpu.memory_space<hbm>>) target(%arg12 : memref<128xi32, #tpu.memory_space<vmem>>) target_semaphore(%arg24 : memref<!tpu.dma_semaphore, #tpu.memory_space<semaphore_mem>>)
    %add3A_21 = arith.constant 8192 : i32
    %add3A_22 = arith.addi %add3A_7, %add3A_21 : i32
    %dma_start3A_23 = tpu.memref_slice %arg2[%add3A_22] : memref<524288xi32, #tpu.memory_space<hbm>> -> memref<128xi32, #tpu.memory_space<hbm>>
    %dma_start3A_24 = tpu.memref_slice %arg2[%add3A_22] : memref<524288xi32, #tpu.memory_space<hbm>> -> memref<128xi32, #tpu.memory_space<hbm>>
    tpu.enqueue_dma source(%dma_start3A_24 : memref<128xi32, #tpu.memory_space<hbm>>) target(%arg13 : memref<128xi32, #tpu.memory_space<vmem>>) target_semaphore(%arg25 : memref<!tpu.dma_semaphore, #tpu.memory_space<semaphore_mem>>)
    %add3A_25 = arith.constant 0 : i32
    %add3A_26 = arith.addi %add3A_7, %add3A_25 : i32
    %dma_wait3A = tpu.memref_slice %arg2[%add3A_26] : memref<524288xi32, #tpu.memory_space<hbm>> -> memref<128xi32, #tpu.memory_space<hbm>>
    %dma_wait3A_27 = tpu.memref_slice %arg2[%add3A_26] : memref<524288xi32, #tpu.memory_space<hbm>> -> memref<128xi32, #tpu.memory_space<hbm>>
    tpu.wait_dma2 semaphore(%arg23 : memref<!tpu.dma_semaphore, #tpu.memory_space<semaphore_mem>>) src(%dma_wait3A_27 : memref<128xi32, #tpu.memory_space<hbm>>) dst(%arg11 : memref<128xi32, #tpu.memory_space<vmem>>)
    %dma_start3A_28 = arith.constant 0 : i32
    %dma_start3A_29 = arith.constant 0 : i32
    %dma_start3A_30 = tpu.memref_slice %arg3[%dma_start3A_28, %dma_start3A_29] : memref<100000x128xf32, #tpu.memory_space<hbm>> -> memref<100000x128xf32, #tpu.memory_space<hbm>>
    tpu.enqueue_indirect_dma source(%dma_start3A_30 : memref<100000x128xf32, #tpu.memory_space<hbm>>) target(%arg7 : memref<128x128xf32, #tpu.memory_space<vmem>>) offsets(%arg11 : memref<128xi32, #tpu.memory_space<vmem>>) semaphore(%arg15 : memref<!tpu.dma_semaphore, #tpu.memory_space<semaphore_mem>>)
    %add3A_31 = arith.constant 4096 : i32
    %add3A_32 = arith.addi %add3A_7, %add3A_31 : i32
    %dma_wait3A_33 = tpu.memref_slice %arg2[%add3A_32] : memref<524288xi32, #tpu.memory_space<hbm>> -> memref<128xi32, #tpu.memory_space<hbm>>
    %dma_wait3A_34 = tpu.memref_slice %arg2[%add3A_32] : memref<524288xi32, #tpu.memory_space<hbm>> -> memref<128xi32, #tpu.memory_space<hbm>>
    tpu.wait_dma2 semaphore(%arg24 : memref<!tpu.dma_semaphore, #tpu.memory_space<semaphore_mem>>) src(%dma_wait3A_34 : memref<128xi32, #tpu.memory_space<hbm>>) dst(%arg12 : memref<128xi32, #tpu.memory_space<vmem>>)
    %dma_start3A_35 = arith.constant 0 : i32
    %dma_start3A_36 = arith.constant 0 : i32
    %dma_start3A_37 = tpu.memref_slice %arg3[%dma_start3A_35, %dma_start3A_36] : memref<100000x128xf32, #tpu.memory_space<hbm>> -> memref<100000x128xf32, #tpu.memory_space<hbm>>
    tpu.enqueue_indirect_dma source(%dma_start3A_37 : memref<100000x128xf32, #tpu.memory_space<hbm>>) target(%arg8 : memref<128x128xf32, #tpu.memory_space<vmem>>) offsets(%arg12 : memref<128xi32, #tpu.memory_space<vmem>>) semaphore(%arg16 : memref<!tpu.dma_semaphore, #tpu.memory_space<semaphore_mem>>)
    %dma_wait3A_38 = arith.constant 0 : i32
    %dma_wait3A_39 = tpu.memref_slice %arg4[%mul3A_9, %dma_wait3A_38] : memref<512x128xf32, #tpu.memory_space<hbm>> -> memref<128x128xf32, #tpu.memory_space<hbm>>
    %dma_wait3A_40 = arith.constant 0 : i32
    %dma_wait3A_41 = tpu.memref_slice %arg4[%mul3A_9, %dma_wait3A_40] : memref<512x128xf32, #tpu.memory_space<hbm>> -> memref<128x128xf32, #tpu.memory_space<hbm>>
    tpu.wait_dma2 semaphore(%arg19 : memref<!tpu.dma_semaphore, #tpu.memory_space<semaphore_mem>>) src(%dma_wait3A_41 : memref<128x128xf32, #tpu.memory_space<hbm>>) dst(%arg6 : memref<128x128xf32, #tpu.memory_space<vmem>>)
    %scan3A = arith.constant 0 : i32
    %scan3A_42 = arith.constant 0 : i32
    %scan3A_43 = arith.constant 32 : i32
    %scan3A_44 = arith.addi %scan3A_42, %scan3A_43 : i32
    %scan3A_45 = arith.constant 1 : i32
    scf.for %scan3A_71 = %scan3A_42 to %scan3A_44 step %scan3A_45  : i32 {
      %mul3A_72 = arith.constant 4 : i32
      %mul3A_73 = arith.muli %mul3A_72, %scan3A_71 : i32
      %add3A_74 = arith.constant 0 : i32
      %add3A_75 = arith.addi %mul3A_73, %add3A_74 : i32
      %dma_wait3A_76 = arith.constant 0 : i32
      %dma_wait3A_77 = arith.constant 0 : i32
      %dma_wait3A_78 = tpu.memref_slice %arg3[%dma_wait3A_76, %dma_wait3A_77] : memref<100000x128xf32, #tpu.memory_space<hbm>> -> memref<100000x128xf32, #tpu.memory_space<hbm>>
      tpu.wait_indirect_dma semaphore(%arg15 : memref<!tpu.dma_semaphore, #tpu.memory_space<semaphore_mem>>) src(%dma_wait3A_78 : memref<100000x128xf32, #tpu.memory_space<hbm>>) dst(%arg7 : memref<128x128xf32, #tpu.memory_space<vmem>>)
      %parallel_loop3A = arith.constant 0 : i32
      %parallel_loop3A_79 = arith.constant 128 : i32
      %parallel_loop3A_80 = arith.constant 1 : i32
      scf.for %parallel_loop3A_192 = %parallel_loop3A to %parallel_loop3A_79 step %parallel_loop3A_80  : i32 {
        %parallel_loop3A_193 = arith.index_cast %parallel_loop3A_192 : i32 to index
        %parallel_loop3A_194 = arith.constant 0 : index
        %parallel_loop3A_195 = tpu.vector_load %arg7[%parallel_loop3A_193, %parallel_loop3A_194] {strides = array<i32>} : memref<128x128xf32, #tpu.memory_space<vmem>>, vector<1x16xf32>,
        %parallel_loop3A_196 = vector.shape_cast %parallel_loop3A_195 : vector<1x16xf32> to vector<16xf32>
        %parallel_loop3A_197 = arith.constant 11.3137083 : f32
        %parallel_loop3A_198 = vector.broadcast %parallel_loop3A_197 : f32 to vector<16xf32>
        %parallel_loop3A_199 = arith.mulf %parallel_loop3A_196, %parallel_loop3A_198 : vector<16xf32>
        %parallel_loop3A_200 = arith.index_cast %parallel_loop3A_192 : i32 to index
        %parallel_loop3A_201 = arith.constant 0 : index
        %parallel_loop3A_202 = tpu.vector_load %arg6[%parallel_loop3A_200, %parallel_loop3A_201] {strides = array<i32>} : memref<128x128xf32, #tpu.memory_space<vmem>>, vector<1x16xf32>,
        %parallel_loop3A_203 = vector.shape_cast %parallel_loop3A_202 : vector<1x16xf32> to vector<16xf32>
        %parallel_loop3A_204 = arith.addf %parallel_loop3A_199, %parallel_loop3A_203 : vector<16xf32>
        %parallel_loop3A_205 = arith.index_cast %parallel_loop3A_192 : i32 to index
        %parallel_loop3A_206 = arith.constant 0 : index
        %parallel_loop3A_207 = tpu.vector_load %arg7[%parallel_loop3A_205, %parallel_loop3A_206] {strides = array<i32>} : memref<128x128xf32, #tpu.memory_space<vmem>>, vector<1x16xf32>,
        %parallel_loop3A_208 = vector.shape_cast %parallel_loop3A_207 : vector<1x16xf32> to vector<16xf32>
        %parallel_loop3A_209 = vector.shape_cast %parallel_loop3A_204 : vector<16xf32> to vector<1x16xf32>
        tpu.vector_store %arg7[%parallel_loop3A_205, %parallel_loop3A_206], %parallel_loop3A_209 {strides = array<i32>} : memref<128x128xf32, #tpu.memory_space<vmem>>, vector<1x16xf32>,
        %parallel_loop3A_210 = arith.index_cast %parallel_loop3A_192 : i32 to index
        %parallel_loop3A_211 = arith.constant 16 : index
        %parallel_loop3A_212 = tpu.vector_load %arg7[%parallel_loop3A_210, %parallel_loop3A_211] {strides = array<i32>} : memref<128x128xf32, #tpu.memory_space<vmem>>, vector<1x16xf32>,
        %parallel_loop3A_213 = vector.shape_cast %parallel_loop3A_212 : vector<1x16xf32> to vector<16xf32>
        %parallel_loop3A_214 = arith.constant 11.3137083 : f32
        %parallel_loop3A_215 = vector.broadcast %parallel_loop3A_214 : f32 to vector<16xf32>
        %parallel_loop3A_216 = arith.mulf %parallel_loop3A_213, %parallel_loop3A_215 : vector<16xf32>
        %parallel_loop3A_217 = arith.index_cast %parallel_loop3A_192 : i32 to index
        %parallel_loop3A_218 = arith.constant 16 : index
        %parallel_loop3A_219 = tpu.vector_load %arg6[%parallel_loop3A_217, %parallel_loop3A_218] {strides = array<i32>} : memref<128x128xf32, #tpu.memory_space<vmem>>, vector<1x16xf32>,
        %parallel_loop3A_220 = vector.shape_cast %parallel_loop3A_219 : vector<1x16xf32> to vector<16xf32>
        %parallel_loop3A_221 = arith.addf %parallel_loop3A_216, %parallel_loop3A_220 : vector<16xf32>
        %parallel_loop3A_222 = arith.index_cast %parallel_loop3A_192 : i32 to index
        %parallel_loop3A_223 = arith.constant 16 : index
        %parallel_loop3A_224 = tpu.vector_load %arg7[%parallel_loop3A_222, %parallel_loop3A_223] {strides = array<i32>} : memref<128x128xf32, #tpu.memory_space<vmem>>, vector<1x16xf32>,
        %parallel_loop3A_225 = vector.shape_cast %parallel_loop3A_224 : vector<1x16xf32> to vector<16xf32>
        %parallel_loop3A_226 = vector.shape_cast %parallel_loop3A_221 : vector<16xf32> to vector<1x16xf32>
        tpu.vector_store %arg7[%parallel_loop3A_222, %parallel_loop3A_223], %parallel_loop3A_226 {strides = array<i32>} : memref<128x128xf32, #tpu.memory_space<vmem>>, vector<1x16xf32>,
        %parallel_loop3A_227 = arith.index_cast %parallel_loop3A_192 : i32 to index
        %parallel_loop3A_228 = arith.constant 32 : index
        %parallel_loop3A_229 = tpu.vector_load %arg7[%parallel_loop3A_227, %parallel_loop3A_228] {strides = array<i32>} : memref<128x128xf32, #tpu.memory_space<vmem>>, vector<1x16xf32>,
        %parallel_loop3A_230 = vector.shape_cast %parallel_loop3A_229 : vector<1x16xf32> to vector<16xf32>
        %parallel_loop3A_231 = arith.constant 11.3137083 : f32
        %parallel_loop3A_232 = vector.broadcast %parallel_loop3A_231 : f32 to vector<16xf32>
        %parallel_loop3A_233 = arith.mulf %parallel_loop3A_230, %parallel_loop3A_232 : vector<16xf32>
        %parallel_loop3A_234 = arith.index_cast %parallel_loop3A_192 : i32 to index
        %parallel_loop3A_235 = arith.constant 32 : index
        %parallel_loop3A_236 = tpu.vector_load %arg6[%parallel_loop3A_234, %parallel_loop3A_235] {strides = array<i32>} : memref<128x128xf32, #tpu.memory_space<vmem>>, vector<1x16xf32>,
        %parallel_loop3A_237 = vector.shape_cast %parallel_loop3A_236 : vector<1x16xf32> to vector<16xf32>
        %parallel_loop3A_238 = arith.addf %parallel_loop3A_233, %parallel_loop3A_237 : vector<16xf32>
        %parallel_loop3A_239 = arith.index_cast %parallel_loop3A_192 : i32 to index
        %parallel_loop3A_240 = arith.constant 32 : index
        %parallel_loop3A_241 = tpu.vector_load %arg7[%parallel_loop3A_239, %parallel_loop3A_240] {strides = array<i32>} : memref<128x128xf32, #tpu.memory_space<vmem>>, vector<1x16xf32>,
        %parallel_loop3A_242 = vector.shape_cast %parallel_loop3A_241 : vector<1x16xf32> to vector<16xf32>
        %parallel_loop3A_243 = vector.shape_cast %parallel_loop3A_238 : vector<16xf32> to vector<1x16xf32>
        tpu.vector_store %arg7[%parallel_loop3A_239, %parallel_loop3A_240], %parallel_loop3A_243 {strides = array<i32>} : memref<128x128xf32, #tpu.memory_space<vmem>>, vector<1x16xf32>,
        %parallel_loop3A_244 = arith.index_cast %parallel_loop3A_192 : i32 to index
        %parallel_loop3A_245 = arith.constant 48 : index
        %parallel_loop3A_246 = tpu.vector_load %arg7[%parallel_loop3A_244, %parallel_loop3A_245] {strides = array<i32>} : memref<128x128xf32, #tpu.memory_space<vmem>>, vector<1x16xf32>,
        %parallel_loop3A_247 = vector.shape_cast %parallel_loop3A_246 : vector<1x16xf32> to vector<16xf32>
        %parallel_loop3A_248 = arith.constant 11.3137083 : f32
        %parallel_loop3A_249 = vector.broadcast %parallel_loop3A_248 : f32 to vector<16xf32>
        %parallel_loop3A_250 = arith.mulf %parallel_loop3A_247, %parallel_loop3A_249 : vector<16xf32>
        %parallel_loop3A_251 = arith.index_cast %parallel_loop3A_192 : i32 to index
        %parallel_loop3A_252 = arith.constant 48 : index
        %parallel_loop3A_253 = tpu.vector_load %arg6[%parallel_loop3A_251, %parallel_loop3A_252] {strides = array<i32>} : memref<128x128xf32, #tpu.memory_space<vmem>>, vector<1x16xf32>,
        %parallel_loop3A_254 = vector.shape_cast %parallel_loop3A_253 : vector<1x16xf32> to vector<16xf32>
        %parallel_loop3A_255 = arith.addf %parallel_loop3A_250, %parallel_loop3A_254 : vector<16xf32>
        %parallel_loop3A_256 = arith.index_cast %parallel_loop3A_192 : i32 to index
        %parallel_loop3A_257 = arith.constant 48 : index
        %parallel_loop3A_258 = tpu.vector_load %arg7[%parallel_loop3A_256, %parallel_loop3A_257] {strides = array<i32>} : memref<128x128xf32, #tpu.memory_space<vmem>>, vector<1x16xf32>,
        %parallel_loop3A_259 = vector.shape_cast %parallel_loop3A_258 : vector<1x16xf32> to vector<16xf32>
        %parallel_loop3A_260 = vector.shape_cast %parallel_loop3A_255 : vector<16xf32> to vector<1x16xf32>
        tpu.vector_store %arg7[%parallel_loop3A_256, %parallel_loop3A_257], %parallel_loop3A_260 {strides = array<i32>} : memref<128x128xf32, #tpu.memory_space<vmem>>, vector<1x16xf32>,
        %parallel_loop3A_261 = arith.index_cast %parallel_loop3A_192 : i32 to index
        %parallel_loop3A_262 = arith.constant 64 : index
        %parallel_loop3A_263 = tpu.vector_load %arg7[%parallel_loop3A_261, %parallel_loop3A_262] {strides = array<i32>} : memref<128x128xf32, #tpu.memory_space<vmem>>, vector<1x16xf32>,
        %parallel_loop3A_264 = vector.shape_cast %parallel_loop3A_263 : vector<1x16xf32> to vector<16xf32>
        %parallel_loop3A_265 = arith.constant 11.3137083 : f32
        %parallel_loop3A_266 = vector.broadcast %parallel_loop3A_265 : f32 to vector<16xf32>
        %parallel_loop3A_267 = arith.mulf %parallel_loop3A_264, %parallel_loop3A_266 : vector<16xf32>
        %parallel_loop3A_268 = arith.index_cast %parallel_loop3A_192 : i32 to index
        %parallel_loop3A_269 = arith.constant 64 : index
        %parallel_loop3A_270 = tpu.vector_load %arg6[%parallel_loop3A_268, %parallel_loop3A_269] {strides = array<i32>} : memref<128x128xf32, #tpu.memory_space<vmem>>, vector<1x16xf32>,
        %parallel_loop3A_271 = vector.shape_cast %parallel_loop3A_270 : vector<1x16xf32> to vector<16xf32>
        %parallel_loop3A_272 = arith.addf %parallel_loop3A_267, %parallel_loop3A_271 : vector<16xf32>
        %parallel_loop3A_273 = arith.index_cast %parallel_loop3A_192 : i32 to index
        %parallel_loop3A_274 = arith.constant 64 : index
        %parallel_loop3A_275 = tpu.vector_load %arg7[%parallel_loop3A_273, %parallel_loop3A_274] {strides = array<i32>} : memref<128x128xf32, #tpu.memory_space<vmem>>, vector<1x16xf32>,
        %parallel_loop3A_276 = vector.shape_cast %parallel_loop3A_275 : vector<1x16xf32> to vector<16xf32>
        %parallel_loop3A_277 = vector.shape_cast %parallel_loop3A_272 : vector<16xf32> to vector<1x16xf32>
        tpu.vector_store %arg7[%parallel_loop3A_273, %parallel_loop3A_274], %parallel_loop3A_277 {strides = array<i32>} : memref<128x128xf32, #tpu.memory_space<vmem>>, vector<1x16xf32>,
        %parallel_loop3A_278 = arith.index_cast %parallel_loop3A_192 : i32 to index
        %parallel_loop3A_279 = arith.constant 80 : index
        %parallel_loop3A_280 = tpu.vector_load %arg7[%parallel_loop3A_278, %parallel_loop3A_279] {strides = array<i32>} : memref<128x128xf32, #tpu.memory_space<vmem>>, vector<1x16xf32>,
        %parallel_loop3A_281 = vector.shape_cast %parallel_loop3A_280 : vector<1x16xf32> to vector<16xf32>
        %parallel_loop3A_282 = arith.constant 11.3137083 : f32
        %parallel_loop3A_283 = vector.broadcast %parallel_loop3A_282 : f32 to vector<16xf32>
        %parallel_loop3A_284 = arith.mulf %parallel_loop3A_281, %parallel_loop3A_283 : vector<16xf32>
        %parallel_loop3A_285 = arith.index_cast %parallel_loop3A_192 : i32 to index
        %parallel_loop3A_286 = arith.constant 80 : index
        %parallel_loop3A_287 = tpu.vector_load %arg6[%parallel_loop3A_285, %parallel_loop3A_286] {strides = array<i32>} : memref<128x128xf32, #tpu.memory_space<vmem>>, vector<1x16xf32>,
        %parallel_loop3A_288 = vector.shape_cast %parallel_loop3A_287 : vector<1x16xf32> to vector<16xf32>
        %parallel_loop3A_289 = arith.addf %parallel_loop3A_284, %parallel_loop3A_288 : vector<16xf32>
        %parallel_loop3A_290 = arith.index_cast %parallel_loop3A_192 : i32 to index
        %parallel_loop3A_291 = arith.constant 80 : index
        %parallel_loop3A_292 = tpu.vector_load %arg7[%parallel_loop3A_290, %parallel_loop3A_291] {strides = array<i32>} : memref<128x128xf32, #tpu.memory_space<vmem>>, vector<1x16xf32>,
        %parallel_loop3A_293 = vector.shape_cast %parallel_loop3A_292 : vector<1x16xf32> to vector<16xf32>
        %parallel_loop3A_294 = vector.shape_cast %parallel_loop3A_289 : vector<16xf32> to vector<1x16xf32>
        tpu.vector_store %arg7[%parallel_loop3A_290, %parallel_loop3A_291], %parallel_loop3A_294 {strides = array<i32>} : memref<128x128xf32, #tpu.memory_space<vmem>>, vector<1x16xf32>,
        %parallel_loop3A_295 = arith.index_cast %parallel_loop3A_192 : i32 to index
        %parallel_loop3A_296 = arith.constant 96 : index
        %parallel_loop3A_297 = tpu.vector_load %arg7[%parallel_loop3A_295, %parallel_loop3A_296] {strides = array<i32>} : memref<128x128xf32, #tpu.memory_space<vmem>>, vector<1x16xf32>,
        %parallel_loop3A_298 = vector.shape_cast %parallel_loop3A_297 : vector<1x16xf32> to vector<16xf32>
        %parallel_loop3A_299 = arith.constant 11.3137083 : f32
        %parallel_loop3A_300 = vector.broadcast %parallel_loop3A_299 : f32 to vector<16xf32>
        %parallel_loop3A_301 = arith.mulf %parallel_loop3A_298, %parallel_loop3A_300 : vector<16xf32>
        %parallel_loop3A_302 = arith.index_cast %parallel_loop3A_192 : i32 to index
        %parallel_loop3A_303 = arith.constant 96 : index
        %parallel_loop3A_304 = tpu.vector_load %arg6[%parallel_loop3A_302, %parallel_loop3A_303] {strides = array<i32>} : memref<128x128xf32, #tpu.memory_space<vmem>>, vector<1x16xf32>,
        %parallel_loop3A_305 = vector.shape_cast %parallel_loop3A_304 : vector<1x16xf32> to vector<16xf32>
        %parallel_loop3A_306 = arith.addf %parallel_loop3A_301, %parallel_loop3A_305 : vector<16xf32>
        %parallel_loop3A_307 = arith.index_cast %parallel_loop3A_192 : i32 to index
        %parallel_loop3A_308 = arith.constant 96 : index
        %parallel_loop3A_309 = tpu.vector_load %arg7[%parallel_loop3A_307, %parallel_loop3A_308] {strides = array<i32>} : memref<128x128xf32, #tpu.memory_space<vmem>>, vector<1x16xf32>,
        %parallel_loop3A_310 = vector.shape_cast %parallel_loop3A_309 : vector<1x16xf32> to vector<16xf32>
        %parallel_loop3A_311 = vector.shape_cast %parallel_loop3A_306 : vector<16xf32> to vector<1x16xf32>
        tpu.vector_store %arg7[%parallel_loop3A_307, %parallel_loop3A_308], %parallel_loop3A_311 {strides = array<i32>} : memref<128x128xf32, #tpu.memory_space<vmem>>, vector<1x16xf32>,
        %parallel_loop3A_312 = arith.index_cast %parallel_loop3A_192 : i32 to index
        %parallel_loop3A_313 = arith.constant 112 : index
        %parallel_loop3A_314 = tpu.vector_load %arg7[%parallel_loop3A_312, %parallel_loop3A_313] {strides = array<i32>} : memref<128x128xf32, #tpu.memory_space<vmem>>, vector<1x16xf32>,
        %parallel_loop3A_315 = vector.shape_cast %parallel_loop3A_314 : vector<1x16xf32> to vector<16xf32>
        %parallel_loop3A_316 = arith.constant 11.3137083 : f32
        %parallel_loop3A_317 = vector.broadcast %parallel_loop3A_316 : f32 to vector<16xf32>
        %parallel_loop3A_318 = arith.mulf %parallel_loop3A_315, %parallel_loop3A_317 : vector<16xf32>
        %parallel_loop3A_319 = arith.index_cast %parallel_loop3A_192 : i32 to index
        %parallel_loop3A_320 = arith.constant 112 : index
        %parallel_loop3A_321 = tpu.vector_load %arg6[%parallel_loop3A_319, %parallel_loop3A_320] {strides = array<i32>} : memref<128x128xf32, #tpu.memory_space<vmem>>, vector<1x16xf32>,
        %parallel_loop3A_322 = vector.shape_cast %parallel_loop3A_321 : vector<1x16xf32> to vector<16xf32>
        %parallel_loop3A_323 = arith.addf %parallel_loop3A_318, %parallel_loop3A_322 : vector<16xf32>
        %parallel_loop3A_324 = arith.index_cast %parallel_loop3A_192 : i32 to index
        %parallel_loop3A_325 = arith.constant 112 : index
        %parallel_loop3A_326 = tpu.vector_load %arg7[%parallel_loop3A_324, %parallel_loop3A_325] {strides = array<i32>} : memref<128x128xf32, #tpu.memory_space<vmem>>, vector<1x16xf32>,
        %parallel_loop3A_327 = vector.shape_cast %parallel_loop3A_326 : vector<1x16xf32> to vector<16xf32>
        %parallel_loop3A_328 = vector.shape_cast %parallel_loop3A_323 : vector<16xf32> to vector<1x16xf32>
        tpu.vector_store %arg7[%parallel_loop3A_324, %parallel_loop3A_325], %parallel_loop3A_328 {strides = array<i32>} : memref<128x128xf32, #tpu.memory_space<vmem>>, vector<1x16xf32>,
      } {sc.loop_unroll_factor = 4 : i64, sc.parallel_access}
      %mul3A_81 = arith.constant 4096 : i32
      %mul3A_82 = arith.muli %mul3A_81, %add3A_75 : i32
      %add3A_83 = arith.addi %add3A_7, %mul3A_82 : i32
      %dma_start3A_84 = arith.constant 0 : i32
      %dma_start3A_85 = tpu.memref_slice %arg5[%add3A_83, %dma_start3A_84] : memref<524288x128xf32, #tpu.memory_space<hbm>> -> memref<128x128xf32, #tpu.memory_space<hbm>>
      %dma_start3A_86 = arith.constant 0 : i32
      %dma_start3A_87 = tpu.memref_slice %arg5[%add3A_83, %dma_start3A_86] : memref<524288x128xf32, #tpu.memory_space<hbm>> -> memref<128x128xf32, #tpu.memory_space<hbm>>
      tpu.enqueue_dma source(%arg7 : memref<128x128xf32, #tpu.memory_space<vmem>>) target(%dma_start3A_87 : memref<128x128xf32, #tpu.memory_space<hbm>>) target_semaphore(%arg19 : memref<!tpu.dma_semaphore, #tpu.memory_space<semaphore_mem>>)
      %add3A_88 = arith.constant 3 : i32
      %add3A_89 = arith.addi %add3A_75, %add3A_88 : i32
      %lt3A = arith.constant 128 : i32
      %lt3A_90 = arith.cmpi slt, %add3A_89, %lt3A : i32
      %convert_element_type3A = arith.extui %lt3A_90 : i1 to i32
      %cond3A = arith.constant 0 : i32
      %cond3A_91 = arith.cmpi ne, %convert_element_type3A, %cond3A : i32
      scf.if %cond3A_91 {
        %add3A_192 = arith.constant 3 : i32
        %add3A_193 = arith.addi %add3A_75, %add3A_192 : i32
        %mul3A_194 = arith.constant 4096 : i32
        %mul3A_195 = arith.muli %mul3A_194, %add3A_193 : i32
        %add3A_196 = arith.addi %add3A_7, %mul3A_195 : i32
        %dma_start3A_197 = tpu.memref_slice %arg2[%add3A_196] : memref<524288xi32, #tpu.memory_space<hbm>> -> memref<128xi32, #tpu.memory_space<hbm>>
        %dma_start3A_198 = tpu.memref_slice %arg2[%add3A_196] : memref<524288xi32, #tpu.memory_space<hbm>> -> memref<128xi32, #tpu.memory_space<hbm>>
        tpu.enqueue_dma source(%dma_start3A_198 : memref<128xi32, #tpu.memory_space<hbm>>) target(%arg14 : memref<128xi32, #tpu.memory_space<vmem>>) target_semaphore(%arg26 : memref<!tpu.dma_semaphore, #tpu.memory_space<semaphore_mem>>)
      } else {
      }
      %add3A_92 = arith.constant 2 : i32
      %add3A_93 = arith.addi %add3A_75, %add3A_92 : i32
      %lt3A_94 = arith.constant 128 : i32
      %lt3A_95 = arith.cmpi slt, %add3A_93, %lt3A_94 : i32
      %convert_element_type3A_96 = arith.extui %lt3A_95 : i1 to i32
      %cond3A_97 = arith.constant 0 : i32
      %cond3A_98 = arith.cmpi ne, %convert_element_type3A_96, %cond3A_97 : i32
      scf.if %cond3A_98 {
        %ge3A = arith.constant 2 : i32
        %ge3A_192 = arith.cmpi sge, %add3A_75, %ge3A : i32
        %convert_element_type3A_193 = arith.extui %ge3A_192 : i1 to i32
        %cond3A_194 = arith.constant 0 : i32
        %cond3A_195 = arith.cmpi ne, %convert_element_type3A_193, %cond3A_194 : i32
        scf.if %cond3A_195 {
          %sub3A = arith.constant 2 : i32
          %sub3A_208 = arith.subi %add3A_75, %sub3A : i32
          %mul3A_209 = arith.constant 4096 : i32
          %mul3A_210 = arith.muli %mul3A_209, %sub3A_208 : i32
          %add3A_211 = arith.addi %add3A_7, %mul3A_210 : i32
          %dma_wait3A_212 = arith.constant 0 : i32
          %dma_wait3A_213 = tpu.memref_slice %arg5[%add3A_211, %dma_wait3A_212] : memref<524288x128xf32, #tpu.memory_space<hbm>> -> memref<128x128xf32, #tpu.memory_space<hbm>>
          %dma_wait3A_214 = arith.constant 0 : i32
          %dma_wait3A_215 = tpu.memref_slice %arg5[%add3A_211, %dma_wait3A_214] : memref<524288x128xf32, #tpu.memory_space<hbm>> -> memref<128x128xf32, #tpu.memory_space<hbm>>
          tpu.wait_dma2 semaphore(%arg21 : memref<!tpu.dma_semaphore, #tpu.memory_space<semaphore_mem>>) src(%arg9 : memref<128x128xf32, #tpu.memory_space<vmem>>) dst(%dma_wait3A_215 : memref<128x128xf32, #tpu.memory_space<hbm>>)
        } else {
        }
        %add3A_196 = arith.constant 2 : i32
        %add3A_197 = arith.addi %add3A_75, %add3A_196 : i32
        %mul3A_198 = arith.constant 4096 : i32
        %mul3A_199 = arith.muli %mul3A_198, %add3A_197 : i32
        %add3A_200 = arith.addi %add3A_7, %mul3A_199 : i32
        %dma_wait3A_201 = tpu.memref_slice %arg2[%add3A_200] : memref<524288xi32, #tpu.memory_space<hbm>> -> memref<128xi32, #tpu.memory_space<hbm>>
        %dma_wait3A_202 = tpu.memref_slice %arg2[%add3A_200] : memref<524288xi32, #tpu.memory_space<hbm>> -> memref<128xi32, #tpu.memory_space<hbm>>
        tpu.wait_dma2 semaphore(%arg25 : memref<!tpu.dma_semaphore, #tpu.memory_space<semaphore_mem>>) src(%dma_wait3A_202 : memref<128xi32, #tpu.memory_space<hbm>>) dst(%arg13 : memref<128xi32, #tpu.memory_space<vmem>>)
        %add3A_203 = arith.constant 2 : i32
        %add3A_204 = arith.addi %add3A_75, %add3A_203 : i32
        %dma_start3A_205 = arith.constant 0 : i32
        %dma_start3A_206 = arith.constant 0 : i32
        %dma_start3A_207 = tpu.memref_slice %arg3[%dma_start3A_205, %dma_start3A_206] : memref<100000x128xf32, #tpu.memory_space<hbm>> -> memref<100000x128xf32, #tpu.memory_space<hbm>>
        tpu.enqueue_indirect_dma source(%dma_start3A_207 : memref<100000x128xf32, #tpu.memory_space<hbm>>) target(%arg9 : memref<128x128xf32, #tpu.memory_space<vmem>>) offsets(%arg13 : memref<128xi32, #tpu.memory_space<vmem>>) semaphore(%arg17 : memref<!tpu.dma_semaphore, #tpu.memory_space<semaphore_mem>>)
      } else {
      }
      %mul3A_99 = arith.constant 4 : i32
      %mul3A_100 = arith.muli %mul3A_99, %scan3A_71 : i32
      %add3A_101 = arith.constant 1 : i32
      %add3A_102 = arith.addi %mul3A_100, %add3A_101 : i32
      %dma_wait3A_103 = arith.constant 0 : i32
      %dma_wait3A_104 = arith.constant 0 : i32
      %dma_wait3A_105 = tpu.memref_slice %arg3[%dma_wait3A_103, %dma_wait3A_104] : memref<100000x128xf32, #tpu.memory_space<hbm>> -> memref<100000x128xf32, #tpu.memory_space<hbm>>
      tpu.wait_indirect_dma semaphore(%arg16 : memref<!tpu.dma_semaphore, #tpu.memory_space<semaphore_mem>>) src(%dma_wait3A_105 : memref<100000x128xf32, #tpu.memory_space<hbm>>) dst(%arg8 : memref<128x128xf32, #tpu.memory_space<vmem>>)
      %parallel_loop3A_106 = arith.constant 0 : i32
      %parallel_loop3A_107 = arith.constant 128 : i32
      %parallel_loop3A_108 = arith.constant 1 : i32
      scf.for %parallel_loop3A_192 = %parallel_loop3A_106 to %parallel_loop3A_107 step %parallel_loop3A_108  : i32 {
        %parallel_loop3A_193 = arith.index_cast %parallel_loop3A_192 : i32 to index
        %parallel_loop3A_194 = arith.constant 0 : index
        %parallel_loop3A_195 = tpu.vector_load %arg8[%parallel_loop3A_193, %parallel_loop3A_194] {strides = array<i32>} : memref<128x128xf32, #tpu.memory_space<vmem>>, vector<1x16xf32>,
        %parallel_loop3A_196 = vector.shape_cast %parallel_loop3A_195 : vector<1x16xf32> to vector<16xf32>
        %parallel_loop3A_197 = arith.constant 11.3137083 : f32
        %parallel_loop3A_198 = vector.broadcast %parallel_loop3A_197 : f32 to vector<16xf32>
        %parallel_loop3A_199 = arith.mulf %parallel_loop3A_196, %parallel_loop3A_198 : vector<16xf32>
        %parallel_loop3A_200 = arith.index_cast %parallel_loop3A_192 : i32 to index
        %parallel_loop3A_201 = arith.constant 0 : index
        %parallel_loop3A_202 = tpu.vector_load %arg6[%parallel_loop3A_200, %parallel_loop3A_201] {strides = array<i32>} : memref<128x128xf32, #tpu.memory_space<vmem>>, vector<1x16xf32>,
        %parallel_loop3A_203 = vector.shape_cast %parallel_loop3A_202 : vector<1x16xf32> to vector<16xf32>
        %parallel_loop3A_204 = arith.addf %parallel_loop3A_199, %parallel_loop3A_203 : vector<16xf32>
        %parallel_loop3A_205 = arith.index_cast %parallel_loop3A_192 : i32 to index
        %parallel_loop3A_206 = arith.constant 0 : index
        %parallel_loop3A_207 = tpu.vector_load %arg8[%parallel_loop3A_205, %parallel_loop3A_206] {strides = array<i32>} : memref<128x128xf32, #tpu.memory_space<vmem>>, vector<1x16xf32>,
        %parallel_loop3A_208 = vector.shape_cast %parallel_loop3A_207 : vector<1x16xf32> to vector<16xf32>
        %parallel_loop3A_209 = vector.shape_cast %parallel_loop3A_204 : vector<16xf32> to vector<1x16xf32>
        tpu.vector_store %arg8[%parallel_loop3A_205, %parallel_loop3A_206], %parallel_loop3A_209 {strides = array<i32>} : memref<128x128xf32, #tpu.memory_space<vmem>>, vector<1x16xf32>,
        %parallel_loop3A_210 = arith.index_cast %parallel_loop3A_192 : i32 to index
        %parallel_loop3A_211 = arith.constant 16 : index
        %parallel_loop3A_212 = tpu.vector_load %arg8[%parallel_loop3A_210, %parallel_loop3A_211] {strides = array<i32>} : memref<128x128xf32, #tpu.memory_space<vmem>>, vector<1x16xf32>,
        %parallel_loop3A_213 = vector.shape_cast %parallel_loop3A_212 : vector<1x16xf32> to vector<16xf32>
        %parallel_loop3A_214 = arith.constant 11.3137083 : f32
        %parallel_loop3A_215 = vector.broadcast %parallel_loop3A_214 : f32 to vector<16xf32>
        %parallel_loop3A_216 = arith.mulf %parallel_loop3A_213, %parallel_loop3A_215 : vector<16xf32>
        %parallel_loop3A_217 = arith.index_cast %parallel_loop3A_192 : i32 to index
        %parallel_loop3A_218 = arith.constant 16 : index
        %parallel_loop3A_219 = tpu.vector_load %arg6[%parallel_loop3A_217, %parallel_loop3A_218] {strides = array<i32>} : memref<128x128xf32, #tpu.memory_space<vmem>>, vector<1x16xf32>,
        %parallel_loop3A_220 = vector.shape_cast %parallel_loop3A_219 : vector<1x16xf32> to vector<16xf32>
        %parallel_loop3A_221 = arith.addf %parallel_loop3A_216, %parallel_loop3A_220 : vector<16xf32>
        %parallel_loop3A_222 = arith.index_cast %parallel_loop3A_192 : i32 to index
        %parallel_loop3A_223 = arith.constant 16 : index
        %parallel_loop3A_224 = tpu.vector_load %arg8[%parallel_loop3A_222, %parallel_loop3A_223] {strides = array<i32>} : memref<128x128xf32, #tpu.memory_space<vmem>>, vector<1x16xf32>,
        %parallel_loop3A_225 = vector.shape_cast %parallel_loop3A_224 : vector<1x16xf32> to vector<16xf32>
        %parallel_loop3A_226 = vector.shape_cast %parallel_loop3A_221 : vector<16xf32> to vector<1x16xf32>
        tpu.vector_store %arg8[%parallel_loop3A_222, %parallel_loop3A_223], %parallel_loop3A_226 {strides = array<i32>} : memref<128x128xf32, #tpu.memory_space<vmem>>, vector<1x16xf32>,
        %parallel_loop3A_227 = arith.index_cast %parallel_loop3A_192 : i32 to index
        %parallel_loop3A_228 = arith.constant 32 : index
        %parallel_loop3A_229 = tpu.vector_load %arg8[%parallel_loop3A_227, %parallel_loop3A_228] {strides = array<i32>} : memref<128x128xf32, #tpu.memory_space<vmem>>, vector<1x16xf32>,
        %parallel_loop3A_230 = vector.shape_cast %parallel_loop3A_229 : vector<1x16xf32> to vector<16xf32>
        %parallel_loop3A_231 = arith.constant 11.3137083 : f32
        %parallel_loop3A_232 = vector.broadcast %parallel_loop3A_231 : f32 to vector<16xf32>
        %parallel_loop3A_233 = arith.mulf %parallel_loop3A_230, %parallel_loop3A_232 : vector<16xf32>
        %parallel_loop3A_234 = arith.index_cast %parallel_loop3A_192 : i32 to index
        %parallel_loop3A_235 = arith.constant 32 : index
        %parallel_loop3A_236 = tpu.vector_load %arg6[%parallel_loop3A_234, %parallel_loop3A_235] {strides = array<i32>} : memref<128x128xf32, #tpu.memory_space<vmem>>, vector<1x16xf32>,
        %parallel_loop3A_237 = vector.shape_cast %parallel_loop3A_236 : vector<1x16xf32> to vector<16xf32>
        %parallel_loop3A_238 = arith.addf %parallel_loop3A_233, %parallel_loop3A_237 : vector<16xf32>
        %parallel_loop3A_239 = arith.index_cast %parallel_loop3A_192 : i32 to index
        %parallel_loop3A_240 = arith.constant 32 : index
        %parallel_loop3A_241 = tpu.vector_load %arg8[%parallel_loop3A_239, %parallel_loop3A_240] {strides = array<i32>} : memref<128x128xf32, #tpu.memory_space<vmem>>, vector<1x16xf32>,
        %parallel_loop3A_242 = vector.shape_cast %parallel_loop3A_241 : vector<1x16xf32> to vector<16xf32>
        %parallel_loop3A_243 = vector.shape_cast %parallel_loop3A_238 : vector<16xf32> to vector<1x16xf32>
        tpu.vector_store %arg8[%parallel_loop3A_239, %parallel_loop3A_240], %parallel_loop3A_243 {strides = array<i32>} : memref<128x128xf32, #tpu.memory_space<vmem>>, vector<1x16xf32>,
        %parallel_loop3A_244 = arith.index_cast %parallel_loop3A_192 : i32 to index
        %parallel_loop3A_245 = arith.constant 48 : index
        %parallel_loop3A_246 = tpu.vector_load %arg8[%parallel_loop3A_244, %parallel_loop3A_245] {strides = array<i32>} : memref<128x128xf32, #tpu.memory_space<vmem>>, vector<1x16xf32>,
        %parallel_loop3A_247 = vector.shape_cast %parallel_loop3A_246 : vector<1x16xf32> to vector<16xf32>
        %parallel_loop3A_248 = arith.constant 11.3137083 : f32
        %parallel_loop3A_249 = vector.broadcast %parallel_loop3A_248 : f32 to vector<16xf32>
        %parallel_loop3A_250 = arith.mulf %parallel_loop3A_247, %parallel_loop3A_249 : vector<16xf32>
        %parallel_loop3A_251 = arith.index_cast %parallel_loop3A_192 : i32 to index
        %parallel_loop3A_252 = arith.constant 48 : index
        %parallel_loop3A_253 = tpu.vector_load %arg6[%parallel_loop3A_251, %parallel_loop3A_252] {strides = array<i32>} : memref<128x128xf32, #tpu.memory_space<vmem>>, vector<1x16xf32>,
        %parallel_loop3A_254 = vector.shape_cast %parallel_loop3A_253 : vector<1x16xf32> to vector<16xf32>
        %parallel_loop3A_255 = arith.addf %parallel_loop3A_250, %parallel_loop3A_254 : vector<16xf32>
        %parallel_loop3A_256 = arith.index_cast %parallel_loop3A_192 : i32 to index
        %parallel_loop3A_257 = arith.constant 48 : index
        %parallel_loop3A_258 = tpu.vector_load %arg8[%parallel_loop3A_256, %parallel_loop3A_257] {strides = array<i32>} : memref<128x128xf32, #tpu.memory_space<vmem>>, vector<1x16xf32>,
        %parallel_loop3A_259 = vector.shape_cast %parallel_loop3A_258 : vector<1x16xf32> to vector<16xf32>
        %parallel_loop3A_260 = vector.shape_cast %parallel_loop3A_255 : vector<16xf32> to vector<1x16xf32>
        tpu.vector_store %arg8[%parallel_loop3A_256, %parallel_loop3A_257], %parallel_loop3A_260 {strides = array<i32>} : memref<128x128xf32, #tpu.memory_space<vmem>>, vector<1x16xf32>,
        %parallel_loop3A_261 = arith.index_cast %parallel_loop3A_192 : i32 to index
        %parallel_loop3A_262 = arith.constant 64 : index
        %parallel_loop3A_263 = tpu.vector_load %arg8[%parallel_loop3A_261, %parallel_loop3A_262] {strides = array<i32>} : memref<128x128xf32, #tpu.memory_space<vmem>>, vector<1x16xf32>,
        %parallel_loop3A_264 = vector.shape_cast %parallel_loop3A_263 : vector<1x16xf32> to vector<16xf32>
        %parallel_loop3A_265 = arith.constant 11.3137083 : f32
        %parallel_loop3A_266 = vector.broadcast %parallel_loop3A_265 : f32 to vector<16xf32>
        %parallel_loop3A_267 = arith.mulf %parallel_loop3A_264, %parallel_loop3A_266 : vector<16xf32>
        %parallel_loop3A_268 = arith.index_cast %parallel_loop3A_192 : i32 to index
        %parallel_loop3A_269 = arith.constant 64 : index
        %parallel_loop3A_270 = tpu.vector_load %arg6[%parallel_loop3A_268, %parallel_loop3A_269] {strides = array<i32>} : memref<128x128xf32, #tpu.memory_space<vmem>>, vector<1x16xf32>,
        %parallel_loop3A_271 = vector.shape_cast %parallel_loop3A_270 : vector<1x16xf32> to vector<16xf32>
        %parallel_loop3A_272 = arith.addf %parallel_loop3A_267, %parallel_loop3A_271 : vector<16xf32>
        %parallel_loop3A_273 = arith.index_cast %parallel_loop3A_192 : i32 to index
        %parallel_loop3A_274 = arith.constant 64 : index
        %parallel_loop3A_275 = tpu.vector_load %arg8[%parallel_loop3A_273, %parallel_loop3A_274] {strides = array<i32>} : memref<128x128xf32, #tpu.memory_space<vmem>>, vector<1x16xf32>,
        %parallel_loop3A_276 = vector.shape_cast %parallel_loop3A_275 : vector<1x16xf32> to vector<16xf32>
        %parallel_loop3A_277 = vector.shape_cast %parallel_loop3A_272 : vector<16xf32> to vector<1x16xf32>
        tpu.vector_store %arg8[%parallel_loop3A_273, %parallel_loop3A_274], %parallel_loop3A_277 {strides = array<i32>} : memref<128x128xf32, #tpu.memory_space<vmem>>, vector<1x16xf32>,
        %parallel_loop3A_278 = arith.index_cast %parallel_loop3A_192 : i32 to index
        %parallel_loop3A_279 = arith.constant 80 : index
        %parallel_loop3A_280 = tpu.vector_load %arg8[%parallel_loop3A_278, %parallel_loop3A_279] {strides = array<i32>} : memref<128x128xf32, #tpu.memory_space<vmem>>, vector<1x16xf32>,
        %parallel_loop3A_281 = vector.shape_cast %parallel_loop3A_280 : vector<1x16xf32> to vector<16xf32>
        %parallel_loop3A_282 = arith.constant 11.3137083 : f32
        %parallel_loop3A_283 = vector.broadcast %parallel_loop3A_282 : f32 to vector<16xf32>
        %parallel_loop3A_284 = arith.mulf %parallel_loop3A_281, %parallel_loop3A_283 : vector<16xf32>
        %parallel_loop3A_285 = arith.index_cast %parallel_loop3A_192 : i32 to index
        %parallel_loop3A_286 = arith.constant 80 : index
        %parallel_loop3A_287 = tpu.vector_load %arg6[%parallel_loop3A_285, %parallel_loop3A_286] {strides = array<i32>} : memref<128x128xf32, #tpu.memory_space<vmem>>, vector<1x16xf32>,
        %parallel_loop3A_288 = vector.shape_cast %parallel_loop3A_287 : vector<1x16xf32> to vector<16xf32>
        %parallel_loop3A_289 = arith.addf %parallel_loop3A_284, %parallel_loop3A_288 : vector<16xf32>
        %parallel_loop3A_290 = arith.index_cast %parallel_loop3A_192 : i32 to index
        %parallel_loop3A_291 = arith.constant 80 : index
        %parallel_loop3A_292 = tpu.vector_load %arg8[%parallel_loop3A_290, %parallel_loop3A_291] {strides = array<i32>} : memref<128x128xf32, #tpu.memory_space<vmem>>, vector<1x16xf32>,
        %parallel_loop3A_293 = vector.shape_cast %parallel_loop3A_292 : vector<1x16xf32> to vector<16xf32>
        %parallel_loop3A_294 = vector.shape_cast %parallel_loop3A_289 : vector<16xf32> to vector<1x16xf32>
        tpu.vector_store %arg8[%parallel_loop3A_290, %parallel_loop3A_291], %parallel_loop3A_294 {strides = array<i32>} : memref<128x128xf32, #tpu.memory_space<vmem>>, vector<1x16xf32>,
        %parallel_loop3A_295 = arith.index_cast %parallel_loop3A_192 : i32 to index
        %parallel_loop3A_296 = arith.constant 96 : index
        %parallel_loop3A_297 = tpu.vector_load %arg8[%parallel_loop3A_295, %parallel_loop3A_296] {strides = array<i32>} : memref<128x128xf32, #tpu.memory_space<vmem>>, vector<1x16xf32>,
        %parallel_loop3A_298 = vector.shape_cast %parallel_loop3A_297 : vector<1x16xf32> to vector<16xf32>
        %parallel_loop3A_299 = arith.constant 11.3137083 : f32
        %parallel_loop3A_300 = vector.broadcast %parallel_loop3A_299 : f32 to vector<16xf32>
        %parallel_loop3A_301 = arith.mulf %parallel_loop3A_298, %parallel_loop3A_300 : vector<16xf32>
        %parallel_loop3A_302 = arith.index_cast %parallel_loop3A_192 : i32 to index
        %parallel_loop3A_303 = arith.constant 96 : index
        %parallel_loop3A_304 = tpu.vector_load %arg6[%parallel_loop3A_302, %parallel_loop3A_303] {strides = array<i32>} : memref<128x128xf32, #tpu.memory_space<vmem>>, vector<1x16xf32>,
        %parallel_loop3A_305 = vector.shape_cast %parallel_loop3A_304 : vector<1x16xf32> to vector<16xf32>
        %parallel_loop3A_306 = arith.addf %parallel_loop3A_301, %parallel_loop3A_305 : vector<16xf32>
        %parallel_loop3A_307 = arith.index_cast %parallel_loop3A_192 : i32 to index
        %parallel_loop3A_308 = arith.constant 96 : index
        %parallel_loop3A_309 = tpu.vector_load %arg8[%parallel_loop3A_307, %parallel_loop3A_308] {strides = array<i32>} : memref<128x128xf32, #tpu.memory_space<vmem>>, vector<1x16xf32>,
        %parallel_loop3A_310 = vector.shape_cast %parallel_loop3A_309 : vector<1x16xf32> to vector<16xf32>
        %parallel_loop3A_311 = vector.shape_cast %parallel_loop3A_306 : vector<16xf32> to vector<1x16xf32>
        tpu.vector_store %arg8[%parallel_loop3A_307, %parallel_loop3A_308], %parallel_loop3A_311 {strides = array<i32>} : memref<128x128xf32, #tpu.memory_space<vmem>>, vector<1x16xf32>,
        %parallel_loop3A_312 = arith.index_cast %parallel_loop3A_192 : i32 to index
        %parallel_loop3A_313 = arith.constant 112 : index
        %parallel_loop3A_314 = tpu.vector_load %arg8[%parallel_loop3A_312, %parallel_loop3A_313] {strides = array<i32>} : memref<128x128xf32, #tpu.memory_space<vmem>>, vector<1x16xf32>,
        %parallel_loop3A_315 = vector.shape_cast %parallel_loop3A_314 : vector<1x16xf32> to vector<16xf32>
        %parallel_loop3A_316 = arith.constant 11.3137083 : f32
        %parallel_loop3A_317 = vector.broadcast %parallel_loop3A_316 : f32 to vector<16xf32>
        %parallel_loop3A_318 = arith.mulf %parallel_loop3A_315, %parallel_loop3A_317 : vector<16xf32>
        %parallel_loop3A_319 = arith.index_cast %parallel_loop3A_192 : i32 to index
        %parallel_loop3A_320 = arith.constant 112 : index
        %parallel_loop3A_321 = tpu.vector_load %arg6[%parallel_loop3A_319, %parallel_loop3A_320] {strides = array<i32>} : memref<128x128xf32, #tpu.memory_space<vmem>>, vector<1x16xf32>,
        %parallel_loop3A_322 = vector.shape_cast %parallel_loop3A_321 : vector<1x16xf32> to vector<16xf32>
        %parallel_loop3A_323 = arith.addf %parallel_loop3A_318, %parallel_loop3A_322 : vector<16xf32>
        %parallel_loop3A_324 = arith.index_cast %parallel_loop3A_192 : i32 to index
        %parallel_loop3A_325 = arith.constant 112 : index
        %parallel_loop3A_326 = tpu.vector_load %arg8[%parallel_loop3A_324, %parallel_loop3A_325] {strides = array<i32>} : memref<128x128xf32, #tpu.memory_space<vmem>>, vector<1x16xf32>,
        %parallel_loop3A_327 = vector.shape_cast %parallel_loop3A_326 : vector<1x16xf32> to vector<16xf32>
        %parallel_loop3A_328 = vector.shape_cast %parallel_loop3A_323 : vector<16xf32> to vector<1x16xf32>
        tpu.vector_store %arg8[%parallel_loop3A_324, %parallel_loop3A_325], %parallel_loop3A_328 {strides = array<i32>} : memref<128x128xf32, #tpu.memory_space<vmem>>, vector<1x16xf32>,
      } {sc.loop_unroll_factor = 4 : i64, sc.parallel_access}
      %mul3A_109 = arith.constant 4096 : i32
      %mul3A_110 = arith.muli %mul3A_109, %add3A_102 : i32
      %add3A_111 = arith.addi %add3A_7, %mul3A_110 : i32
      %dma_start3A_112 = arith.constant 0 : i32
      %dma_start3A_113 = tpu.memref_slice %arg5[%add3A_111, %dma_start3A_112] : memref<524288x128xf32, #tpu.memory_space<hbm>> -> memref<128x128xf32, #tpu.memory_space<hbm>>
      %dma_start3A_114 = arith.constant 0 : i32
      %dma_start3A_115 = tpu.memref_slice %arg5[%add3A_111, %dma_start3A_114] : memref<524288x128xf32, #tpu.memory_space<hbm>> -> memref<128x128xf32, #tpu.memory_space<hbm>>
      tpu.enqueue_dma source(%arg8 : memref<128x128xf32, #tpu.memory_space<vmem>>) target(%dma_start3A_115 : memref<128x128xf32, #tpu.memory_space<hbm>>) target_semaphore(%arg20 : memref<!tpu.dma_semaphore, #tpu.memory_space<semaphore_mem>>)
      %add3A_116 = arith.constant 3 : i32
      %add3A_117 = arith.addi %add3A_102, %add3A_116 : i32
      %lt3A_118 = arith.constant 128 : i32
      %lt3A_119 = arith.cmpi slt, %add3A_117, %lt3A_118 : i32
      %convert_element_type3A_120 = arith.extui %lt3A_119 : i1 to i32
      %cond3A_121 = arith.constant 0 : i32
      %cond3A_122 = arith.cmpi ne, %convert_element_type3A_120, %cond3A_121 : i32
      scf.if %cond3A_122 {
        %add3A_192 = arith.constant 3 : i32
        %add3A_193 = arith.addi %add3A_102, %add3A_192 : i32
        %mul3A_194 = arith.constant 4096 : i32
        %mul3A_195 = arith.muli %mul3A_194, %add3A_193 : i32
        %add3A_196 = arith.addi %add3A_7, %mul3A_195 : i32
        %dma_start3A_197 = tpu.memref_slice %arg2[%add3A_196] : memref<524288xi32, #tpu.memory_space<hbm>> -> memref<128xi32, #tpu.memory_space<hbm>>
        %dma_start3A_198 = tpu.memref_slice %arg2[%add3A_196] : memref<524288xi32, #tpu.memory_space<hbm>> -> memref<128xi32, #tpu.memory_space<hbm>>
        tpu.enqueue_dma source(%dma_start3A_198 : memref<128xi32, #tpu.memory_space<hbm>>) target(%arg11 : memref<128xi32, #tpu.memory_space<vmem>>) target_semaphore(%arg23 : memref<!tpu.dma_semaphore, #tpu.memory_space<semaphore_mem>>)
      } else {
      }
      %add3A_123 = arith.constant 2 : i32
      %add3A_124 = arith.addi %add3A_102, %add3A_123 : i32
      %lt3A_125 = arith.constant 128 : i32
      %lt3A_126 = arith.cmpi slt, %add3A_124, %lt3A_125 : i32
      %convert_element_type3A_127 = arith.extui %lt3A_126 : i1 to i32
      %cond3A_128 = arith.constant 0 : i32
      %cond3A_129 = arith.cmpi ne, %convert_element_type3A_127, %cond3A_128 : i32
      scf.if %cond3A_129 {
        %ge3A = arith.constant 2 : i32
        %ge3A_192 = arith.cmpi sge, %add3A_102, %ge3A : i32
        %convert_element_type3A_193 = arith.extui %ge3A_192 : i1 to i32
        %cond3A_194 = arith.constant 0 : i32
        %cond3A_195 = arith.cmpi ne, %convert_element_type3A_193, %cond3A_194 : i32
        scf.if %cond3A_195 {
          %sub3A = arith.constant 2 : i32
          %sub3A_208 = arith.subi %add3A_102, %sub3A : i32
          %mul3A_209 = arith.constant 4096 : i32
          %mul3A_210 = arith.muli %mul3A_209, %sub3A_208 : i32
          %add3A_211 = arith.addi %add3A_7, %mul3A_210 : i32
          %dma_wait3A_212 = arith.constant 0 : i32
          %dma_wait3A_213 = tpu.memref_slice %arg5[%add3A_211, %dma_wait3A_212] : memref<524288x128xf32, #tpu.memory_space<hbm>> -> memref<128x128xf32, #tpu.memory_space<hbm>>
          %dma_wait3A_214 = arith.constant 0 : i32
          %dma_wait3A_215 = tpu.memref_slice %arg5[%add3A_211, %dma_wait3A_214] : memref<524288x128xf32, #tpu.memory_space<hbm>> -> memref<128x128xf32, #tpu.memory_space<hbm>>
          tpu.wait_dma2 semaphore(%arg22 : memref<!tpu.dma_semaphore, #tpu.memory_space<semaphore_mem>>) src(%arg10 : memref<128x128xf32, #tpu.memory_space<vmem>>) dst(%dma_wait3A_215 : memref<128x128xf32, #tpu.memory_space<hbm>>)
        } else {
        }
        %add3A_196 = arith.constant 2 : i32
        %add3A_197 = arith.addi %add3A_102, %add3A_196 : i32
        %mul3A_198 = arith.constant 4096 : i32
        %mul3A_199 = arith.muli %mul3A_198, %add3A_197 : i32
        %add3A_200 = arith.addi %add3A_7, %mul3A_199 : i32
        %dma_wait3A_201 = tpu.memref_slice %arg2[%add3A_200] : memref<524288xi32, #tpu.memory_space<hbm>> -> memref<128xi32, #tpu.memory_space<hbm>>
        %dma_wait3A_202 = tpu.memref_slice %arg2[%add3A_200] : memref<524288xi32, #tpu.memory_space<hbm>> -> memref<128xi32, #tpu.memory_space<hbm>>
        tpu.wait_dma2 semaphore(%arg26 : memref<!tpu.dma_semaphore, #tpu.memory_space<semaphore_mem>>) src(%dma_wait3A_202 : memref<128xi32, #tpu.memory_space<hbm>>) dst(%arg14 : memref<128xi32, #tpu.memory_space<vmem>>)
        %add3A_203 = arith.constant 2 : i32
        %add3A_204 = arith.addi %add3A_102, %add3A_203 : i32
        %dma_start3A_205 = arith.constant 0 : i32
        %dma_start3A_206 = arith.constant 0 : i32
        %dma_start3A_207 = tpu.memref_slice %arg3[%dma_start3A_205, %dma_start3A_206] : memref<100000x128xf32, #tpu.memory_space<hbm>> -> memref<100000x128xf32, #tpu.memory_space<hbm>>
        tpu.enqueue_indirect_dma source(%dma_start3A_207 : memref<100000x128xf32, #tpu.memory_space<hbm>>) target(%arg10 : memref<128x128xf32, #tpu.memory_space<vmem>>) offsets(%arg14 : memref<128xi32, #tpu.memory_space<vmem>>) semaphore(%arg18 : memref<!tpu.dma_semaphore, #tpu.memory_space<semaphore_mem>>)
      } else {
      }
      %mul3A_130 = arith.constant 4 : i32
      %mul3A_131 = arith.muli %mul3A_130, %scan3A_71 : i32
      %add3A_132 = arith.constant 2 : i32
      %add3A_133 = arith.addi %mul3A_131, %add3A_132 : i32
      %dma_wait3A_134 = arith.constant 0 : i32
      %dma_wait3A_135 = arith.constant 0 : i32
      %dma_wait3A_136 = tpu.memref_slice %arg3[%dma_wait3A_134, %dma_wait3A_135] : memref<100000x128xf32, #tpu.memory_space<hbm>> -> memref<100000x128xf32, #tpu.memory_space<hbm>>
      tpu.wait_indirect_dma semaphore(%arg17 : memref<!tpu.dma_semaphore, #tpu.memory_space<semaphore_mem>>) src(%dma_wait3A_136 : memref<100000x128xf32, #tpu.memory_space<hbm>>) dst(%arg9 : memref<128x128xf32, #tpu.memory_space<vmem>>)
      %parallel_loop3A_137 = arith.constant 0 : i32
      %parallel_loop3A_138 = arith.constant 128 : i32
      %parallel_loop3A_139 = arith.constant 1 : i32
      scf.for %parallel_loop3A_192 = %parallel_loop3A_137 to %parallel_loop3A_138 step %parallel_loop3A_139  : i32 {
        %parallel_loop3A_193 = arith.index_cast %parallel_loop3A_192 : i32 to index
        %parallel_loop3A_194 = arith.constant 0 : index
        %parallel_loop3A_195 = tpu.vector_load %arg9[%parallel_loop3A_193, %parallel_loop3A_194] {strides = array<i32>} : memref<128x128xf32, #tpu.memory_space<vmem>>, vector<1x16xf32>,
        %parallel_loop3A_196 = vector.shape_cast %parallel_loop3A_195 : vector<1x16xf32> to vector<16xf32>
        %parallel_loop3A_197 = arith.constant 11.3137083 : f32
        %parallel_loop3A_198 = vector.broadcast %parallel_loop3A_197 : f32 to vector<16xf32>
        %parallel_loop3A_199 = arith.mulf %parallel_loop3A_196, %parallel_loop3A_198 : vector<16xf32>
        %parallel_loop3A_200 = arith.index_cast %parallel_loop3A_192 : i32 to index
        %parallel_loop3A_201 = arith.constant 0 : index
        %parallel_loop3A_202 = tpu.vector_load %arg6[%parallel_loop3A_200, %parallel_loop3A_201] {strides = array<i32>} : memref<128x128xf32, #tpu.memory_space<vmem>>, vector<1x16xf32>,
        %parallel_loop3A_203 = vector.shape_cast %parallel_loop3A_202 : vector<1x16xf32> to vector<16xf32>
        %parallel_loop3A_204 = arith.addf %parallel_loop3A_199, %parallel_loop3A_203 : vector<16xf32>
        %parallel_loop3A_205 = arith.index_cast %parallel_loop3A_192 : i32 to index
        %parallel_loop3A_206 = arith.constant 0 : index
        %parallel_loop3A_207 = tpu.vector_load %arg9[%parallel_loop3A_205, %parallel_loop3A_206] {strides = array<i32>} : memref<128x128xf32, #tpu.memory_space<vmem>>, vector<1x16xf32>,
        %parallel_loop3A_208 = vector.shape_cast %parallel_loop3A_207 : vector<1x16xf32> to vector<16xf32>
        %parallel_loop3A_209 = vector.shape_cast %parallel_loop3A_204 : vector<16xf32> to vector<1x16xf32>
        tpu.vector_store %arg9[%parallel_loop3A_205, %parallel_loop3A_206], %parallel_loop3A_209 {strides = array<i32>} : memref<128x128xf32, #tpu.memory_space<vmem>>, vector<1x16xf32>,
        %parallel_loop3A_210 = arith.index_cast %parallel_loop3A_192 : i32 to index
        %parallel_loop3A_211 = arith.constant 16 : index
        %parallel_loop3A_212 = tpu.vector_load %arg9[%parallel_loop3A_210, %parallel_loop3A_211] {strides = array<i32>} : memref<128x128xf32, #tpu.memory_space<vmem>>, vector<1x16xf32>,
        %parallel_loop3A_213 = vector.shape_cast %parallel_loop3A_212 : vector<1x16xf32> to vector<16xf32>
        %parallel_loop3A_214 = arith.constant 11.3137083 : f32
        %parallel_loop3A_215 = vector.broadcast %parallel_loop3A_214 : f32 to vector<16xf32>
        %parallel_loop3A_216 = arith.mulf %parallel_loop3A_213, %parallel_loop3A_215 : vector<16xf32>
        %parallel_loop3A_217 = arith.index_cast %parallel_loop3A_192 : i32 to index
        %parallel_loop3A_218 = arith.constant 16 : index
        %parallel_loop3A_219 = tpu.vector_load %arg6[%parallel_loop3A_217, %parallel_loop3A_218] {strides = array<i32>} : memref<128x128xf32, #tpu.memory_space<vmem>>, vector<1x16xf32>,
        %parallel_loop3A_220 = vector.shape_cast %parallel_loop3A_219 : vector<1x16xf32> to vector<16xf32>
        %parallel_loop3A_221 = arith.addf %parallel_loop3A_216, %parallel_loop3A_220 : vector<16xf32>
        %parallel_loop3A_222 = arith.index_cast %parallel_loop3A_192 : i32 to index
        %parallel_loop3A_223 = arith.constant 16 : index
        %parallel_loop3A_224 = tpu.vector_load %arg9[%parallel_loop3A_222, %parallel_loop3A_223] {strides = array<i32>} : memref<128x128xf32, #tpu.memory_space<vmem>>, vector<1x16xf32>,
        %parallel_loop3A_225 = vector.shape_cast %parallel_loop3A_224 : vector<1x16xf32> to vector<16xf32>
        %parallel_loop3A_226 = vector.shape_cast %parallel_loop3A_221 : vector<16xf32> to vector<1x16xf32>
        tpu.vector_store %arg9[%parallel_loop3A_222, %parallel_loop3A_223], %parallel_loop3A_226 {strides = array<i32>} : memref<128x128xf32, #tpu.memory_space<vmem>>, vector<1x16xf32>,
        %parallel_loop3A_227 = arith.index_cast %parallel_loop3A_192 : i32 to index
        %parallel_loop3A_228 = arith.constant 32 : index
        %parallel_loop3A_229 = tpu.vector_load %arg9[%parallel_loop3A_227, %parallel_loop3A_228] {strides = array<i32>} : memref<128x128xf32, #tpu.memory_space<vmem>>, vector<1x16xf32>,
        %parallel_loop3A_230 = vector.shape_cast %parallel_loop3A_229 : vector<1x16xf32> to vector<16xf32>
        %parallel_loop3A_231 = arith.constant 11.3137083 : f32
        %parallel_loop3A_232 = vector.broadcast %parallel_loop3A_231 : f32 to vector<16xf32>
        %parallel_loop3A_233 = arith.mulf %parallel_loop3A_230, %parallel_loop3A_232 : vector<16xf32>
        %parallel_loop3A_234 = arith.index_cast %parallel_loop3A_192 : i32 to index
        %parallel_loop3A_235 = arith.constant 32 : index
        %parallel_loop3A_236 = tpu.vector_load %arg6[%parallel_loop3A_234, %parallel_loop3A_235] {strides = array<i32>} : memref<128x128xf32, #tpu.memory_space<vmem>>, vector<1x16xf32>,
        %parallel_loop3A_237 = vector.shape_cast %parallel_loop3A_236 : vector<1x16xf32> to vector<16xf32>
        %parallel_loop3A_238 = arith.addf %parallel_loop3A_233, %parallel_loop3A_237 : vector<16xf32>
        %parallel_loop3A_239 = arith.index_cast %parallel_loop3A_192 : i32 to index
        %parallel_loop3A_240 = arith.constant 32 : index
        %parallel_loop3A_241 = tpu.vector_load %arg9[%parallel_loop3A_239, %parallel_loop3A_240] {strides = array<i32>} : memref<128x128xf32, #tpu.memory_space<vmem>>, vector<1x16xf32>,
        %parallel_loop3A_242 = vector.shape_cast %parallel_loop3A_241 : vector<1x16xf32> to vector<16xf32>
        %parallel_loop3A_243 = vector.shape_cast %parallel_loop3A_238 : vector<16xf32> to vector<1x16xf32>
        tpu.vector_store %arg9[%parallel_loop3A_239, %parallel_loop3A_240], %parallel_loop3A_243 {strides = array<i32>} : memref<128x128xf32, #tpu.memory_space<vmem>>, vector<1x16xf32>,
        %parallel_loop3A_244 = arith.index_cast %parallel_loop3A_192 : i32 to index
        %parallel_loop3A_245 = arith.constant 48 : index
        %parallel_loop3A_246 = tpu.vector_load %arg9[%parallel_loop3A_244, %parallel_loop3A_245] {strides = array<i32>} : memref<128x128xf32, #tpu.memory_space<vmem>>, vector<1x16xf32>,
        %parallel_loop3A_247 = vector.shape_cast %parallel_loop3A_246 : vector<1x16xf32> to vector<16xf32>
        %parallel_loop3A_248 = arith.constant 11.3137083 : f32
        %parallel_loop3A_249 = vector.broadcast %parallel_loop3A_248 : f32 to vector<16xf32>
        %parallel_loop3A_250 = arith.mulf %parallel_loop3A_247, %parallel_loop3A_249 : vector<16xf32>
        %parallel_loop3A_251 = arith.index_cast %parallel_loop3A_192 : i32 to index
        %parallel_loop3A_252 = arith.constant 48 : index
        %parallel_loop3A_253 = tpu.vector_load %arg6[%parallel_loop3A_251, %parallel_loop3A_252] {strides = array<i32>} : memref<128x128xf32, #tpu.memory_space<vmem>>, vector<1x16xf32>,
        %parallel_loop3A_254 = vector.shape_cast %parallel_loop3A_253 : vector<1x16xf32> to vector<16xf32>
        %parallel_loop3A_255 = arith.addf %parallel_loop3A_250, %parallel_loop3A_254 : vector<16xf32>
        %parallel_loop3A_256 = arith.index_cast %parallel_loop3A_192 : i32 to index
        %parallel_loop3A_257 = arith.constant 48 : index
        %parallel_loop3A_258 = tpu.vector_load %arg9[%parallel_loop3A_256, %parallel_loop3A_257] {strides = array<i32>} : memref<128x128xf32, #tpu.memory_space<vmem>>, vector<1x16xf32>,
        %parallel_loop3A_259 = vector.shape_cast %parallel_loop3A_258 : vector<1x16xf32> to vector<16xf32>
        %parallel_loop3A_260 = vector.shape_cast %parallel_loop3A_255 : vector<16xf32> to vector<1x16xf32>
        tpu.vector_store %arg9[%parallel_loop3A_256, %parallel_loop3A_257], %parallel_loop3A_260 {strides = array<i32>} : memref<128x128xf32, #tpu.memory_space<vmem>>, vector<1x16xf32>,
        %parallel_loop3A_261 = arith.index_cast %parallel_loop3A_192 : i32 to index
        %parallel_loop3A_262 = arith.constant 64 : index
        %parallel_loop3A_263 = tpu.vector_load %arg9[%parallel_loop3A_261, %parallel_loop3A_262] {strides = array<i32>} : memref<128x128xf32, #tpu.memory_space<vmem>>, vector<1x16xf32>,
        %parallel_loop3A_264 = vector.shape_cast %parallel_loop3A_263 : vector<1x16xf32> to vector<16xf32>
        %parallel_loop3A_265 = arith.constant 11.3137083 : f32
        %parallel_loop3A_266 = vector.broadcast %parallel_loop3A_265 : f32 to vector<16xf32>
        %parallel_loop3A_267 = arith.mulf %parallel_loop3A_264, %parallel_loop3A_266 : vector<16xf32>
        %parallel_loop3A_268 = arith.index_cast %parallel_loop3A_192 : i32 to index
        %parallel_loop3A_269 = arith.constant 64 : index
        %parallel_loop3A_270 = tpu.vector_load %arg6[%parallel_loop3A_268, %parallel_loop3A_269] {strides = array<i32>} : memref<128x128xf32, #tpu.memory_space<vmem>>, vector<1x16xf32>,
        %parallel_loop3A_271 = vector.shape_cast %parallel_loop3A_270 : vector<1x16xf32> to vector<16xf32>
        %parallel_loop3A_272 = arith.addf %parallel_loop3A_267, %parallel_loop3A_271 : vector<16xf32>
        %parallel_loop3A_273 = arith.index_cast %parallel_loop3A_192 : i32 to index
        %parallel_loop3A_274 = arith.constant 64 : index
        %parallel_loop3A_275 = tpu.vector_load %arg9[%parallel_loop3A_273, %parallel_loop3A_274] {strides = array<i32>} : memref<128x128xf32, #tpu.memory_space<vmem>>, vector<1x16xf32>,
        %parallel_loop3A_276 = vector.shape_cast %parallel_loop3A_275 : vector<1x16xf32> to vector<16xf32>
        %parallel_loop3A_277 = vector.shape_cast %parallel_loop3A_272 : vector<16xf32> to vector<1x16xf32>
        tpu.vector_store %arg9[%parallel_loop3A_273, %parallel_loop3A_274], %parallel_loop3A_277 {strides = array<i32>} : memref<128x128xf32, #tpu.memory_space<vmem>>, vector<1x16xf32>,
        %parallel_loop3A_278 = arith.index_cast %parallel_loop3A_192 : i32 to index
        %parallel_loop3A_279 = arith.constant 80 : index
        %parallel_loop3A_280 = tpu.vector_load %arg9[%parallel_loop3A_278, %parallel_loop3A_279] {strides = array<i32>} : memref<128x128xf32, #tpu.memory_space<vmem>>, vector<1x16xf32>,
        %parallel_loop3A_281 = vector.shape_cast %parallel_loop3A_280 : vector<1x16xf32> to vector<16xf32>
        %parallel_loop3A_282 = arith.constant 11.3137083 : f32
        %parallel_loop3A_283 = vector.broadcast %parallel_loop3A_282 : f32 to vector<16xf32>
        %parallel_loop3A_284 = arith.mulf %parallel_loop3A_281, %parallel_loop3A_283 : vector<16xf32>
        %parallel_loop3A_285 = arith.index_cast %parallel_loop3A_192 : i32 to index
        %parallel_loop3A_286 = arith.constant 80 : index
        %parallel_loop3A_287 = tpu.vector_load %arg6[%parallel_loop3A_285, %parallel_loop3A_286] {strides = array<i32>} : memref<128x128xf32, #tpu.memory_space<vmem>>, vector<1x16xf32>,
        %parallel_loop3A_288 = vector.shape_cast %parallel_loop3A_287 : vector<1x16xf32> to vector<16xf32>
        %parallel_loop3A_289 = arith.addf %parallel_loop3A_284, %parallel_loop3A_288 : vector<16xf32>
        %parallel_loop3A_290 = arith.index_cast %parallel_loop3A_192 : i32 to index
        %parallel_loop3A_291 = arith.constant 80 : index
        %parallel_loop3A_292 = tpu.vector_load %arg9[%parallel_loop3A_290, %parallel_loop3A_291] {strides = array<i32>} : memref<128x128xf32, #tpu.memory_space<vmem>>, vector<1x16xf32>,
        %parallel_loop3A_293 = vector.shape_cast %parallel_loop3A_292 : vector<1x16xf32> to vector<16xf32>
        %parallel_loop3A_294 = vector.shape_cast %parallel_loop3A_289 : vector<16xf32> to vector<1x16xf32>
        tpu.vector_store %arg9[%parallel_loop3A_290, %parallel_loop3A_291], %parallel_loop3A_294 {strides = array<i32>} : memref<128x128xf32, #tpu.memory_space<vmem>>, vector<1x16xf32>,
        %parallel_loop3A_295 = arith.index_cast %parallel_loop3A_192 : i32 to index
        %parallel_loop3A_296 = arith.constant 96 : index
        %parallel_loop3A_297 = tpu.vector_load %arg9[%parallel_loop3A_295, %parallel_loop3A_296] {strides = array<i32>} : memref<128x128xf32, #tpu.memory_space<vmem>>, vector<1x16xf32>,
        %parallel_loop3A_298 = vector.shape_cast %parallel_loop3A_297 : vector<1x16xf32> to vector<16xf32>
        %parallel_loop3A_299 = arith.constant 11.3137083 : f32
        %parallel_loop3A_300 = vector.broadcast %parallel_loop3A_299 : f32 to vector<16xf32>
        %parallel_loop3A_301 = arith.mulf %parallel_loop3A_298, %parallel_loop3A_300 : vector<16xf32>
        %parallel_loop3A_302 = arith.index_cast %parallel_loop3A_192 : i32 to index
        %parallel_loop3A_303 = arith.constant 96 : index
        %parallel_loop3A_304 = tpu.vector_load %arg6[%parallel_loop3A_302, %parallel_loop3A_303] {strides = array<i32>} : memref<128x128xf32, #tpu.memory_space<vmem>>, vector<1x16xf32>,
        %parallel_loop3A_305 = vector.shape_cast %parallel_loop3A_304 : vector<1x16xf32> to vector<16xf32>
        %parallel_loop3A_306 = arith.addf %parallel_loop3A_301, %parallel_loop3A_305 : vector<16xf32>
        %parallel_loop3A_307 = arith.index_cast %parallel_loop3A_192 : i32 to index
        %parallel_loop3A_308 = arith.constant 96 : index
        %parallel_loop3A_309 = tpu.vector_load %arg9[%parallel_loop3A_307, %parallel_loop3A_308] {strides = array<i32>} : memref<128x128xf32, #tpu.memory_space<vmem>>, vector<1x16xf32>,
        %parallel_loop3A_310 = vector.shape_cast %parallel_loop3A_309 : vector<1x16xf32> to vector<16xf32>
        %parallel_loop3A_311 = vector.shape_cast %parallel_loop3A_306 : vector<16xf32> to vector<1x16xf32>
        tpu.vector_store %arg9[%parallel_loop3A_307, %parallel_loop3A_308], %parallel_loop3A_311 {strides = array<i32>} : memref<128x128xf32, #tpu.memory_space<vmem>>, vector<1x16xf32>,
        %parallel_loop3A_312 = arith.index_cast %parallel_loop3A_192 : i32 to index
        %parallel_loop3A_313 = arith.constant 112 : index
        %parallel_loop3A_314 = tpu.vector_load %arg9[%parallel_loop3A_312, %parallel_loop3A_313] {strides = array<i32>} : memref<128x128xf32, #tpu.memory_space<vmem>>, vector<1x16xf32>,
        %parallel_loop3A_315 = vector.shape_cast %parallel_loop3A_314 : vector<1x16xf32> to vector<16xf32>
        %parallel_loop3A_316 = arith.constant 11.3137083 : f32
        %parallel_loop3A_317 = vector.broadcast %parallel_loop3A_316 : f32 to vector<16xf32>
        %parallel_loop3A_318 = arith.mulf %parallel_loop3A_315, %parallel_loop3A_317 : vector<16xf32>
        %parallel_loop3A_319 = arith.index_cast %parallel_loop3A_192 : i32 to index
        %parallel_loop3A_320 = arith.constant 112 : index
        %parallel_loop3A_321 = tpu.vector_load %arg6[%parallel_loop3A_319, %parallel_loop3A_320] {strides = array<i32>} : memref<128x128xf32, #tpu.memory_space<vmem>>, vector<1x16xf32>,
        %parallel_loop3A_322 = vector.shape_cast %parallel_loop3A_321 : vector<1x16xf32> to vector<16xf32>
        %parallel_loop3A_323 = arith.addf %parallel_loop3A_318, %parallel_loop3A_322 : vector<16xf32>
        %parallel_loop3A_324 = arith.index_cast %parallel_loop3A_192 : i32 to index
        %parallel_loop3A_325 = arith.constant 112 : index
        %parallel_loop3A_326 = tpu.vector_load %arg9[%parallel_loop3A_324, %parallel_loop3A_325] {strides = array<i32>} : memref<128x128xf32, #tpu.memory_space<vmem>>, vector<1x16xf32>,
        %parallel_loop3A_327 = vector.shape_cast %parallel_loop3A_326 : vector<1x16xf32> to vector<16xf32>
        %parallel_loop3A_328 = vector.shape_cast %parallel_loop3A_323 : vector<16xf32> to vector<1x16xf32>
        tpu.vector_store %arg9[%parallel_loop3A_324, %parallel_loop3A_325], %parallel_loop3A_328 {strides = array<i32>} : memref<128x128xf32, #tpu.memory_space<vmem>>, vector<1x16xf32>,
      } {sc.loop_unroll_factor = 4 : i64, sc.parallel_access}
      %mul3A_140 = arith.constant 4096 : i32
      %mul3A_141 = arith.muli %mul3A_140, %add3A_133 : i32
      %add3A_142 = arith.addi %add3A_7, %mul3A_141 : i32
      %dma_start3A_143 = arith.constant 0 : i32
      %dma_start3A_144 = tpu.memref_slice %arg5[%add3A_142, %dma_start3A_143] : memref<524288x128xf32, #tpu.memory_space<hbm>> -> memref<128x128xf32, #tpu.memory_space<hbm>>
      %dma_start3A_145 = arith.constant 0 : i32
      %dma_start3A_146 = tpu.memref_slice %arg5[%add3A_142, %dma_start3A_145] : memref<524288x128xf32, #tpu.memory_space<hbm>> -> memref<128x128xf32, #tpu.memory_space<hbm>>
      tpu.enqueue_dma source(%arg9 : memref<128x128xf32, #tpu.memory_space<vmem>>) target(%dma_start3A_146 : memref<128x128xf32, #tpu.memory_space<hbm>>) target_semaphore(%arg21 : memref<!tpu.dma_semaphore, #tpu.memory_space<semaphore_mem>>)
      %add3A_147 = arith.constant 3 : i32
      %add3A_148 = arith.addi %add3A_133, %add3A_147 : i32
      %lt3A_149 = arith.constant 128 : i32
      %lt3A_150 = arith.cmpi slt, %add3A_148, %lt3A_149 : i32
      %convert_element_type3A_151 = arith.extui %lt3A_150 : i1 to i32
      %cond3A_152 = arith.constant 0 : i32
      %cond3A_153 = arith.cmpi ne, %convert_element_type3A_151, %cond3A_152 : i32
      scf.if %cond3A_153 {
        %add3A_192 = arith.constant 3 : i32
        %add3A_193 = arith.addi %add3A_133, %add3A_192 : i32
        %mul3A_194 = arith.constant 4096 : i32
        %mul3A_195 = arith.muli %mul3A_194, %add3A_193 : i32
        %add3A_196 = arith.addi %add3A_7, %mul3A_195 : i32
        %dma_start3A_197 = tpu.memref_slice %arg2[%add3A_196] : memref<524288xi32, #tpu.memory_space<hbm>> -> memref<128xi32, #tpu.memory_space<hbm>>
        %dma_start3A_198 = tpu.memref_slice %arg2[%add3A_196] : memref<524288xi32, #tpu.memory_space<hbm>> -> memref<128xi32, #tpu.memory_space<hbm>>
        tpu.enqueue_dma source(%dma_start3A_198 : memref<128xi32, #tpu.memory_space<hbm>>) target(%arg12 : memref<128xi32, #tpu.memory_space<vmem>>) target_semaphore(%arg24 : memref<!tpu.dma_semaphore, #tpu.memory_space<semaphore_mem>>)
      } else {
      }
      %add3A_154 = arith.constant 2 : i32
      %add3A_155 = arith.addi %add3A_133, %add3A_154 : i32
      %lt3A_156 = arith.constant 128 : i32
      %lt3A_157 = arith.cmpi slt, %add3A_155, %lt3A_156 : i32
      %convert_element_type3A_158 = arith.extui %lt3A_157 : i1 to i32
      %cond3A_159 = arith.constant 0 : i32
      %cond3A_160 = arith.cmpi ne, %convert_element_type3A_158, %cond3A_159 : i32
      scf.if %cond3A_160 {
        %ge3A = arith.constant 2 : i32
        %ge3A_192 = arith.cmpi sge, %add3A_133, %ge3A : i32
        %convert_element_type3A_193 = arith.extui %ge3A_192 : i1 to i32
        %cond3A_194 = arith.constant 0 : i32
        %cond3A_195 = arith.cmpi ne, %convert_element_type3A_193, %cond3A_194 : i32
        scf.if %cond3A_195 {
          %sub3A = arith.constant 2 : i32
          %sub3A_208 = arith.subi %add3A_133, %sub3A : i32
          %mul3A_209 = arith.constant 4096 : i32
          %mul3A_210 = arith.muli %mul3A_209, %sub3A_208 : i32
          %add3A_211 = arith.addi %add3A_7, %mul3A_210 : i32
          %dma_wait3A_212 = arith.constant 0 : i32
          %dma_wait3A_213 = tpu.memref_slice %arg5[%add3A_211, %dma_wait3A_212] : memref<524288x128xf32, #tpu.memory_space<hbm>> -> memref<128x128xf32, #tpu.memory_space<hbm>>
          %dma_wait3A_214 = arith.constant 0 : i32
          %dma_wait3A_215 = tpu.memref_slice %arg5[%add3A_211, %dma_wait3A_214] : memref<524288x128xf32, #tpu.memory_space<hbm>> -> memref<128x128xf32, #tpu.memory_space<hbm>>
          tpu.wait_dma2 semaphore(%arg19 : memref<!tpu.dma_semaphore, #tpu.memory_space<semaphore_mem>>) src(%arg7 : memref<128x128xf32, #tpu.memory_space<vmem>>) dst(%dma_wait3A_215 : memref<128x128xf32, #tpu.memory_space<hbm>>)
        } else {
        }
        %add3A_196 = arith.constant 2 : i32
        %add3A_197 = arith.addi %add3A_133, %add3A_196 : i32
        %mul3A_198 = arith.constant 4096 : i32
        %mul3A_199 = arith.muli %mul3A_198, %add3A_197 : i32
        %add3A_200 = arith.addi %add3A_7, %mul3A_199 : i32
        %dma_wait3A_201 = tpu.memref_slice %arg2[%add3A_200] : memref<524288xi32, #tpu.memory_space<hbm>> -> memref<128xi32, #tpu.memory_space<hbm>>
        %dma_wait3A_202 = tpu.memref_slice %arg2[%add3A_200] : memref<524288xi32, #tpu.memory_space<hbm>> -> memref<128xi32, #tpu.memory_space<hbm>>
        tpu.wait_dma2 semaphore(%arg23 : memref<!tpu.dma_semaphore, #tpu.memory_space<semaphore_mem>>) src(%dma_wait3A_202 : memref<128xi32, #tpu.memory_space<hbm>>) dst(%arg11 : memref<128xi32, #tpu.memory_space<vmem>>)
        %add3A_203 = arith.constant 2 : i32
        %add3A_204 = arith.addi %add3A_133, %add3A_203 : i32
        %dma_start3A_205 = arith.constant 0 : i32
        %dma_start3A_206 = arith.constant 0 : i32
        %dma_start3A_207 = tpu.memref_slice %arg3[%dma_start3A_205, %dma_start3A_206] : memref<100000x128xf32, #tpu.memory_space<hbm>> -> memref<100000x128xf32, #tpu.memory_space<hbm>>
        tpu.enqueue_indirect_dma source(%dma_start3A_207 : memref<100000x128xf32, #tpu.memory_space<hbm>>) target(%arg7 : memref<128x128xf32, #tpu.memory_space<vmem>>) offsets(%arg11 : memref<128xi32, #tpu.memory_space<vmem>>) semaphore(%arg15 : memref<!tpu.dma_semaphore, #tpu.memory_space<semaphore_mem>>)
      } else {
      }
      %mul3A_161 = arith.constant 4 : i32
      %mul3A_162 = arith.muli %mul3A_161, %scan3A_71 : i32
      %add3A_163 = arith.constant 3 : i32
      %add3A_164 = arith.addi %mul3A_162, %add3A_163 : i32
      %dma_wait3A_165 = arith.constant 0 : i32
      %dma_wait3A_166 = arith.constant 0 : i32
      %dma_wait3A_167 = tpu.memref_slice %arg3[%dma_wait3A_165, %dma_wait3A_166] : memref<100000x128xf32, #tpu.memory_space<hbm>> -> memref<100000x128xf32, #tpu.memory_space<hbm>>
      tpu.wait_indirect_dma semaphore(%arg18 : memref<!tpu.dma_semaphore, #tpu.memory_space<semaphore_mem>>) src(%dma_wait3A_167 : memref<100000x128xf32, #tpu.memory_space<hbm>>) dst(%arg10 : memref<128x128xf32, #tpu.memory_space<vmem>>)
      %parallel_loop3A_168 = arith.constant 0 : i32
      %parallel_loop3A_169 = arith.constant 128 : i32
      %parallel_loop3A_170 = arith.constant 1 : i32
      scf.for %parallel_loop3A_192 = %parallel_loop3A_168 to %parallel_loop3A_169 step %parallel_loop3A_170  : i32 {
        %parallel_loop3A_193 = arith.index_cast %parallel_loop3A_192 : i32 to index
        %parallel_loop3A_194 = arith.constant 0 : index
        %parallel_loop3A_195 = tpu.vector_load %arg10[%parallel_loop3A_193, %parallel_loop3A_194] {strides = array<i32>} : memref<128x128xf32, #tpu.memory_space<vmem>>, vector<1x16xf32>,
        %parallel_loop3A_196 = vector.shape_cast %parallel_loop3A_195 : vector<1x16xf32> to vector<16xf32>
        %parallel_loop3A_197 = arith.constant 11.3137083 : f32
        %parallel_loop3A_198 = vector.broadcast %parallel_loop3A_197 : f32 to vector<16xf32>
        %parallel_loop3A_199 = arith.mulf %parallel_loop3A_196, %parallel_loop3A_198 : vector<16xf32>
        %parallel_loop3A_200 = arith.index_cast %parallel_loop3A_192 : i32 to index
        %parallel_loop3A_201 = arith.constant 0 : index
        %parallel_loop3A_202 = tpu.vector_load %arg6[%parallel_loop3A_200, %parallel_loop3A_201] {strides = array<i32>} : memref<128x128xf32, #tpu.memory_space<vmem>>, vector<1x16xf32>,
        %parallel_loop3A_203 = vector.shape_cast %parallel_loop3A_202 : vector<1x16xf32> to vector<16xf32>
        %parallel_loop3A_204 = arith.addf %parallel_loop3A_199, %parallel_loop3A_203 : vector<16xf32>
        %parallel_loop3A_205 = arith.index_cast %parallel_loop3A_192 : i32 to index
        %parallel_loop3A_206 = arith.constant 0 : index
        %parallel_loop3A_207 = tpu.vector_load %arg10[%parallel_loop3A_205, %parallel_loop3A_206] {strides = array<i32>} : memref<128x128xf32, #tpu.memory_space<vmem>>, vector<1x16xf32>,
        %parallel_loop3A_208 = vector.shape_cast %parallel_loop3A_207 : vector<1x16xf32> to vector<16xf32>
        %parallel_loop3A_209 = vector.shape_cast %parallel_loop3A_204 : vector<16xf32> to vector<1x16xf32>
        tpu.vector_store %arg10[%parallel_loop3A_205, %parallel_loop3A_206], %parallel_loop3A_209 {strides = array<i32>} : memref<128x128xf32, #tpu.memory_space<vmem>>, vector<1x16xf32>,
        %parallel_loop3A_210 = arith.index_cast %parallel_loop3A_192 : i32 to index
        %parallel_loop3A_211 = arith.constant 16 : index
        %parallel_loop3A_212 = tpu.vector_load %arg10[%parallel_loop3A_210, %parallel_loop3A_211] {strides = array<i32>} : memref<128x128xf32, #tpu.memory_space<vmem>>, vector<1x16xf32>,
        %parallel_loop3A_213 = vector.shape_cast %parallel_loop3A_212 : vector<1x16xf32> to vector<16xf32>
        %parallel_loop3A_214 = arith.constant 11.3137083 : f32
        %parallel_loop3A_215 = vector.broadcast %parallel_loop3A_214 : f32 to vector<16xf32>
        %parallel_loop3A_216 = arith.mulf %parallel_loop3A_213, %parallel_loop3A_215 : vector<16xf32>
        %parallel_loop3A_217 = arith.index_cast %parallel_loop3A_192 : i32 to index
        %parallel_loop3A_218 = arith.constant 16 : index
        %parallel_loop3A_219 = tpu.vector_load %arg6[%parallel_loop3A_217, %parallel_loop3A_218] {strides = array<i32>} : memref<128x128xf32, #tpu.memory_space<vmem>>, vector<1x16xf32>,
        %parallel_loop3A_220 = vector.shape_cast %parallel_loop3A_219 : vector<1x16xf32> to vector<16xf32>
        %parallel_loop3A_221 = arith.addf %parallel_loop3A_216, %parallel_loop3A_220 : vector<16xf32>
        %parallel_loop3A_222 = arith.index_cast %parallel_loop3A_192 : i32 to index
        %parallel_loop3A_223 = arith.constant 16 : index
        %parallel_loop3A_224 = tpu.vector_load %arg10[%parallel_loop3A_222, %parallel_loop3A_223] {strides = array<i32>} : memref<128x128xf32, #tpu.memory_space<vmem>>, vector<1x16xf32>,
        %parallel_loop3A_225 = vector.shape_cast %parallel_loop3A_224 : vector<1x16xf32> to vector<16xf32>
        %parallel_loop3A_226 = vector.shape_cast %parallel_loop3A_221 : vector<16xf32> to vector<1x16xf32>
        tpu.vector_store %arg10[%parallel_loop3A_222, %parallel_loop3A_223], %parallel_loop3A_226 {strides = array<i32>} : memref<128x128xf32, #tpu.memory_space<vmem>>, vector<1x16xf32>,
        %parallel_loop3A_227 = arith.index_cast %parallel_loop3A_192 : i32 to index
        %parallel_loop3A_228 = arith.constant 32 : index
        %parallel_loop3A_229 = tpu.vector_load %arg10[%parallel_loop3A_227, %parallel_loop3A_228] {strides = array<i32>} : memref<128x128xf32, #tpu.memory_space<vmem>>, vector<1x16xf32>,
        %parallel_loop3A_230 = vector.shape_cast %parallel_loop3A_229 : vector<1x16xf32> to vector<16xf32>
        %parallel_loop3A_231 = arith.constant 11.3137083 : f32
        %parallel_loop3A_232 = vector.broadcast %parallel_loop3A_231 : f32 to vector<16xf32>
        %parallel_loop3A_233 = arith.mulf %parallel_loop3A_230, %parallel_loop3A_232 : vector<16xf32>
        %parallel_loop3A_234 = arith.index_cast %parallel_loop3A_192 : i32 to index
        %parallel_loop3A_235 = arith.constant 32 : index
        %parallel_loop3A_236 = tpu.vector_load %arg6[%parallel_loop3A_234, %parallel_loop3A_235] {strides = array<i32>} : memref<128x128xf32, #tpu.memory_space<vmem>>, vector<1x16xf32>,
        %parallel_loop3A_237 = vector.shape_cast %parallel_loop3A_236 : vector<1x16xf32> to vector<16xf32>
        %parallel_loop3A_238 = arith.addf %parallel_loop3A_233, %parallel_loop3A_237 : vector<16xf32>
        %parallel_loop3A_239 = arith.index_cast %parallel_loop3A_192 : i32 to index
        %parallel_loop3A_240 = arith.constant 32 : index
        %parallel_loop3A_241 = tpu.vector_load %arg10[%parallel_loop3A_239, %parallel_loop3A_240] {strides = array<i32>} : memref<128x128xf32, #tpu.memory_space<vmem>>, vector<1x16xf32>,
        %parallel_loop3A_242 = vector.shape_cast %parallel_loop3A_241 : vector<1x16xf32> to vector<16xf32>
        %parallel_loop3A_243 = vector.shape_cast %parallel_loop3A_238 : vector<16xf32> to vector<1x16xf32>
        tpu.vector_store %arg10[%parallel_loop3A_239, %parallel_loop3A_240], %parallel_loop3A_243 {strides = array<i32>} : memref<128x128xf32, #tpu.memory_space<vmem>>, vector<1x16xf32>,
        %parallel_loop3A_244 = arith.index_cast %parallel_loop3A_192 : i32 to index
        %parallel_loop3A_245 = arith.constant 48 : index
        %parallel_loop3A_246 = tpu.vector_load %arg10[%parallel_loop3A_244, %parallel_loop3A_245] {strides = array<i32>} : memref<128x128xf32, #tpu.memory_space<vmem>>, vector<1x16xf32>,
        %parallel_loop3A_247 = vector.shape_cast %parallel_loop3A_246 : vector<1x16xf32> to vector<16xf32>
        %parallel_loop3A_248 = arith.constant 11.3137083 : f32
        %parallel_loop3A_249 = vector.broadcast %parallel_loop3A_248 : f32 to vector<16xf32>
        %parallel_loop3A_250 = arith.mulf %parallel_loop3A_247, %parallel_loop3A_249 : vector<16xf32>
        %parallel_loop3A_251 = arith.index_cast %parallel_loop3A_192 : i32 to index
        %parallel_loop3A_252 = arith.constant 48 : index
        %parallel_loop3A_253 = tpu.vector_load %arg6[%parallel_loop3A_251, %parallel_loop3A_252] {strides = array<i32>} : memref<128x128xf32, #tpu.memory_space<vmem>>, vector<1x16xf32>,
        %parallel_loop3A_254 = vector.shape_cast %parallel_loop3A_253 : vector<1x16xf32> to vector<16xf32>
        %parallel_loop3A_255 = arith.addf %parallel_loop3A_250, %parallel_loop3A_254 : vector<16xf32>
        %parallel_loop3A_256 = arith.index_cast %parallel_loop3A_192 : i32 to index
        %parallel_loop3A_257 = arith.constant 48 : index
        %parallel_loop3A_258 = tpu.vector_load %arg10[%parallel_loop3A_256, %parallel_loop3A_257] {strides = array<i32>} : memref<128x128xf32, #tpu.memory_space<vmem>>, vector<1x16xf32>,
        %parallel_loop3A_259 = vector.shape_cast %parallel_loop3A_258 : vector<1x16xf32> to vector<16xf32>
        %parallel_loop3A_260 = vector.shape_cast %parallel_loop3A_255 : vector<16xf32> to vector<1x16xf32>
        tpu.vector_store %arg10[%parallel_loop3A_256, %parallel_loop3A_257], %parallel_loop3A_260 {strides = array<i32>} : memref<128x128xf32, #tpu.memory_space<vmem>>, vector<1x16xf32>,
        %parallel_loop3A_261 = arith.index_cast %parallel_loop3A_192 : i32 to index
        %parallel_loop3A_262 = arith.constant 64 : index
        %parallel_loop3A_263 = tpu.vector_load %arg10[%parallel_loop3A_261, %parallel_loop3A_262] {strides = array<i32>} : memref<128x128xf32, #tpu.memory_space<vmem>>, vector<1x16xf32>,
        %parallel_loop3A_264 = vector.shape_cast %parallel_loop3A_263 : vector<1x16xf32> to vector<16xf32>
        %parallel_loop3A_265 = arith.constant 11.3137083 : f32
        %parallel_loop3A_266 = vector.broadcast %parallel_loop3A_265 : f32 to vector<16xf32>
        %parallel_loop3A_267 = arith.mulf %parallel_loop3A_264, %parallel_loop3A_266 : vector<16xf32>
        %parallel_loop3A_268 = arith.index_cast %parallel_loop3A_192 : i32 to index
        %parallel_loop3A_269 = arith.constant 64 : index
        %parallel_loop3A_270 = tpu.vector_load %arg6[%parallel_loop3A_268, %parallel_loop3A_269] {strides = array<i32>} : memref<128x128xf32, #tpu.memory_space<vmem>>, vector<1x16xf32>,
        %parallel_loop3A_271 = vector.shape_cast %parallel_loop3A_270 : vector<1x16xf32> to vector<16xf32>
        %parallel_loop3A_272 = arith.addf %parallel_loop3A_267, %parallel_loop3A_271 : vector<16xf32>
        %parallel_loop3A_273 = arith.index_cast %parallel_loop3A_192 : i32 to index
        %parallel_loop3A_274 = arith.constant 64 : index
        %parallel_loop3A_275 = tpu.vector_load %arg10[%parallel_loop3A_273, %parallel_loop3A_274] {strides = array<i32>} : memref<128x128xf32, #tpu.memory_space<vmem>>, vector<1x16xf32>,
        %parallel_loop3A_276 = vector.shape_cast %parallel_loop3A_275 : vector<1x16xf32> to vector<16xf32>
        %parallel_loop3A_277 = vector.shape_cast %parallel_loop3A_272 : vector<16xf32> to vector<1x16xf32>
        tpu.vector_store %arg10[%parallel_loop3A_273, %parallel_loop3A_274], %parallel_loop3A_277 {strides = array<i32>} : memref<128x128xf32, #tpu.memory_space<vmem>>, vector<1x16xf32>,
        %parallel_loop3A_278 = arith.index_cast %parallel_loop3A_192 : i32 to index
        %parallel_loop3A_279 = arith.constant 80 : index
        %parallel_loop3A_280 = tpu.vector_load %arg10[%parallel_loop3A_278, %parallel_loop3A_279] {strides = array<i32>} : memref<128x128xf32, #tpu.memory_space<vmem>>, vector<1x16xf32>,
        %parallel_loop3A_281 = vector.shape_cast %parallel_loop3A_280 : vector<1x16xf32> to vector<16xf32>
        %parallel_loop3A_282 = arith.constant 11.3137083 : f32
        %parallel_loop3A_283 = vector.broadcast %parallel_loop3A_282 : f32 to vector<16xf32>
        %parallel_loop3A_284 = arith.mulf %parallel_loop3A_281, %parallel_loop3A_283 : vector<16xf32>
        %parallel_loop3A_285 = arith.index_cast %parallel_loop3A_192 : i32 to index
        %parallel_loop3A_286 = arith.constant 80 : index
        %parallel_loop3A_287 = tpu.vector_load %arg6[%parallel_loop3A_285, %parallel_loop3A_286] {strides = array<i32>} : memref<128x128xf32, #tpu.memory_space<vmem>>, vector<1x16xf32>,
        %parallel_loop3A_288 = vector.shape_cast %parallel_loop3A_287 : vector<1x16xf32> to vector<16xf32>
        %parallel_loop3A_289 = arith.addf %parallel_loop3A_284, %parallel_loop3A_288 : vector<16xf32>
        %parallel_loop3A_290 = arith.index_cast %parallel_loop3A_192 : i32 to index
        %parallel_loop3A_291 = arith.constant 80 : index
        %parallel_loop3A_292 = tpu.vector_load %arg10[%parallel_loop3A_290, %parallel_loop3A_291] {strides = array<i32>} : memref<128x128xf32, #tpu.memory_space<vmem>>, vector<1x16xf32>,
        %parallel_loop3A_293 = vector.shape_cast %parallel_loop3A_292 : vector<1x16xf32> to vector<16xf32>
        %parallel_loop3A_294 = vector.shape_cast %parallel_loop3A_289 : vector<16xf32> to vector<1x16xf32>
        tpu.vector_store %arg10[%parallel_loop3A_290, %parallel_loop3A_291], %parallel_loop3A_294 {strides = array<i32>} : memref<128x128xf32, #tpu.memory_space<vmem>>, vector<1x16xf32>,
        %parallel_loop3A_295 = arith.index_cast %parallel_loop3A_192 : i32 to index
        %parallel_loop3A_296 = arith.constant 96 : index
        %parallel_loop3A_297 = tpu.vector_load %arg10[%parallel_loop3A_295, %parallel_loop3A_296] {strides = array<i32>} : memref<128x128xf32, #tpu.memory_space<vmem>>, vector<1x16xf32>,
        %parallel_loop3A_298 = vector.shape_cast %parallel_loop3A_297 : vector<1x16xf32> to vector<16xf32>
        %parallel_loop3A_299 = arith.constant 11.3137083 : f32
        %parallel_loop3A_300 = vector.broadcast %parallel_loop3A_299 : f32 to vector<16xf32>
        %parallel_loop3A_301 = arith.mulf %parallel_loop3A_298, %parallel_loop3A_300 : vector<16xf32>
        %parallel_loop3A_302 = arith.index_cast %parallel_loop3A_192 : i32 to index
        %parallel_loop3A_303 = arith.constant 96 : index
        %parallel_loop3A_304 = tpu.vector_load %arg6[%parallel_loop3A_302, %parallel_loop3A_303] {strides = array<i32>} : memref<128x128xf32, #tpu.memory_space<vmem>>, vector<1x16xf32>,
        %parallel_loop3A_305 = vector.shape_cast %parallel_loop3A_304 : vector<1x16xf32> to vector<16xf32>
        %parallel_loop3A_306 = arith.addf %parallel_loop3A_301, %parallel_loop3A_305 : vector<16xf32>
        %parallel_loop3A_307 = arith.index_cast %parallel_loop3A_192 : i32 to index
        %parallel_loop3A_308 = arith.constant 96 : index
        %parallel_loop3A_309 = tpu.vector_load %arg10[%parallel_loop3A_307, %parallel_loop3A_308] {strides = array<i32>} : memref<128x128xf32, #tpu.memory_space<vmem>>, vector<1x16xf32>,
        %parallel_loop3A_310 = vector.shape_cast %parallel_loop3A_309 : vector<1x16xf32> to vector<16xf32>
        %parallel_loop3A_311 = vector.shape_cast %parallel_loop3A_306 : vector<16xf32> to vector<1x16xf32>
        tpu.vector_store %arg10[%parallel_loop3A_307, %parallel_loop3A_308], %parallel_loop3A_311 {strides = array<i32>} : memref<128x128xf32, #tpu.memory_space<vmem>>, vector<1x16xf32>,
        %parallel_loop3A_312 = arith.index_cast %parallel_loop3A_192 : i32 to index
        %parallel_loop3A_313 = arith.constant 112 : index
        %parallel_loop3A_314 = tpu.vector_load %arg10[%parallel_loop3A_312, %parallel_loop3A_313] {strides = array<i32>} : memref<128x128xf32, #tpu.memory_space<vmem>>, vector<1x16xf32>,
        %parallel_loop3A_315 = vector.shape_cast %parallel_loop3A_314 : vector<1x16xf32> to vector<16xf32>
        %parallel_loop3A_316 = arith.constant 11.3137083 : f32
        %parallel_loop3A_317 = vector.broadcast %parallel_loop3A_316 : f32 to vector<16xf32>
        %parallel_loop3A_318 = arith.mulf %parallel_loop3A_315, %parallel_loop3A_317 : vector<16xf32>
        %parallel_loop3A_319 = arith.index_cast %parallel_loop3A_192 : i32 to index
        %parallel_loop3A_320 = arith.constant 112 : index
        %parallel_loop3A_321 = tpu.vector_load %arg6[%parallel_loop3A_319, %parallel_loop3A_320] {strides = array<i32>} : memref<128x128xf32, #tpu.memory_space<vmem>>, vector<1x16xf32>,
        %parallel_loop3A_322 = vector.shape_cast %parallel_loop3A_321 : vector<1x16xf32> to vector<16xf32>
        %parallel_loop3A_323 = arith.addf %parallel_loop3A_318, %parallel_loop3A_322 : vector<16xf32>
        %parallel_loop3A_324 = arith.index_cast %parallel_loop3A_192 : i32 to index
        %parallel_loop3A_325 = arith.constant 112 : index
        %parallel_loop3A_326 = tpu.vector_load %arg10[%parallel_loop3A_324, %parallel_loop3A_325] {strides = array<i32>} : memref<128x128xf32, #tpu.memory_space<vmem>>, vector<1x16xf32>,
        %parallel_loop3A_327 = vector.shape_cast %parallel_loop3A_326 : vector<1x16xf32> to vector<16xf32>
        %parallel_loop3A_328 = vector.shape_cast %parallel_loop3A_323 : vector<16xf32> to vector<1x16xf32>
        tpu.vector_store %arg10[%parallel_loop3A_324, %parallel_loop3A_325], %parallel_loop3A_328 {strides = array<i32>} : memref<128x128xf32, #tpu.memory_space<vmem>>, vector<1x16xf32>,
      } {sc.loop_unroll_factor = 4 : i64, sc.parallel_access}
      %mul3A_171 = arith.constant 4096 : i32
      %mul3A_172 = arith.muli %mul3A_171, %add3A_164 : i32
      %add3A_173 = arith.addi %add3A_7, %mul3A_172 : i32
      %dma_start3A_174 = arith.constant 0 : i32
      %dma_start3A_175 = tpu.memref_slice %arg5[%add3A_173, %dma_start3A_174] : memref<524288x128xf32, #tpu.memory_space<hbm>> -> memref<128x128xf32, #tpu.memory_space<hbm>>
      %dma_start3A_176 = arith.constant 0 : i32
      %dma_start3A_177 = tpu.memref_slice %arg5[%add3A_173, %dma_start3A_176] : memref<524288x128xf32, #tpu.memory_space<hbm>> -> memref<128x128xf32, #tpu.memory_space<hbm>>
      tpu.enqueue_dma source(%arg10 : memref<128x128xf32, #tpu.memory_space<vmem>>) target(%dma_start3A_177 : memref<128x128xf32, #tpu.memory_space<hbm>>) target_semaphore(%arg22 : memref<!tpu.dma_semaphore, #tpu.memory_space<semaphore_mem>>)
      %add3A_178 = arith.constant 3 : i32
      %add3A_179 = arith.addi %add3A_164, %add3A_178 : i32
      %lt3A_180 = arith.constant 128 : i32
      %lt3A_181 = arith.cmpi slt, %add3A_179, %lt3A_180 : i32
      %convert_element_type3A_182 = arith.extui %lt3A_181 : i1 to i32
      %cond3A_183 = arith.constant 0 : i32
      %cond3A_184 = arith.cmpi ne, %convert_element_type3A_182, %cond3A_183 : i32
      scf.if %cond3A_184 {
        %add3A_192 = arith.constant 3 : i32
        %add3A_193 = arith.addi %add3A_164, %add3A_192 : i32
        %mul3A_194 = arith.constant 4096 : i32
        %mul3A_195 = arith.muli %mul3A_194, %add3A_193 : i32
        %add3A_196 = arith.addi %add3A_7, %mul3A_195 : i32
        %dma_start3A_197 = tpu.memref_slice %arg2[%add3A_196] : memref<524288xi32, #tpu.memory_space<hbm>> -> memref<128xi32, #tpu.memory_space<hbm>>
        %dma_start3A_198 = tpu.memref_slice %arg2[%add3A_196] : memref<524288xi32, #tpu.memory_space<hbm>> -> memref<128xi32, #tpu.memory_space<hbm>>
        tpu.enqueue_dma source(%dma_start3A_198 : memref<128xi32, #tpu.memory_space<hbm>>) target(%arg13 : memref<128xi32, #tpu.memory_space<vmem>>) target_semaphore(%arg25 : memref<!tpu.dma_semaphore, #tpu.memory_space<semaphore_mem>>)
      } else {
      }
      %add3A_185 = arith.constant 2 : i32
      %add3A_186 = arith.addi %add3A_164, %add3A_185 : i32
      %lt3A_187 = arith.constant 128 : i32
      %lt3A_188 = arith.cmpi slt, %add3A_186, %lt3A_187 : i32
      %convert_element_type3A_189 = arith.extui %lt3A_188 : i1 to i32
      %cond3A_190 = arith.constant 0 : i32
      %cond3A_191 = arith.cmpi ne, %convert_element_type3A_189, %cond3A_190 : i32
      scf.if %cond3A_191 {
        %ge3A = arith.constant 2 : i32
        %ge3A_192 = arith.cmpi sge, %add3A_164, %ge3A : i32
        %convert_element_type3A_193 = arith.extui %ge3A_192 : i1 to i32
        %cond3A_194 = arith.constant 0 : i32
        %cond3A_195 = arith.cmpi ne, %convert_element_type3A_193, %cond3A_194 : i32
        scf.if %cond3A_195 {
          %sub3A = arith.constant 2 : i32
          %sub3A_208 = arith.subi %add3A_164, %sub3A : i32
          %mul3A_209 = arith.constant 4096 : i32
          %mul3A_210 = arith.muli %mul3A_209, %sub3A_208 : i32
          %add3A_211 = arith.addi %add3A_7, %mul3A_210 : i32
          %dma_wait3A_212 = arith.constant 0 : i32
          %dma_wait3A_213 = tpu.memref_slice %arg5[%add3A_211, %dma_wait3A_212] : memref<524288x128xf32, #tpu.memory_space<hbm>> -> memref<128x128xf32, #tpu.memory_space<hbm>>
          %dma_wait3A_214 = arith.constant 0 : i32
          %dma_wait3A_215 = tpu.memref_slice %arg5[%add3A_211, %dma_wait3A_214] : memref<524288x128xf32, #tpu.memory_space<hbm>> -> memref<128x128xf32, #tpu.memory_space<hbm>>
          tpu.wait_dma2 semaphore(%arg20 : memref<!tpu.dma_semaphore, #tpu.memory_space<semaphore_mem>>) src(%arg8 : memref<128x128xf32, #tpu.memory_space<vmem>>) dst(%dma_wait3A_215 : memref<128x128xf32, #tpu.memory_space<hbm>>)
        } else {
        }
        %add3A_196 = arith.constant 2 : i32
        %add3A_197 = arith.addi %add3A_164, %add3A_196 : i32
        %mul3A_198 = arith.constant 4096 : i32
        %mul3A_199 = arith.muli %mul3A_198, %add3A_197 : i32
        %add3A_200 = arith.addi %add3A_7, %mul3A_199 : i32
        %dma_wait3A_201 = tpu.memref_slice %arg2[%add3A_200] : memref<524288xi32, #tpu.memory_space<hbm>> -> memref<128xi32, #tpu.memory_space<hbm>>
        %dma_wait3A_202 = tpu.memref_slice %arg2[%add3A_200] : memref<524288xi32, #tpu.memory_space<hbm>> -> memref<128xi32, #tpu.memory_space<hbm>>
        tpu.wait_dma2 semaphore(%arg24 : memref<!tpu.dma_semaphore, #tpu.memory_space<semaphore_mem>>) src(%dma_wait3A_202 : memref<128xi32, #tpu.memory_space<hbm>>) dst(%arg12 : memref<128xi32, #tpu.memory_space<vmem>>)
        %add3A_203 = arith.constant 2 : i32
        %add3A_204 = arith.addi %add3A_164, %add3A_203 : i32
        %dma_start3A_205 = arith.constant 0 : i32
        %dma_start3A_206 = arith.constant 0 : i32
        %dma_start3A_207 = tpu.memref_slice %arg3[%dma_start3A_205, %dma_start3A_206] : memref<100000x128xf32, #tpu.memory_space<hbm>> -> memref<100000x128xf32, #tpu.memory_space<hbm>>
        tpu.enqueue_indirect_dma source(%dma_start3A_207 : memref<100000x128xf32, #tpu.memory_space<hbm>>) target(%arg8 : memref<128x128xf32, #tpu.memory_space<vmem>>) offsets(%arg12 : memref<128xi32, #tpu.memory_space<vmem>>) semaphore(%arg16 : memref<!tpu.dma_semaphore, #tpu.memory_space<semaphore_mem>>)
      } else {
      }
    }
    %scan3A_46 = arith.constant 32 : i32
    %add3A_47 = arith.constant 507904 : i32
    %add3A_48 = arith.addi %add3A_7, %add3A_47 : i32
    %dma_wait3A_49 = arith.constant 0 : i32
    %dma_wait3A_50 = tpu.memref_slice %arg5[%add3A_48, %dma_wait3A_49] : memref<524288x128xf32, #tpu.memory_space<hbm>> -> memref<128x128xf32, #tpu.memory_space<hbm>>
    %dma_wait3A_51 = arith.constant 0 : i32
    %dma_wait3A_52 = tpu.memref_slice %arg5[%add3A_48, %dma_wait3A_51] : memref<524288x128xf32, #tpu.memory_space<hbm>> -> memref<128x128xf32, #tpu.memory_space<hbm>>
    tpu.wait_dma2 semaphore(%arg19 : memref<!tpu.dma_semaphore, #tpu.memory_space<semaphore_mem>>) src(%arg7 : memref<128x128xf32, #tpu.memory_space<vmem>>) dst(%dma_wait3A_52 : memref<128x128xf32, #tpu.memory_space<hbm>>)
    %add3A_53 = arith.constant 512000 : i32
    %add3A_54 = arith.addi %add3A_7, %add3A_53 : i32
    %dma_wait3A_55 = arith.constant 0 : i32
    %dma_wait3A_56 = tpu.memref_slice %arg5[%add3A_54, %dma_wait3A_55] : memref<524288x128xf32, #tpu.memory_space<hbm>> -> memref<128x128xf32, #tpu.memory_space<hbm>>
    %dma_wait3A_57 = arith.constant 0 : i32
    %dma_wait3A_58 = tpu.memref_slice %arg5[%add3A_54, %dma_wait3A_57] : memref<524288x128xf32, #tpu.memory_space<hbm>> -> memref<128x128xf32, #tpu.memory_space<hbm>>
    tpu.wait_dma2 semaphore(%arg20 : memref<!tpu.dma_semaphore, #tpu.memory_space<semaphore_mem>>) src(%arg8 : memref<128x128xf32, #tpu.memory_space<vmem>>) dst(%dma_wait3A_58 : memref<128x128xf32, #tpu.memory_space<hbm>>)
    %add3A_59 = arith.constant 516096 : i32
    %add3A_60 = arith.addi %add3A_7, %add3A_59 : i32
    %dma_wait3A_61 = arith.constant 0 : i32
    %dma_wait3A_62 = tpu.memref_slice %arg5[%add3A_60, %dma_wait3A_61] : memref<524288x128xf32, #tpu.memory_space<hbm>> -> memref<128x128xf32, #tpu.memory_space<hbm>>
    %dma_wait3A_63 = arith.constant 0 : i32
    %dma_wait3A_64 = tpu.memref_slice %arg5[%add3A_60, %dma_wait3A_63] : memref<524288x128xf32, #tpu.memory_space<hbm>> -> memref<128x128xf32, #tpu.memory_space<hbm>>
    tpu.wait_dma2 semaphore(%arg21 : memref<!tpu.dma_semaphore, #tpu.memory_space<semaphore_mem>>) src(%arg9 : memref<128x128xf32, #tpu.memory_space<vmem>>) dst(%dma_wait3A_64 : memref<128x128xf32, #tpu.memory_space<hbm>>)
    %add3A_65 = arith.constant 520192 : i32
    %add3A_66 = arith.addi %add3A_7, %add3A_65 : i32
    %dma_wait3A_67 = arith.constant 0 : i32
    %dma_wait3A_68 = tpu.memref_slice %arg5[%add3A_66, %dma_wait3A_67] : memref<524288x128xf32, #tpu.memory_space<hbm>> -> memref<128x128xf32, #tpu.memory_space<hbm>>
    %dma_wait3A_69 = arith.constant 0 : i32
    %dma_wait3A_70 = tpu.memref_slice %arg5[%add3A_66, %dma_wait3A_69] : memref<524288x128xf32, #tpu.memory_space<hbm>> -> memref<128x128xf32, #tpu.memory_space<hbm>>
    tpu.wait_dma2 semaphore(%arg22 : memref<!tpu.dma_semaphore, #tpu.memory_space<semaphore_mem>>) src(%arg10 : memref<128x128xf32, #tpu.memory_space<vmem>>) dst(%dma_wait3A_70 : memref<128x128xf32, #tpu.memory_space<hbm>>)
    return
  }
}

</mosaic_0001>

<sc_bundles>
// kernel: kernel.3.cloned.1.call-start
scs
__scs_entry_jumppad:
0x0: {  	(pc) =	sbr.rel $0x88, $3  }
0x1: {  	(tag) =	ssettag $0x0;
	lr =	simm.s32 $0x1  }
0x2: {  	[smem:$0x3F9E] =	sst lr;
	_ =	strace $0xD0000000  }
0x3: {  	_ = 	snop  }
0x4: {  	_ = 	snop  }
0x5: {  	_ = 	snop  }
0x6: {  	_ = 	snop  }
0x7: {  	_ = 	snop  }
__scs_overlays_trampoline_lowered:
0x8: {  	[smem:$0x3FAD] =	sst s0  }
0x9: {  	[smem:$0x3FAE] =	sst s1  }
0xa: {  	[smem:$0x3FAF] =	sst s2  }
0xb: {  	[smem:$0x3FB0] =	sst s3  }
0xc: {  	[smem:$0x3FB1] =	sst s4  }
0xd: {  	[smem:$0x3FB2] =	sst s5  }
0xe: {  	[smem:$0x3FB3] =	sst s6  }
0xf: {  	[smem:$0x3FB4] =	sst s7  }
0x10: {  	[smem:$0x3FB5] =	sst s8  }
0x11: {  	[smem:$0x3FB6] =	sst s9;
	s0 =	simm.s32 @!p0 $0x0  }
0x12: {  	s1 =	sld [smem:$0x3F9C];
	s0 =	simm.s32 @p0 $0x1  }
0x13: {  	[smem:$0x3FB7] =	sst s0;
	s0 =	simm.s32 @!p1 $0x0  }
0x14: {  	s2 =	sld [smem:$0x3F9B];
	s0 =	simm.s32 @p1 $0x1  }
0x15: {  	[smem:$0x3FB8] =	sst s0;
	s0 =	simm.s32 @!p2 $0x0  }
0x16: {  	s3 =	sld [smem:$0x3FDB];
	s0 =	simm.s32 @p2 $0x1  }
0x17: {  	s4 =	simm.s32 $0x1BF5;
	[smem:$0x3FBA] =	sst s0  }
0x18: {  	s0 =	sld [smem:$0x3F9D];
	_ =	swait.ge [sflag:s4], $0x0  }
0x19: {  	s7 =	sld [smem:$0x3F9E]  }
0x1a: {  	s8 =	sadd.s32 $0xFFFFE003, lr  }
0x1b: {  	s9 =	sadd.s32 $0xFFFFFEF7, lr;
	s5 =	simm.s32 $0xFFFFFFFF;
	p2 =	slt.u32 s8, $0xFFFFF086  }
0x1c: {  	p1 =	slt.u32 s9, $0xF7A;
	s5 =	simm.s32 @!p2 $0x0  }
0x1d: {  	s5 =	simm.s32 @p1 $0x1;
	p0 =	seq.s32 s7, s2  }
0x1e: {  	s7 =	smul.u32 @!p0 $0xF7A, s2;
	p2 =	seq.s32 @!p0 s5, $0x0  }
0x1f: {  	s9 =	smul.u32 $0xF7A, s1;
	s8 =	simm.s32 @!p0 $0x1BF5;
	p2 =	por !p2, p0  }
0x20: {  	[sflag:s8] =	ssyncset.s32 @!p0 $0xFFFFF086;
	s6 =	sadd.s32 @!p0 s3, s7;
	s7 =	simm.s32 @!p0 $0x108  }
0x21: {  	s3 =	sadd.s32 s3, s9;
	s6 =	sadd.s32 @!p0 $0x88, s6;
	s7 =	simm.s32 @p2 $0x1082  }
0x22: {  	[simem:s7], [sflag:s8] =	dma.local @!p0 [hbm:s6], $0xF7A  }
0x23: {  	s9 =	sor.u32 $0xD0000000, s2;
	s6 =	simm.s32 $0x108;
	_ =	swait.ge @!p0 [sflag:s8], $0x0  }
0x24: {  	s3 =	sadd.s32 $0x88, s3;
	s6 =	simm.s32 @!p1 $0x1082;
	[sflag:s4] =	ssyncset.s32 $0xFFFFF086  }
0x25: {  	[simem:s6], [sflag:s4] =	dma.local [hbm:s3], $0xF7A  }
0x26: {  	[smem:$0x3F9E] =	sst s1;
	(tag) =	ssettag s2;
	_ =	strace s9  }
0x27: {  	s1 =	sld [smem:$0x3FAE]  }
0x28: {  	s2 =	sld [smem:$0x3FAF]  }
0x29: {  	s4 =	sld [smem:$0x3FB1]  }
0x2a: {  	p0 =	seq.s32 s5, $0x0;
	s5 =	sld [smem:$0x3FB2]  }
0x2b: {  	s6 =	sld [smem:$0x3FB3]  }
0x2c: {  	s7 =	sld [smem:$0x3FB4]  }
0x2d: {  	s3 =	simm.s32 $0x108;
	s8 =	sld [smem:$0x3FB5]  }
0x2e: {  	s3 =	simm.s32 @!p0 $0x1082;
	s9 =	sld [smem:$0x3FB6]  }
0x2f: {  	lr =	sadd.s32 s0, s3;
	s0 =	sld [smem:$0x3FAD]  }
0x30: {  	s3 =	sld [smem:$0x3FB0]  }
0x31: {  	[smem:$0x3FB9] =	sst s10  }
0x32: {  	s10 =	sld [smem:$0x3FB7];
	_ =	sdelay $0x3  }
0x33: {  	p0 =	seq.s32 s10, $0x1;
	s10 =	sld [smem:$0x3FB9];
	_ =	sdelay $0x3  }
0x34: {  	[smem:$0x3FB9] =	sst s10  }
0x35: {  	s10 =	sld [smem:$0x3FB8];
	_ =	sdelay $0x3  }
0x36: {  	p1 =	seq.s32 s10, $0x1;
	s10 =	sld [smem:$0x3FB9];
	_ =	sdelay $0x3  }
0x37: {  	[smem:$0x3FB9] =	sst s10  }
0x38: {  	s10 =	sld [smem:$0x3FBA]  }
0x39: {  	_ = 	snop;
	(pc) =	sbr.ind lr, $3  }
0x3a: {  	_ = 	snop  }
0x3b: {  	_ = 	snop  }
0x3c: {  	p2 =	seq.s32 s10, $0x1;
	s10 =	sld [smem:$0x3FB9]  }
0x3d: {  	_ =	shalt  }
0x3e: {  	_ =	shalt  }
0x3f: {  	_ =	shalt  }
0x40: {  	_ =	shalt  }
0x41: {  	_ =	shalt  }
0x42: {  	_ =	shalt  }
0x43: {  	_ =	shalt  }
0x44: {  	_ =	shalt  }
0x45: {  	_ =	shalt  }
0x46: {  	_ =	shalt  }
0x47: {  	_ =	shalt  }
0x48: {  	_ =	shalt  }
0x49: {  	_ =	shalt  }
0x4a: {  	_ =	shalt  }
0x4b: {  	_ =	shalt  }
0x4c: {  	_ =	shalt  }
0x4d: {  	_ =	shalt  }
0x4e: {  	_ =	shalt  }
0x4f: {  	_ =	shalt  }
0x50: {  	_ =	shalt  }
0x51: {  	_ =	shalt  }
0x52: {  	_ =	shalt  }
0x53: {  	_ =	shalt  }
0x54: {  	_ =	shalt  }
0x55: {  	_ =	shalt  }
0x56: {  	_ =	shalt  }
0x57: {  	_ =	shalt  }
0x58: {  	_ =	shalt  }
0x59: {  	_ =	shalt  }
0x5a: {  	_ =	shalt  }
0x5b: {  	_ =	shalt  }
0x5c: {  	_ =	shalt  }
0x5d: {  	_ =	shalt  }
0x5e: {  	_ =	shalt  }
0x5f: {  	_ =	shalt  }
0x60: {  	_ =	shalt  }
0x61: {  	_ =	shalt  }
0x62: {  	_ =	shalt  }
0x63: {  	_ =	shalt  }
0x64: {  	_ =	shalt  }
0x65: {  	_ =	shalt  }
0x66: {  	_ =	shalt  }
0x67: {  	_ =	shalt  }
0x68: {  	_ =	shalt  }
0x69: {  	_ =	shalt  }
0x6a: {  	_ =	shalt  }
0x6b: {  	_ =	shalt  }
0x6c: {  	_ =	shalt  }
0x6d: {  	_ =	shalt  }
0x6e: {  	_ =	shalt  }
0x6f: {  	_ =	shalt  }
0x70: {  	_ =	shalt  }
0x71: {  	_ =	shalt  }
0x72: {  	_ =	shalt  }
0x73: {  	_ =	shalt  }
0x74: {  	_ =	shalt  }
0x75: {  	_ =	shalt  }
0x76: {  	_ =	shalt  }
0x77: {  	_ =	shalt  }
0x78: {  	_ =	shalt  }
0x79: {  	_ =	shalt  }
0x7a: {  	_ =	shalt  }
0x7b: {  	_ =	shalt  }
0x7c: {  	_ =	shalt  }
0x7d: {  	_ =	shalt  }
0x7e: {  	_ =	shalt  }
0x7f: {  	_ =	shalt  }
0x80: {  	_ =	shalt  }
0x81: {  	_ =	shalt  }
0x82: {  	_ =	shalt  }
0x83: {  	_ =	shalt  }
0x84: {  	_ =	shalt  }
0x85: {  	_ =	shalt  }
0x86: {  	_ =	shalt  }
0x87: {  	_ =	shalt  }
.Lfunc_end0:
.L_simem_size_0:
called_computation_lowered:
.L_overlay_start_0:
0x88: {  	s2 =	sld [smem:$0x3FD9]  }
0x89: {  	s3 =	sld [smem:$0x3FFE];
	_ =	sdelay $0x1  }
0x8a: {  	s1 =	srdreg.scid  }
0x8b: {  	s0 =	sand.u32 $0x1, s1  }
0x8c: {  	s17 =	sshll.u32 s0, $0xA;
	s2 =	sadd.s32 s3, s2  }
0x8d: {  	s2 =	sadd.s32 s2, s17  }
0x8e: {  	[smem:$0x3FC5] =	sst s2  }
0x8f: {  	_ = 	snop  }
0x90: {  	s2 =	sld [smem:$0x3FC8]  }
0x91: {  	s18 =	sld [smem:$0x3FC7]  }
0x92: {  	s4 =	sld [smem:$0x3FD0];
	(tm) =	ssettm $0x1  }
0x93: {  	s5 =	sld [smem:$0x3FFB];
	_ =	sdelay $0x3  }
0x94: {  	_ =	strace s5  }
0x95: {  	s5 =	sld [smem:$0x3FFC];
	_ =	sdelay $0x3  }
0x96: {  	_ =	strace s5  }
0x97: {  	s5 =	sld [smem:$0x3FFD];
	_ =	sdelay $0x3  }
0x98: {  	_ =	strace s5  }
0x99: {  	_ =	strace $0x8FFFFFFF  }
0x9a: {  	s19 =	sld [smem:$0x3FDB];
	_ =	sdelay $0x1  }
0x9b: {  	s6 =	simm.s32 $_scs_section_size  }
0x9c: {  	s7 =	simm.s32 $_size__tile_overlayer_lowered;
	s8 =	simm.s32 $_tile_overlayer_lowered  }
0x9d: {  	s22 =	simm.s32 $0x1BFF;
	s21 =	sshll.u32 s8, $0x1;
	s5 =	sadd.s32 s6, s19  }
0x9e: {  	s9 =	simm.s32 $0x0;
	s20 =	sshll.u32 s7, $0x1;
	s7 =	sadd.s32 s21, s5  }
0x9f: {  	[timem:s9], [sflag:s22] =	dma.local [hbm:s7], s20  }
0xa0: {  	_ =	swait.ge [sflag:s22], s20  }
0xa1: {  	s6 =	ssub.s32 $0x0, s20;
	[sflag:s22] =	ssyncset.done $0x0  }
0xa2: {  	[sflag:s22] =	ssyncadd.s32 s6;
	_ =	sdelay $0x1  }
0xa3: {  	s23 =	simm.s32 $0x1B8B  }
0xa4: {  	_ =	swait.ge [sflag:s23], $0x1  }
0xa5: {  	[sflag:s23] =	ssyncset.done $0x0  }
0xa6: {  	s25 =	simm.s32 $0x1B8E;
	s24 =	sld [smem:$0x3FFE];
	[sflag:s23] =	ssyncadd.s32 $0xFFFFFFFF  }
0xa7: {  	s26 =	simm.s32 $execute0_lowered;
	[smem:$0x3FD2] =	sst s25  }
0xa8: {  	s7 =	sshll.u32 s26, $0x1;
	_ =	strace $0x80000046;
	[dreg:$0x1] =	wrdreg $0xFFFFFFFF  }
0xa9: {  	s28 =	simm.s32 $_size_execute0_lowered;
	s5 =	sadd.s32 s5, s7;
	[dreg:$0x0] =	wrdreg $0x0  }
0xaa: {  	s7 =	sshll.u32 s28, $0x1;
	[dreg:$0x2] =	wrdreg s5  }
0xab: {  	[dreg:$0x3] =	wrdreg s7  }
0xac: {  	[dreg:$0x4] =	wrdreg $0xC0  }
0xad: {  	_ =	task [dreg:s9], $0x5FFFF  }
0xae: {  	[dreg:$0x1] =	wrdreg $0xFFFFFFFF  }
0xaf: {  	[dreg:$0x0] =	wrdreg $0x60  }
0xb0: {  	[dreg:$0x2] =	wrdreg s24  }
0xb1: {  	[dreg:$0x3] =	wrdreg s2  }
0xb2: {  	[dreg:$0x4] =	wrdreg s18  }
0xb3: {  	[dreg:$0x5] =	wrdreg s4  }
0xb4: {  	[dreg:$0x6] =	wrdreg $0x9  }
0xb5: {  	_ =	task.clear_ibuf [dreg:s9], $0x7FFFF;
	_ =	strace $0x90000046  }
0xb6: {  	s29 =	simm.s32 $0x9;
	_ =	strace $0x80000048  }
0xb7: {  	_ =	swait.ge [sflag:s29], $0x1  }
0xb8: {  	[sflag:s29] =	ssyncadd.s32 $0xFFFFFFFF  }
0xb9: {  	_ =	strace $0x90000048  }
0xba: {  	_ =	sfence  }
0xbb: {  	s30 =	sld [smem:$0x0];
	_ =	sdelay $0x2  }
0xbc: {  	s31 =	sshll.u32 s1, $0xD;
	s1 =	sshrl.u32 s1, $0x2  }
0xbd: {  	s3 =	sand.u32 $0x4000, s31;
	s1 =	sadd.s32 s1, s30  }
0xbe: {  	s0 =	sor.u32 s3, s0;
	s1 =	sshll.u32 s1, $0x11  }
0xbf: {  	s0 =	sor.u32 s1, s0  }
0xc0: {  	s0 =	sadd.s32 $0x8F2B, s0  }
0xc1: {  	[sflag:s0] =	ssyncadd.remote.s32 $0x1  }
0xc2: {  	_ =	sfence.sel $0xFFFF  }
0xc3: {  	[dreg:$0x0] =	wrdreg $0xFFFFFFFF;
	(pc) =	sbr.abs _section_cstart, $3  }
0xc4: {  	[dreg:$0x1] =	wrdreg $0xFFFFFFFF  }
0xc5: {  	_ =	task.clear_ibuf [dreg:s9], $0x2FFFF;
	_ =	strace $0x9FFFFFFF  }
0xc6: {  	(tm) =	ssettm $0x7FFFFFFF  }
0xc7: {  	_ =	shalt  }
tec
execute0_lowered:
.L_overlay_start_1:
0x0: {  	(tag) =	ssettag $0x1  }
0x1: {  	s0 =	rddreg [dreg:$0x0]  }
0x2: {  	s1 =	rddreg [dreg:$0x1]  }
0x3: {  	s2 =	rddreg [dreg:$0x2]  }
0x4: {  	s9 =	rddreg [dreg:$0x3]  }
0x5: {  	s4 =	simm.s32 $0x0;
	s3 =	srdreg.scid;
	s5 =	stileid.u32  }
0x6: {  	s12 =	simm.s32 $0x5;
	s29 =	simm.s32 $0x1;
	s30 =	simm.s32 $0x14180  }
0x7: {  	s31 =	simm.s32 $0xB;
	s11 =	simm.s32 $0x4;
	s18 =	simm.s32 $0x6  }
0x8: {  	[smem:$0x7FF] =	sst s4;
	s3 =	sand.u32 $0x1, s3;
	s6 =	sshll.u32 s5, $0x1  }
0x9: {  	s5 =	sadd.s32 $0x400, s0;
	s28 =	sadd.s32 $0x10000, s9;
	s16 =	sadd.s32 $0x20000, s9  }
0xa: {  	_ =	strace $0x80000047;
	s19 =	ssub.s32 $0x2, s3;
	s3 =	sor.u32 s3, s6  }
0xb: {  	[dreg:$0xc] =	wrdreg s28;
	s20 =	sshrl.u32 s19, $0x1;
	s10 =	sshll.u32 s3, $0xB  }
0xc: {  	s7 =	sshll.u32 s3, $0x4;
	s8 =	sshll.u32 s3, $0x7;
	s3 =	simm.s32 $0x2  }
0xd: {  	s0 =	ssub.s32 s19, s20;
	s21 =	sand.u32 $0x1800, s10;
	s7 =	sadd.s32 s5, s7  }
0xe: {  	s24 =	sor.u32 $0x4000, s8;
	s25 =	sor.u32 $0x5000, s8;
	s26 =	sor.u32 $0x6000, s8  }
0xf: {  	s15 =	smov.u32 s10;
	s17 =	sadd.s32 s9, s10;
	[dreg:$0x5] =	wrdreg s7  }
0x10: {  	s19 =	simm.s32 $0xC;
	s9 =	simm.s32 $0x10000;
	[dreg:$0x9] =	wrdreg s24  }
0x11: {  	s10 =	simm.s32 $0x3;
	s2 =	sadd.s32 s2, s21;
	[dreg:$0xa] =	wrdreg s25  }
.Ltmp0:
0x12: {  	s22 =	sadd.s32 $0x200, s7;
	[dreg:$0xb] =	wrdreg s26;
	(pc) =	sbr.rel .LBB2_1-.Ltmp0, $4  }
0x13: {  	s23 =	sadd.s32 $0x400, s7;
	s0 =	smax.u32 s0, $0x1;
	[dreg:$0x6] =	wrdreg s2  }
0x14: {  	s21 =	simm.s32 $0x14100;
	s25 =	simm.s32 $0xA;
	[dreg:$0x7] =	wrdreg s22  }
0x15: {  	s26 =	simm.s32 $0x8000;
	s7 =	simm.s32 $0x0;
	[dreg:$0x8] =	wrdreg s23  }
0x16: {  	[dreg:$0xd] =	wrdreg s0;
	s23 =	simm.s32 $0x80;
	s0 =	simm.s32 $0xC000  }
.LBB2_12:
0x17: {  	s12 =	simm.s32 $0x5  }
0x18: {  	_ =	swait.ge [sflag:s12], $0x4000  }
0x19: {  	[sflag:s12] =	ssyncset.done $0x0  }
0x1a: {  	[sflag:s12] =	ssyncadd.s32 $0xFFFFC000  }
0x1b: {  	_ =	swait.ge [sflag:s18], $0x4000  }
0x1c: {  	[sflag:s18] =	ssyncset.done $0x0  }
0x1d: {  	s2 =	simm.s32 $0x7;
	[sflag:s18] =	ssyncadd.s32 $0xFFFFC000  }
0x1e: {  	_ =	swait.ge [sflag:s2], $0x4000  }
0x1f: {  	[sflag:s2] =	ssyncset.done $0x0  }
0x20: {  	s6 =	simm.s32 $0x8;
	[sflag:s2] =	ssyncadd.s32 $0xFFFFC000  }
0x21: {  	_ =	swait.ge [sflag:s6], $0x4000  }
0x22: {  	s7 =	rddreg [dreg:$0xe]  }
0x23: {  	s28 =	rddreg [dreg:$0xd];
	s7 =	sadd.s32 $0x1, s7  }
0x24: {  	p0 =	sne.s32 s7, s28  }
.Ltmp1:
0x25: {  	_ = 	snop;
	(pc) =	sbr.rel @!p0 .LBB2_13-.Ltmp1, $3  }
0x26: {  	_ =	sdelay $0x1  }
0x27: {  	[sflag:s6] =	ssyncset.done $0x0  }
0x28: {  	[sflag:s6] =	ssyncadd.s32 $0xFFFFC000  }
.LBB2_1:
0x29: {  	[dreg:$0xe] =	wrdreg s7  }
0x2a: {  	s2 =	rddreg [dreg:$0x6]  }
0x2b: {  	[tilespmem:s4], [sflag:$0x5] =	stream.linear.gather [hbm4b:s2+s4], $0x4000, $0x38;
	[tilespmem:$0x14200] =	vst v63  }
0x2c: {  	s7 =	rddreg [dreg:$0x5];
	s6 =	simm.s32 $0x14000  }
0x2d: {  	[tilespmem:s6], [sflag:$0x9] =	stream.linear.gather [hbm4b:s7+s4], $0x80, $0x38;
	[tilespmem:$0x14200] =	vst v63  }
0x2e: {  	s13 =	rddreg [dreg:$0x7];
	s14 =	simm.s32 $0x14080  }
0x2f: {  	[tilespmem:s14], [sflag:$0xA] =	stream.linear.gather [hbm4b:s13+s4], $0x80, $0x38;
	[tilespmem:$0x14200] =	vst v63  }
0x30: {  	s20 =	rddreg [dreg:$0x8];
	s22 =	simm.s32 $0x9  }
0x31: {  	[tilespmem:s21], [sflag:$0xB] =	stream.linear.gather [hbm4b:s20+s4], $0x80, $0x38;
	[tilespmem:$0x14200] =	vst v63  }
0x32: {  	_ =	swait.ge [sflag:s22], $0x80  }
0x33: {  	[sflag:s22] =	ssyncset.done $0x0  }
0x34: {  	s24 =	simm.s32 $0x4000;
	[sflag:s22] =	ssyncadd.s32 $0xFFFFFF80  }
0x35: {  	[tilespmem:s24], [sflag:$0x1] =	stream.indirect.gather [hbm4b:s1+s23], $0x80, s6, s23, $0xb8;
	[tilespmem:$0x14200] =	vst v63  }
0x36: {  	_ =	swait.ge [sflag:s25], $0x80  }
0x37: {  	[sflag:s25] =	ssyncset.done $0x0  }
0x38: {  	[sflag:s25] =	ssyncadd.s32 $0xFFFFFF80  }
0x39: {  	[tilespmem:s26], [sflag:$0x2] =	stream.indirect.gather [hbm4b:s1+s23], $0x80, s14, s23, $0xb8;
	[tilespmem:$0x14200] =	vst v63  }
0x3a: {  	_ =	swait.ge [sflag:s12], $0x4000  }
0x3b: {  	[sflag:s12] =	ssyncset.done $0x0  }
0x3c: {  	s28 =	simm.s32 $0x0;
	[sflag:s12] =	ssyncadd.s32 $0xFFFFC000  }
.LBB2_2:
0x3d: {  	_ =	swait.ge [sflag:s29], $0x4000  }
0x3e: {  	[sflag:s29] =	ssyncset.done $0x0  }
0x3f: {  	s2 =	simm.s32 $0x4100;
	[sflag:s29] =	ssyncadd.s32 $0xFFFFC000  }
0x40: {  	v0 =	vld [tilespmem:s2+$0x80]  }
0x41: {  	s20 =	simm.s32 $0x100;
	v1 =	vld [tilespmem:s2+$0xFFFFFF80]  }
0x42: {  	v2 =	vld [tilespmem:s20+$0x80]  }
0x43: {  	v3 =	vld [tilespmem:s2+$0xFFFFFF00]  }
0x44: {  	v4 =	vld [tilespmem:s2+$0x0]  }
0x45: {  	v5 =	vld [tilespmem:s20+$0xFFFFFF00]  }
0x46: {  	v6 =	vld [tilespmem:s20+$0xFFFFFF80]  }
0x47: {  	v7 =	vld [tilespmem:s20+$0x0]  }
0x48: {  	s7 =	simm.s32 $0x4300;
	v8 =	vld [tilespmem:s2+$0xFFFFFF10]  }
0x49: {  	s14 =	simm.s32 $0x300;
	v10 =	vld [tilespmem:s7+$0xFFFFFF80];
	v0 =	vmul.f32 $1.131370830e+01, v0  }
0x4a: {  	v11 =	vld [tilespmem:s14+$0x80]  }
0x4b: {  	v12 =	vld [tilespmem:s7+$0xFFFFFF00];
	v3 =	vmul.f32 $1.131370830e+01, v3;
	v0 =	vadd.f32 v2, v0  }
0x4c: {  	v2 =	vld [tilespmem:s2+$0x90]  }
0x4d: {  	v13 =	vld [tilespmem:s7+$0x0];
	v1 =	vmul.f32 $1.131370830e+01, v1;
	v3 =	vadd.f32 v5, v3;
	[tilespmem:s2+$0x80] =	vst v0  }
0x4e: {  	v0 =	vld [tilespmem:s20+$0x90]  }
0x4f: {  	v4 =	vmul.f32 $1.131370830e+01, v4;
	v1 =	vadd.f32 v6, v1;
	v5 =	vld [tilespmem:s2+$0xFFFFFF90];
	[tilespmem:s2+$0xFFFFFF00] =	vst v3  }
0x50: {  	v3 =	vld [tilespmem:s20+$0xFFFFFF10]  }
0x51: {  	v6 =	vld [tilespmem:s2+$0x10];
	[tilespmem:s2+$0xFFFFFF80] =	vst v1;
	v1 =	vadd.f32 v7, v4;
	v2 =	vmul.f32 $1.131370830e+01, v2  }
0x52: {  	v4 =	vld [tilespmem:s20+$0xFFFFFF90]  }
0x53: {  	[tilespmem:s2+$0x0] =	vst v1;
	v1 =	vld [tilespmem:s2+$0xA0];
	v0 =	vadd.f32 v0, v2;
	v2 =	vmul.f32 $1.131370830e+01, v8  }
0x54: {  	v8 =	vld [tilespmem:s20+$0x10]  }
0x55: {  	v7 =	vld [tilespmem:s2+$0xFFFFFF20];
	v5 =	vmul.f32 $1.131370830e+01, v5;
	[tilespmem:s2+$0x90] =	vst v0;
	v2 =	vadd.f32 v3, v2  }
0x56: {  	v0 =	vld [tilespmem:s20+$0xA0]  }
0x57: {  	v4 =	vadd.f32 v4, v5;
	v5 =	vmul.f32 $1.131370830e+01, v6;
	v3 =	vld [tilespmem:s2+$0xFFFFFFA0];
	[tilespmem:s2+$0xFFFFFF10] =	vst v2  }
0x58: {  	v2 =	vld [tilespmem:s20+$0xFFFFFF20]  }
0x59: {  	v6 =	vld [tilespmem:s2+$0x20];
	v1 =	vmul.f32 $1.131370830e+01, v1;
	[tilespmem:s2+$0xFFFFFF90] =	vst v4;
	v4 =	vadd.f32 v8, v5  }
0x5a: {  	v5 =	vld [tilespmem:s20+$0xFFFFFFA0]  }
0x5b: {  	[tilespmem:s2+$0x10] =	vst v4;
	v4 =	vld [tilespmem:s2+$0xB0];
	v0 =	vadd.f32 v0, v1;
	v1 =	vmul.f32 $1.131370830e+01, v7  }
0x5c: {  	v7 =	vld [tilespmem:s20+$0x20]  }
0x5d: {  	v8 =	vld [tilespmem:s2+$0xFFFFFF30];
	v3 =	vmul.f32 $1.131370830e+01, v3;
	[tilespmem:s2+$0xA0] =	vst v0;
	v1 =	vadd.f32 v2, v1  }
0x5e: {  	v0 =	vld [tilespmem:s20+$0xB0]  }
0x5f: {  	v2 =	vld [tilespmem:s2+$0xFFFFFFB0];
	v3 =	vadd.f32 v5, v3;
	v5 =	vmul.f32 $1.131370830e+01, v6;
	[tilespmem:s2+$0xFFFFFF20] =	vst v1  }
0x60: {  	v1 =	vmul.f32 $1.131370830e+01, v4;
	v4 =	vld [tilespmem:s20+$0xFFFFFF30]  }
0x61: {  	v6 =	vld [tilespmem:s2+$0x30];
	[tilespmem:s2+$0xFFFFFFA0] =	vst v3;
	v3 =	vadd.f32 v7, v5  }
0x62: {  	v5 =	vld [tilespmem:s20+$0xFFFFFFB0]  }
0x63: {  	[tilespmem:s2+$0x20] =	vst v3;
	v3 =	vld [tilespmem:s2+$0xC0];
	v0 =	vadd.f32 v0, v1;
	v1 =	vmul.f32 $1.131370830e+01, v8  }
0x64: {  	v8 =	vld [tilespmem:s20+$0x30]  }
0x65: {  	v7 =	vld [tilespmem:s2+$0xFFFFFF40];
	v2 =	vmul.f32 $1.131370830e+01, v2;
	[tilespmem:s2+$0xB0] =	vst v0;
	v1 =	vadd.f32 v4, v1  }
0x66: {  	v0 =	vld [tilespmem:s20+$0xC0]  }
0x67: {  	v4 =	vld [tilespmem:s2+$0xFFFFFFC0];
	v2 =	vadd.f32 v5, v2;
	v5 =	vmul.f32 $1.131370830e+01, v6;
	[tilespmem:s2+$0xFFFFFF30] =	vst v1  }
0x68: {  	v1 =	vmul.f32 $1.131370830e+01, v3;
	v3 =	vld [tilespmem:s20+$0xFFFFFF40]  }
0x69: {  	v6 =	vld [tilespmem:s2+$0x40];
	[tilespmem:s2+$0xFFFFFFB0] =	vst v2;
	v2 =	vadd.f32 v8, v5  }
0x6a: {  	v5 =	vld [tilespmem:s20+$0xFFFFFFC0]  }
0x6b: {  	[tilespmem:s2+$0x30] =	vst v2;
	v2 =	vld [tilespmem:s2+$0xD0];
	v0 =	vadd.f32 v0, v1;
	v1 =	vmul.f32 $1.131370830e+01, v7  }
0x6c: {  	v8 =	vld [tilespmem:s2+$0xFFFFFF50]  }
0x6d: {  	v7 =	vld [tilespmem:s20+$0x40];
	[tilespmem:s2+$0xC0] =	vst v0;
	v1 =	vadd.f32 v3, v1  }
0x6e: {  	v4 =	vmul.f32 $1.131370830e+01, v4;
	v0 =	vld [tilespmem:s20+$0xD0]  }
0x6f: {  	v14 =	vld [tilespmem:s14+$0xFFFFFF00];
	[tilespmem:s2+$0xFFFFFF40] =	vst v1  }
0x70: {  	v4 =	vadd.f32 v5, v4;
	v5 =	vmul.f32 $1.131370830e+01, v6;
	v1 =	vmul.f32 $1.131370830e+01, v2;
	v2 =	vld [tilespmem:s20+$0xFFFFFF50]  }
0x71: {  	v15 =	vld [tilespmem:s14+$0xFFFFFF80]  }
0x72: {  	v16 =	vld [tilespmem:s14+$0x0];
	[tilespmem:s2+$0xFFFFFFC0] =	vst v4;
	v4 =	vadd.f32 v7, v5  }
0x73: {  	v17 =	vld [tilespmem:s7+$0xFFFFFF10];
	v0 =	vadd.f32 v0, v1;
	v1 =	vmul.f32 $1.131370830e+01, v8  }
0x74: {  	[tilespmem:s2+$0x40] =	vst v4;
	v4 =	vld [tilespmem:s2+$0xE0]  }
0x75: {  	v7 =	vld [tilespmem:s2+$0xFFFFFF60];
	[tilespmem:s2+$0xD0] =	vst v0;
	v1 =	vadd.f32 v2, v1  }
0x76: {  	v0 =	vld [tilespmem:s20+$0xE0]  }
0x77: {  	v26 =	vld [tilespmem:s7+$0xFFFFFF90];
	[tilespmem:s2+$0xFFFFFF50] =	vst v1  }
0x78: {  	v9 =	vld [tilespmem:s20+$0xFFFFFF60]  }
0x79: {  	v27 =	vld [tilespmem:s7+$0x10];
	v1 =	vmul.f32 $1.131370830e+01, v4  }
0x7a: {  	v28 =	vld [tilespmem:s7+$0xFFFFFF20]  }
0x7b: {  	v29 =	vld [tilespmem:s7+$0xA0];
	v0 =	vadd.f32 v0, v1;
	v1 =	vmul.f32 $1.131370830e+01, v7  }
0x7c: {  	v32 =	vld [tilespmem:s7+$0xFFFFFFA0]  }
0x7d: {  	v36 =	vld [tilespmem:s7+$0xB0];
	v9 =	vadd.f32 v9, v1  }
0x7e: {  	v39 =	vld [tilespmem:s7+$0xFFFFFFB0]  }
0x7f: {  	[tilespmem:s2+$0xFFFFFF60] =	vst v9;
	v9 =	vld [tilespmem:s7+$0x80]  }
0x80: {  	v40 =	vld [tilespmem:s7+$0x30]  }
0x81: {  	v47 =	vld [tilespmem:s7+$0xFFFFFFC0]  }
0x82: {  	v48 =	vld [tilespmem:s7+$0x40]  }
0x83: {  	v49 =	vld [tilespmem:s7+$0xFFFFFF50]  }
0x84: {  	v51 =	vld [tilespmem:s7+$0xD0];
	v9 =	vmul.f32 $1.131370830e+01, v9  }
0x85: {  	v54 =	vld [tilespmem:s7+$0x50]  }
0x86: {  	v57 =	vld [tilespmem:s7+$0xE0];
	v9 =	vadd.f32 v11, v9  }
0x87: {  	v12 =	vmul.f32 $1.131370830e+01, v12;
	v11 =	vld [tilespmem:s7+$0x90]  }
0x88: {  	v59 =	vld [tilespmem:s7+$0xFFFFFFE0];
	v13 =	vmul.f32 $1.131370830e+01, v13;
	[tilespmem:s7+$0x80] =	vst v9  }
0x89: {  	v12 =	vadd.f32 v14, v12;
	v9 =	vmul.f32 $1.131370830e+01, v10;
	v10 =	vld [tilespmem:s14+$0x90]  }
0x8a: {  	v60 =	vld [tilespmem:s7+$0x60];
	v13 =	vadd.f32 v16, v13  }
0x8b: {  	v61 =	vld [tilespmem:s7+$0xFFFFFF70];
	[tilespmem:s7+$0xFFFFFF00] =	vst v12;
	v9 =	vadd.f32 v15, v9  }
0x8c: {  	[tilespmem:s7+$0x0] =	vst v13;
	v12 =	vld [tilespmem:s14+$0xFFFFFF10];
	v11 =	vmul.f32 $1.131370830e+01, v11  }
0x8d: {  	v30 =	vld [tilespmem:s14+$0x10];
	[tilespmem:s7+$0xFFFFFF80] =	vst v9  }
0x8e: {  	v9 =	vld [tilespmem:s14+$0xFFFFFF90];
	v10 =	vadd.f32 v10, v11  }
0x8f: {  	v3 =	vld [tilespmem:s2+$0xFFFFFFD0]  }
0x90: {  	v6 =	vld [tilespmem:s2+$0x50];
	v11 =	vmul.f32 $1.131370830e+01, v17;
	[tilespmem:s7+$0x90] =	vst v10  }
0x91: {  	v10 =	vmul.f32 $1.131370830e+01, v26;
	v31 =	vld [tilespmem:s14+$0xA0]  }
0x92: {  	v5 =	vld [tilespmem:s20+$0xFFFFFFD0];
	v11 =	vadd.f32 v12, v11  }
0x93: {  	v8 =	vld [tilespmem:s20+$0x50];
	v15 =	vmul.f32 $1.131370830e+01, v27;
	v9 =	vadd.f32 v9, v10  }
0x94: {  	v10 =	vld [tilespmem:s7+$0x20];
	[tilespmem:s7+$0xFFFFFF10] =	vst v11;
	v11 =	vmul.f32 $1.131370830e+01, v29  }
0x95: {  	v15 =	vadd.f32 v30, v15;
	v33 =	vld [tilespmem:s14+$0xFFFFFF20];
	[tilespmem:s7+$0xFFFFFF90] =	vst v9  }
0x96: {  	v34 =	vld [tilespmem:s14+$0xFFFFFFA0];
	v11 =	vadd.f32 v31, v11  }
0x97: {  	v2 =	vld [tilespmem:s2+$0xFFFFFFE0];
	[tilespmem:s7+$0x10] =	vst v15  }
0x98: {  	v35 =	vmul.f32 $1.131370830e+01, v28;
	v3 =	vmul.f32 $1.131370830e+01, v3;
	v37 =	vld [tilespmem:s14+$0x20];
	[tilespmem:s7+$0xA0] =	vst v11  }
0x99: {  	v11 =	vmul.f32 $1.131370830e+01, v32;
	v38 =	vld [tilespmem:s14+$0xB0]  }
0x9a: {  	v5 =	vadd.f32 v5, v3;
	v3 =	vld [tilespmem:s2+$0x60];
	v13 =	vadd.f32 v33, v35  }
0x9b: {  	v9 =	vld [tilespmem:s7+$0xFFFFFF30];
	v10 =	vmul.f32 $1.131370830e+01, v10;
	v11 =	vadd.f32 v34, v11  }
0x9c: {  	v41 =	vmul.f32 $1.131370830e+01, v36;
	v4 =	vld [tilespmem:s2+$0xFFFFFF70];
	[tilespmem:s7+$0xFFFFFF20] =	vst v13  }
0x9d: {  	v10 =	vadd.f32 v37, v10;
	v42 =	vld [tilespmem:s14+$0xFFFFFF30];
	[tilespmem:s7+$0xFFFFFFA0] =	vst v11  }
0x9e: {  	v43 =	vld [tilespmem:s14+$0xFFFFFFB0];
	v12 =	vadd.f32 v38, v41  }
0x9f: {  	[tilespmem:s7+$0x20] =	vst v10;
	v10 =	vld [tilespmem:s7+$0xC0]  }
0xa0: {  	v6 =	vmul.f32 $1.131370830e+01, v6;
	v9 =	vmul.f32 $1.131370830e+01, v9;
	v44 =	vld [tilespmem:s14+$0x30];
	[tilespmem:s7+$0xB0] =	vst v12  }
0xa1: {  	v45 =	vmul.f32 $1.131370830e+01, v39;
	[tilespmem:s2+$0xFFFFFFD0] =	vst v5;
	v46 =	vld [tilespmem:s14+$0xC0]  }
0xa2: {  	v5 =	vadd.f32 v8, v6;
	v6 =	vld [tilespmem:s20+$0xFFFFFFE0];
	v9 =	vadd.f32 v42, v9  }
0xa3: {  	v17 =	vmul.f32 $1.131370830e+01, v40;
	v11 =	vld [tilespmem:s7+$0xFFFFFF40];
	v12 =	vadd.f32 v43, v45  }
0xa4: {  	v8 =	vld [tilespmem:s2+$0xF0];
	[tilespmem:s7+$0xFFFFFF30] =	vst v9;
	v9 =	vmul.f32 $1.131370830e+01, v10  }
0xa5: {  	v13 =	vadd.f32 v44, v17;
	v10 =	vld [tilespmem:s14+$0xFFFFFF40];
	[tilespmem:s7+$0xFFFFFFB0] =	vst v12  }
0xa6: {  	[tilespmem:s2+$0x50] =	vst v5;
	v50 =	vld [tilespmem:s14+$0xFFFFFFC0];
	v9 =	vadd.f32 v46, v9  }
0xa7: {  	v7 =	vld [tilespmem:s20+$0x60];
	[tilespmem:s7+$0x30] =	vst v13  }
0xa8: {  	v11 =	vmul.f32 $1.131370830e+01, v11;
	v52 =	vld [tilespmem:s14+$0x40];
	[tilespmem:s7+$0xC0] =	vst v9  }
0xa9: {  	v9 =	vmul.f32 $1.131370830e+01, v47;
	v53 =	vld [tilespmem:s14+$0xD0]  }
0xaa: {  	v1 =	vld [tilespmem:s2+$0xFFFFFFF0];
	v10 =	vadd.f32 v10, v11  }
0xab: {  	v16 =	vmul.f32 $1.131370830e+01, v48;
	[tilespmem:s2+$0xE0] =	vst v0;
	v0 =	vld [tilespmem:s2+$0x70];
	v9 =	vadd.f32 v50, v9  }
0xac: {  	v11 =	vld [tilespmem:s7+$0xFFFFFFD0];
	[tilespmem:s7+$0xFFFFFF40] =	vst v10;
	v10 =	vmul.f32 $1.131370830e+01, v51  }
0xad: {  	v14 =	vadd.f32 v52, v16;
	v55 =	vld [tilespmem:s14+$0xFFFFFF50];
	[tilespmem:s7+$0xFFFFFFC0] =	vst v9  }
0xae: {  	v56 =	vld [tilespmem:s14+$0xFFFFFFD0];
	v10 =	vadd.f32 v53, v10  }
0xaf: {  	v2 =	vmul.f32 $1.131370830e+01, v2;
	v5 =	vld [tilespmem:s20+$0xF0];
	[tilespmem:s7+$0x40] =	vst v14  }
0xb0: {  	v12 =	vmul.f32 $1.131370830e+01, v49;
	v58 =	vld [tilespmem:s14+$0x50];
	[tilespmem:s7+$0xD0] =	vst v10  }
0xb1: {  	v2 =	vadd.f32 v6, v2;
	v10 =	vmul.f32 $1.131370830e+01, v11;
	v11 =	vld [tilespmem:s14+$0xE0]  }
0xb2: {  	v6 =	vld [tilespmem:s20+$0xFFFFFF70];
	v12 =	vadd.f32 v55, v12  }
0xb3: {  	[tilespmem:s2+$0xFFFFFFE0] =	vst v2;
	v17 =	vmul.f32 $1.131370830e+01, v54;
	v9 =	vld [tilespmem:s7+$0xFFFFFF60];
	v10 =	vadd.f32 v56, v10  }
0xb4: {  	v2 =	vld [tilespmem:s20+$0xFFFFFFF0];
	v14 =	vmul.f32 $1.131370830e+01, v57;
	[tilespmem:s7+$0xFFFFFF50] =	vst v12  }
0xb5: {  	v3 =	vmul.f32 $1.131370830e+01, v3;
	v62 =	vld [tilespmem:s14+$0xFFFFFF60];
	[tilespmem:s7+$0xFFFFFFD0] =	vst v10;
	v10 =	vadd.f32 v58, v17  }
0xb6: {  	v8 =	vmul.f32 $1.131370830e+01, v8;
	v63 =	vld [tilespmem:s14+$0xFFFFFFE0];
	v11 =	vadd.f32 v11, v14  }
0xb7: {  	v4 =	vmul.f32 $1.131370830e+01, v4;
	v3 =	vadd.f32 v7, v3;
	v7 =	vld [tilespmem:s7+$0xF0];
	[tilespmem:s7+$0x50] =	vst v10  }
0xb8: {  	v5 =	vadd.f32 v5, v8;
	v8 =	vmul.f32 $1.131370830e+01, v9;
	v9 =	vld [tilespmem:s14+$0x60];
	[tilespmem:s7+$0xE0] =	vst v11  }
0xb9: {  	[tilespmem:s2+$0x60] =	vst v3;
	v3 =	vadd.f32 v6, v4;
	v6 =	vmul.f32 $1.131370830e+01, v59;
	v10 =	vld [tilespmem:s14+$0xF0]  }
0xba: {  	v1 =	vmul.f32 $1.131370830e+01, v1;
	[tilespmem:s2+$0xF0] =	vst v5;
	v4 =	vld [tilespmem:s7+$0xFFFFFFF0];
	v5 =	vadd.f32 v62, v8  }
0xbb: {  	[tilespmem:s2+$0xFFFFFF70] =	vst v3;
	v3 =	vld [tilespmem:s7+$0x70];
	v8 =	vmul.f32 $1.131370830e+01, v60;
	v6 =	vadd.f32 v63, v6  }
0xbc: {  	v1 =	vadd.f32 v2, v1;
	v7 =	vmul.f32 $1.131370830e+01, v7;
	v2 =	vld [tilespmem:s20+$0x70];
	[tilespmem:s7+$0xFFFFFF60] =	vst v5  }
0xbd: {  	v5 =	vld [tilespmem:s14+$0xFFFFFF70];
	[tilespmem:s7+$0xFFFFFFE0] =	vst v6;
	v8 =	vadd.f32 v9, v8  }
0xbe: {  	s6 =	simm.s32 $0x4;
	s12 =	simm.s32 $0x4500;
	v0 =	vmul.f32 $1.131370830e+01, v0;
	s20 =	simm.s32 $0x300;
	[tilespmem:s2+$0xFFFFFFF0] =	vst v1;
	v1 =	vmul.f32 $1.131370830e+01, v61;
	v6 =	vld [tilespmem:s14+$0xFFFFFFF0];
	v7 =	vadd.f32 v10, v7  }
.LBB2_3:
0xbf: {  	v9 =	vld [tilespmem:s12+$0x80];
	s6 =	sadd.s32 $0x4, s6;
	v4 =	vmul.f32 $1.131370830e+01, v4;
	[tilespmem:s7+$0x60] =	vst v8  }
0xc0: {  	s14 =	sadd.s32 $0x200, s14;
	v8 =	vld [tilespmem:s12+$0xFFFFFF80];
	p0 =	slt.u32 s6, $0x7C;
	v3 =	vmul.f32 $1.131370830e+01, v3;
	[tilespmem:s7+$0xF0] =	vst v7  }
0xc1: {  	v7 =	vld [tilespmem:s14+$0x80];
	v2 =	vadd.f32 v2, v0  }
0xc2: {  	v10 =	vld [tilespmem:s12+$0x0];
	v1 =	vadd.f32 v5, v1;
	v0 =	vmov v3  }
0xc3: {  	v3 =	vld [tilespmem:s12+$0xFFFFFF00];
	v4 =	vadd.f32 v6, v4;
	[tilespmem:s2+$0x70] =	vst v2;
	s2 =	smov.u32 s7;
	s7 =	smov.u32 s12  }
0xc4: {  	v2 =	vld [tilespmem:s14+$0xFFFFFF00];
	v5 =	vmul.f32 $1.131370830e+01, v9;
	[tilespmem:s2+$0xFFFFFF70] =	vst v1  }
0xc5: {  	v1 =	vmul.f32 $1.131370830e+01, v8;
	v6 =	vld [tilespmem:s14+$0xFFFFFF80];
	[tilespmem:s2+$0xFFFFFFF0] =	vst v4  }
0xc6: {  	v4 =	vld [tilespmem:s14+$0x0];
	v5 =	vadd.f32 v7, v5  }
0xc7: {  	v7 =	vmul.f32 $1.131370830e+01, v10;
	v8 =	vld [tilespmem:s12+$0x90]  }
0xc8: {  	v3 =	vmul.f32 $1.131370830e+01, v3;
	v9 =	vld [tilespmem:s12+$0xFFFFFF10];
	[tilespmem:s12+$0x80] =	vst v5  }
0xc9: {  	v5 =	vld [tilespmem:s14+$0x90]  }
0xca: {  	v2 =	vadd.f32 v2, v3;
	v1 =	vadd.f32 v6, v1;
	v3 =	vld [tilespmem:s12+$0xFFFFFF90]  }
0xcb: {  	v4 =	vadd.f32 v4, v7;
	v6 =	vld [tilespmem:s12+$0x10]  }
0xcc: {  	[tilespmem:s12+$0xFFFFFF00] =	vst v2;
	v2 =	vld [tilespmem:s12+$0xFFFFFF20];
	v7 =	vmul.f32 $1.131370830e+01, v8  }
0xcd: {  	v8 =	vmul.f32 $1.131370830e+01, v9;
	v9 =	vld [tilespmem:s14+$0xFFFFFF10];
	[tilespmem:s12+$0xFFFFFF80] =	vst v1  }
0xce: {  	v1 =	vld [tilespmem:s14+$0xFFFFFF90];
	[tilespmem:s12+$0x0] =	vst v4;
	v4 =	vadd.f32 v5, v7  }
0xcf: {  	v3 =	vmul.f32 $1.131370830e+01, v3;
	v5 =	vld [tilespmem:s12+$0xA0]  }
0xd0: {  	v6 =	vmul.f32 $1.131370830e+01, v6;
	v7 =	vld [tilespmem:s14+$0x10];
	[tilespmem:s12+$0x90] =	vst v4  }
0xd1: {  	v2 =	vmul.f32 $1.131370830e+01, v2;
	v4 =	vld [tilespmem:s14+$0xA0]  }
0xd2: {  	v8 =	vadd.f32 v9, v8;
	v9 =	vld [tilespmem:s12+$0xFFFFFFA0]  }
0xd3: {  	v1 =	vadd.f32 v1, v3;
	v3 =	vld [tilespmem:s12+$0x20]  }
0xd4: {  	[tilespmem:s12+$0xFFFFFF10] =	vst v8;
	v8 =	vld [tilespmem:s12+$0xFFFFFF30];
	v5 =	vmul.f32 $1.131370830e+01, v5  }
0xd5: {  	v10 =	vld [tilespmem:s14+$0xFFFFFF20];
	[tilespmem:s12+$0xFFFFFF90] =	vst v1;
	v1 =	vadd.f32 v7, v6  }
0xd6: {  	v6 =	vld [tilespmem:s14+$0xFFFFFFA0];
	v4 =	vadd.f32 v4, v5  }
0xd7: {  	v5 =	vmul.f32 $1.131370830e+01, v9;
	[tilespmem:s12+$0x10] =	vst v1;
	v1 =	vld [tilespmem:s12+$0xB0]  }
0xd8: {  	v3 =	vmul.f32 $1.131370830e+01, v3;
	v7 =	vld [tilespmem:s14+$0x20];
	[tilespmem:s12+$0xA0] =	vst v4  }
0xd9: {  	v4 =	vmul.f32 $1.131370830e+01, v8;
	v8 =	vld [tilespmem:s14+$0xB0]  }
0xda: {  	v2 =	vadd.f32 v10, v2;
	v9 =	vld [tilespmem:s12+$0xFFFFFFB0]  }
0xdb: {  	v5 =	vadd.f32 v6, v5;
	v6 =	vld [tilespmem:s12+$0x30]  }
0xdc: {  	[tilespmem:s12+$0xFFFFFF20] =	vst v2;
	v2 =	vld [tilespmem:s12+$0xFFFFFF40];
	v1 =	vmul.f32 $1.131370830e+01, v1  }
0xdd: {  	v10 =	vld [tilespmem:s14+$0xFFFFFF30];
	[tilespmem:s12+$0xFFFFFFA0] =	vst v5;
	v3 =	vadd.f32 v7, v3  }
0xde: {  	v5 =	vld [tilespmem:s14+$0xFFFFFFB0];
	v1 =	vadd.f32 v8, v1  }
0xdf: {  	v7 =	vmul.f32 $1.131370830e+01, v9;
	[tilespmem:s12+$0x20] =	vst v3;
	v3 =	vld [tilespmem:s12+$0xC0]  }
0xe0: {  	v6 =	vmul.f32 $1.131370830e+01, v6;
	v8 =	vld [tilespmem:s14+$0x30];
	[tilespmem:s12+$0xB0] =	vst v1  }
0xe1: {  	v1 =	vmul.f32 $1.131370830e+01, v2;
	v2 =	vld [tilespmem:s14+$0xC0]  }
0xe2: {  	v4 =	vadd.f32 v10, v4;
	v9 =	vld [tilespmem:s12+$0xFFFFFFC0]  }
0xe3: {  	v5 =	vadd.f32 v5, v7;
	v7 =	vld [tilespmem:s12+$0x40]  }
0xe4: {  	[tilespmem:s12+$0xFFFFFF30] =	vst v4;
	v4 =	vld [tilespmem:s12+$0xFFFFFF50];
	v3 =	vmul.f32 $1.131370830e+01, v3  }
0xe5: {  	v10 =	vld [tilespmem:s14+$0xFFFFFF40];
	[tilespmem:s12+$0xFFFFFFB0] =	vst v5;
	v5 =	vadd.f32 v8, v6  }
0xe6: {  	v6 =	vld [tilespmem:s14+$0xFFFFFFC0];
	v2 =	vadd.f32 v2, v3  }
0xe7: {  	v3 =	vmul.f32 $1.131370830e+01, v9;
	[tilespmem:s12+$0x30] =	vst v5;
	v5 =	vld [tilespmem:s12+$0xD0]  }
0xe8: {  	v7 =	vmul.f32 $1.131370830e+01, v7;
	v8 =	vld [tilespmem:s14+$0x40];
	[tilespmem:s12+$0xC0] =	vst v2  }
0xe9: {  	v2 =	vmul.f32 $1.131370830e+01, v4;
	v4 =	vld [tilespmem:s14+$0xD0]  }
0xea: {  	v1 =	vadd.f32 v10, v1;
	v9 =	vld [tilespmem:s12+$0xFFFFFFD0]  }
0xeb: {  	v3 =	vadd.f32 v6, v3;
	v6 =	vld [tilespmem:s12+$0x50]  }
0xec: {  	[tilespmem:s12+$0xFFFFFF40] =	vst v1;
	v1 =	vld [tilespmem:s12+$0xFFFFFF60];
	v5 =	vmul.f32 $1.131370830e+01, v5  }
0xed: {  	v10 =	vld [tilespmem:s14+$0xFFFFFF50];
	[tilespmem:s12+$0xFFFFFFC0] =	vst v3;
	v3 =	vadd.f32 v8, v7  }
0xee: {  	v7 =	vld [tilespmem:s14+$0xFFFFFFD0];
	v4 =	vadd.f32 v4, v5  }
0xef: {  	v5 =	vmul.f32 $1.131370830e+01, v9;
	[tilespmem:s12+$0x40] =	vst v3;
	v3 =	vld [tilespmem:s12+$0xE0]  }
0xf0: {  	v6 =	vmul.f32 $1.131370830e+01, v6;
	v8 =	vld [tilespmem:s14+$0x50];
	[tilespmem:s12+$0xD0] =	vst v4  }
0xf1: {  	v4 =	vmul.f32 $1.131370830e+01, v1;
	v1 =	vld [tilespmem:s14+$0xE0]  }
0xf2: {  	v2 =	vadd.f32 v10, v2;
	v9 =	vld [tilespmem:s12+$0xFFFFFFE0]  }
0xf3: {  	v5 =	vadd.f32 v7, v5;
	v7 =	vld [tilespmem:s12+$0x60]  }
0xf4: {  	[tilespmem:s12+$0xFFFFFF50] =	vst v2;
	v2 =	vld [tilespmem:s12+$0xFFFFFF70];
	v3 =	vmul.f32 $1.131370830e+01, v3  }
0xf5: {  	v10 =	vld [tilespmem:s14+$0xFFFFFF60];
	[tilespmem:s12+$0xFFFFFFD0] =	vst v5;
	v5 =	vadd.f32 v8, v6  }
0xf6: {  	v6 =	vld [tilespmem:s14+$0xFFFFFFE0];
	v1 =	vadd.f32 v1, v3  }
0xf7: {  	v3 =	vmul.f32 $1.131370830e+01, v9;
	[tilespmem:s12+$0x50] =	vst v5;
	v5 =	vld [tilespmem:s12+$0xF0]  }
0xf8: {  	v7 =	vmul.f32 $1.131370830e+01, v7;
	v8 =	vld [tilespmem:s14+$0x60];
	[tilespmem:s12+$0xE0] =	vst v1  }
0xf9: {  	v1 =	vmul.f32 $1.131370830e+01, v2;
	v9 =	vld [tilespmem:s14+$0xF0]  }
.Ltmp2:
0xfa: {  	v2 =	vadd.f32 v10, v4;
	v4 =	vld [tilespmem:s12+$0xFFFFFFF0];
	(pc) =	sbr.rel @p0 .LBB2_3-.Ltmp2, $4  }
0xfb: {  	v6 =	vadd.f32 v6, v3;
	v3 =	vld [tilespmem:s12+$0x70]  }
0xfc: {  	[tilespmem:s12+$0xFFFFFF60] =	vst v2;
	v10 =	vmul.f32 $1.131370830e+01, v5;
	v2 =	vld [tilespmem:s20+$0x70];
	s20 =	smov.u32 s14  }
0xfd: {  	v5 =	vld [tilespmem:s14+$0xFFFFFF70];
	[tilespmem:s12+$0xFFFFFFE0] =	vst v6;
	v8 =	vadd.f32 v8, v7  }
0xfe: {  	s12 =	sadd.s32 $0x200, s12;
	v6 =	vld [tilespmem:s14+$0xFFFFFFF0];
	v7 =	vadd.f32 v9, v10  }
0xff: {  	[tilespmem:s7+$0x60] =	vst v8  }
0x100: {  	v8 =	vld [tilespmem:s20+$0x70];
	_ =	sdelay $0x1  }
0x101: {  	v4 =	vmul.f32 $1.131370830e+01, v4;
	v0 =	vadd.f32 v2, v0  }
0x102: {  	[tilespmem:s7+$0xF0] =	vst v7;
	v2 =	vmul.f32 $1.131370830e+01, v3;
	v1 =	vadd.f32 v5, v1  }
0x103: {  	v3 =	vadd.f32 v6, v4;
	[tilespmem:s2+$0x70] =	vst v0  }
0x104: {  	s20 =	sshll.u32 s28, $0x12;
	[tilespmem:s7+$0xFFFFFF70] =	vst v1;
	v0 =	vadd.f32 v8, v2  }
0x105: {  	s6 =	rddreg [dreg:$0x3];
	s2 =	sor.u32 s15, s20;
	[tilespmem:s7+$0xFFFFFFF0] =	vst v3  }
0x106: {  	s22 =	simm.s32 $0x4000;
	s6 =	sadd.s32 s6, s2;
	[tilespmem:s7+$0x70] =	vst v0;
	s7 =	sshllo.u32 s28, $0x2  }
0x107: {  	[hbm4b:s6+s4] =	stream.linear.scatter [tilespmem:s22], [sflag:$0x5], $0x4000, $0x38;
	[tilespmem:$0x14200] =	vst v63  }
0x108: {  	s24 =	sshll.u32 s7, $0xC  }
0x109: {  	s6 =	sor.u32 s8, s24  }
0x10a: {  	s6 =	sshrl.u32 s6, $0x3  }
0x10b: {  	p0 =	seq.s32 s28, $0x0;
	s6 =	sadd.s32 s5, s6  }
0x10c: {  	[tilespmem:s30], [sflag:$0xC] =	stream.linear.gather [hbm4b:s6+s4], $0x80, $0x38;
	[tilespmem:$0x14200] =	vst v63  }
0x10d: {  	s6 =	simm.s32 @!p0 $0x7  }
0x10e: {  	_ =	swait.ge @!p0 [sflag:s6], $0x4000  }
0x10f: {  	[sflag:s6] =	ssyncset.done @!p0 $0x0  }
0x110: {  	[sflag:s6] =	ssyncadd.s32 @!p0 $0xFFFFC000  }
0x111: {  	_ =	swait.ge [sflag:s31], $0x80  }
0x112: {  	[sflag:s31] =	ssyncset.done $0x0  }
0x113: {  	[sflag:s31] =	ssyncadd.s32 $0xFFFFFF80  }
0x114: {  	[tilespmem:s0], [sflag:$0x3] =	stream.indirect.gather [hbm4b:s1+s23], $0x80, s21, s23, $0xb8;
	[tilespmem:$0x14200] =	vst v63  }
0x115: {  	_ =	swait.ge [sflag:s3], $0x4000  }
0x116: {  	[sflag:s3] =	ssyncset.done $0x0  }
0x117: {  	s20 =	simm.s32 $0x8100;
	[sflag:s3] =	ssyncadd.s32 $0xFFFFC000  }
0x118: {  	v0 =	vld [tilespmem:s20+$0x80]  }
0x119: {  	s22 =	simm.s32 $0x100;
	v1 =	vld [tilespmem:s20+$0xFFFFFF80]  }
0x11a: {  	v2 =	vld [tilespmem:s22+$0x80]  }
0x11b: {  	v3 =	vld [tilespmem:s20+$0xFFFFFF00]  }
0x11c: {  	v4 =	vld [tilespmem:s20+$0x0]  }
0x11d: {  	v5 =	vld [tilespmem:s22+$0xFFFFFF00]  }
0x11e: {  	v6 =	vld [tilespmem:s22+$0xFFFFFF80]  }
0x11f: {  	v7 =	vld [tilespmem:s22+$0x0]  }
0x120: {  	s24 =	simm.s32 $0x8300;
	v8 =	vld [tilespmem:s20+$0xFFFFFF10]  }
0x121: {  	s14 =	simm.s32 $0x300;
	v10 =	vld [tilespmem:s24+$0xFFFFFF80];
	v0 =	vmul.f32 $1.131370830e+01, v0  }
0x122: {  	v11 =	vld [tilespmem:s14+$0x80]  }
0x123: {  	v12 =	vld [tilespmem:s24+$0xFFFFFF00];
	v3 =	vmul.f32 $1.131370830e+01, v3;
	v0 =	vadd.f32 v2, v0  }
0x124: {  	v2 =	vld [tilespmem:s20+$0x90]  }
0x125: {  	v13 =	vld [tilespmem:s24+$0x0];
	v1 =	vmul.f32 $1.131370830e+01, v1;
	v3 =	vadd.f32 v5, v3;
	[tilespmem:s20+$0x80] =	vst v0  }
0x126: {  	v0 =	vld [tilespmem:s22+$0x90]  }
0x127: {  	v4 =	vmul.f32 $1.131370830e+01, v4;
	v1 =	vadd.f32 v6, v1;
	v5 =	vld [tilespmem:s20+$0xFFFFFF90];
	[tilespmem:s20+$0xFFFFFF00] =	vst v3  }
0x128: {  	v3 =	vld [tilespmem:s22+$0xFFFFFF10]  }
0x129: {  	v6 =	vld [tilespmem:s20+$0x10];
	[tilespmem:s20+$0xFFFFFF80] =	vst v1;
	v1 =	vadd.f32 v7, v4;
	v2 =	vmul.f32 $1.131370830e+01, v2  }
0x12a: {  	v4 =	vld [tilespmem:s22+$0xFFFFFF90]  }
0x12b: {  	[tilespmem:s20+$0x0] =	vst v1;
	v1 =	vld [tilespmem:s20+$0xA0];
	v0 =	vadd.f32 v0, v2;
	v2 =	vmul.f32 $1.131370830e+01, v8  }
0x12c: {  	v8 =	vld [tilespmem:s22+$0x10]  }
0x12d: {  	v7 =	vld [tilespmem:s20+$0xFFFFFF20];
	v5 =	vmul.f32 $1.131370830e+01, v5;
	[tilespmem:s20+$0x90] =	vst v0;
	v2 =	vadd.f32 v3, v2  }
0x12e: {  	v0 =	vld [tilespmem:s22+$0xA0]  }
0x12f: {  	v4 =	vadd.f32 v4, v5;
	v5 =	vmul.f32 $1.131370830e+01, v6;
	v3 =	vld [tilespmem:s20+$0xFFFFFFA0];
	[tilespmem:s20+$0xFFFFFF10] =	vst v2  }
0x130: {  	v2 =	vld [tilespmem:s22+$0xFFFFFF20]  }
0x131: {  	v6 =	vld [tilespmem:s20+$0x20];
	v1 =	vmul.f32 $1.131370830e+01, v1;
	[tilespmem:s20+$0xFFFFFF90] =	vst v4;
	v4 =	vadd.f32 v8, v5  }
0x132: {  	v5 =	vld [tilespmem:s22+$0xFFFFFFA0]  }
0x133: {  	[tilespmem:s20+$0x10] =	vst v4;
	v4 =	vld [tilespmem:s20+$0xB0];
	v0 =	vadd.f32 v0, v1;
	v1 =	vmul.f32 $1.131370830e+01, v7  }
0x134: {  	v7 =	vld [tilespmem:s22+$0x20]  }
0x135: {  	v8 =	vld [tilespmem:s20+$0xFFFFFF30];
	v3 =	vmul.f32 $1.131370830e+01, v3;
	[tilespmem:s20+$0xA0] =	vst v0;
	v1 =	vadd.f32 v2, v1  }
0x136: {  	v0 =	vld [tilespmem:s22+$0xB0]  }
0x137: {  	v2 =	vld [tilespmem:s20+$0xFFFFFFB0];
	v3 =	vadd.f32 v5, v3;
	v5 =	vmul.f32 $1.131370830e+01, v6;
	[tilespmem:s20+$0xFFFFFF20] =	vst v1  }
0x138: {  	v1 =	vmul.f32 $1.131370830e+01, v4;
	v4 =	vld [tilespmem:s22+$0xFFFFFF30]  }
0x139: {  	v6 =	vld [tilespmem:s20+$0x30];
	[tilespmem:s20+$0xFFFFFFA0] =	vst v3;
	v3 =	vadd.f32 v7, v5  }
0x13a: {  	v5 =	vld [tilespmem:s22+$0xFFFFFFB0]  }
0x13b: {  	[tilespmem:s20+$0x20] =	vst v3;
	v3 =	vld [tilespmem:s20+$0xC0];
	v0 =	vadd.f32 v0, v1;
	v1 =	vmul.f32 $1.131370830e+01, v8  }
0x13c: {  	v8 =	vld [tilespmem:s22+$0x30]  }
0x13d: {  	v7 =	vld [tilespmem:s20+$0xFFFFFF40];
	v2 =	vmul.f32 $1.131370830e+01, v2;
	[tilespmem:s20+$0xB0] =	vst v0;
	v1 =	vadd.f32 v4, v1  }
0x13e: {  	v0 =	vld [tilespmem:s22+$0xC0]  }
0x13f: {  	v4 =	vld [tilespmem:s20+$0xFFFFFFC0];
	v2 =	vadd.f32 v5, v2;
	v5 =	vmul.f32 $1.131370830e+01, v6;
	[tilespmem:s20+$0xFFFFFF30] =	vst v1  }
0x140: {  	v1 =	vmul.f32 $1.131370830e+01, v3;
	v3 =	vld [tilespmem:s22+$0xFFFFFF40]  }
0x141: {  	v6 =	vld [tilespmem:s20+$0x40];
	[tilespmem:s20+$0xFFFFFFB0] =	vst v2;
	v2 =	vadd.f32 v8, v5  }
0x142: {  	v5 =	vld [tilespmem:s22+$0xFFFFFFC0]  }
0x143: {  	[tilespmem:s20+$0x30] =	vst v2;
	v2 =	vld [tilespmem:s20+$0xD0];
	v0 =	vadd.f32 v0, v1;
	v1 =	vmul.f32 $1.131370830e+01, v7  }
0x144: {  	v8 =	vld [tilespmem:s20+$0xFFFFFF50]  }
0x145: {  	v7 =	vld [tilespmem:s22+$0x40];
	[tilespmem:s20+$0xC0] =	vst v0;
	v1 =	vadd.f32 v3, v1  }
0x146: {  	v4 =	vmul.f32 $1.131370830e+01, v4;
	v0 =	vld [tilespmem:s22+$0xD0]  }
0x147: {  	v14 =	vld [tilespmem:s14+$0xFFFFFF00];
	[tilespmem:s20+$0xFFFFFF40] =	vst v1  }
0x148: {  	v4 =	vadd.f32 v5, v4;
	v5 =	vmul.f32 $1.131370830e+01, v6;
	v1 =	vmul.f32 $1.131370830e+01, v2;
	v2 =	vld [tilespmem:s22+$0xFFFFFF50]  }
0x149: {  	v15 =	vld [tilespmem:s14+$0xFFFFFF80]  }
0x14a: {  	v16 =	vld [tilespmem:s14+$0x0];
	[tilespmem:s20+$0xFFFFFFC0] =	vst v4;
	v4 =	vadd.f32 v7, v5  }
0x14b: {  	v17 =	vld [tilespmem:s24+$0xFFFFFF10];
	v0 =	vadd.f32 v0, v1;
	v1 =	vmul.f32 $1.131370830e+01, v8  }
0x14c: {  	[tilespmem:s20+$0x40] =	vst v4;
	v4 =	vld [tilespmem:s20+$0xE0]  }
0x14d: {  	v7 =	vld [tilespmem:s20+$0xFFFFFF60];
	[tilespmem:s20+$0xD0] =	vst v0;
	v1 =	vadd.f32 v2, v1  }
0x14e: {  	v0 =	vld [tilespmem:s22+$0xE0]  }
0x14f: {  	v26 =	vld [tilespmem:s24+$0xFFFFFF90];
	[tilespmem:s20+$0xFFFFFF50] =	vst v1  }
0x150: {  	v9 =	vld [tilespmem:s22+$0xFFFFFF60]  }
0x151: {  	v27 =	vld [tilespmem:s24+$0x10];
	v1 =	vmul.f32 $1.131370830e+01, v4  }
0x152: {  	v28 =	vld [tilespmem:s24+$0xFFFFFF20]  }
0x153: {  	v29 =	vld [tilespmem:s24+$0xA0];
	v0 =	vadd.f32 v0, v1;
	v1 =	vmul.f32 $1.131370830e+01, v7  }
0x154: {  	v32 =	vld [tilespmem:s24+$0xFFFFFFA0]  }
0x155: {  	v36 =	vld [tilespmem:s24+$0xB0];
	v9 =	vadd.f32 v9, v1  }
0x156: {  	v39 =	vld [tilespmem:s24+$0xFFFFFFB0]  }
0x157: {  	[tilespmem:s20+$0xFFFFFF60] =	vst v9;
	v9 =	vld [tilespmem:s24+$0x80]  }
0x158: {  	v40 =	vld [tilespmem:s24+$0x30]  }
0x159: {  	v47 =	vld [tilespmem:s24+$0xFFFFFFC0]  }
0x15a: {  	v48 =	vld [tilespmem:s24+$0x40]  }
0x15b: {  	v49 =	vld [tilespmem:s24+$0xFFFFFF50]  }
0x15c: {  	v51 =	vld [tilespmem:s24+$0xD0];
	v9 =	vmul.f32 $1.131370830e+01, v9  }
0x15d: {  	v54 =	vld [tilespmem:s24+$0x50]  }
0x15e: {  	v57 =	vld [tilespmem:s24+$0xE0];
	v9 =	vadd.f32 v11, v9  }
0x15f: {  	v12 =	vmul.f32 $1.131370830e+01, v12;
	v11 =	vld [tilespmem:s24+$0x90]  }
0x160: {  	v59 =	vld [tilespmem:s24+$0xFFFFFFE0];
	v13 =	vmul.f32 $1.131370830e+01, v13;
	[tilespmem:s24+$0x80] =	vst v9  }
0x161: {  	v12 =	vadd.f32 v14, v12;
	v9 =	vmul.f32 $1.131370830e+01, v10;
	v10 =	vld [tilespmem:s14+$0x90]  }
0x162: {  	v60 =	vld [tilespmem:s24+$0x60];
	v13 =	vadd.f32 v16, v13  }
0x163: {  	v61 =	vld [tilespmem:s24+$0xFFFFFF70];
	[tilespmem:s24+$0xFFFFFF00] =	vst v12;
	v9 =	vadd.f32 v15, v9  }
0x164: {  	[tilespmem:s24+$0x0] =	vst v13;
	v12 =	vld [tilespmem:s14+$0xFFFFFF10];
	v11 =	vmul.f32 $1.131370830e+01, v11  }
0x165: {  	v30 =	vld [tilespmem:s14+$0x10];
	[tilespmem:s24+$0xFFFFFF80] =	vst v9  }
0x166: {  	v9 =	vld [tilespmem:s14+$0xFFFFFF90];
	v10 =	vadd.f32 v10, v11  }
0x167: {  	v3 =	vld [tilespmem:s20+$0xFFFFFFD0]  }
0x168: {  	v6 =	vld [tilespmem:s20+$0x50];
	v11 =	vmul.f32 $1.131370830e+01, v17;
	[tilespmem:s24+$0x90] =	vst v10  }
0x169: {  	v10 =	vmul.f32 $1.131370830e+01, v26;
	v31 =	vld [tilespmem:s14+$0xA0]  }
0x16a: {  	v5 =	vld [tilespmem:s22+$0xFFFFFFD0];
	v11 =	vadd.f32 v12, v11  }
0x16b: {  	v8 =	vld [tilespmem:s22+$0x50];
	v15 =	vmul.f32 $1.131370830e+01, v27;
	v9 =	vadd.f32 v9, v10  }
0x16c: {  	v10 =	vld [tilespmem:s24+$0x20];
	[tilespmem:s24+$0xFFFFFF10] =	vst v11;
	v11 =	vmul.f32 $1.131370830e+01, v29  }
0x16d: {  	v15 =	vadd.f32 v30, v15;
	v33 =	vld [tilespmem:s14+$0xFFFFFF20];
	[tilespmem:s24+$0xFFFFFF90] =	vst v9  }
0x16e: {  	v34 =	vld [tilespmem:s14+$0xFFFFFFA0];
	v11 =	vadd.f32 v31, v11  }
0x16f: {  	v2 =	vld [tilespmem:s20+$0xFFFFFFE0];
	[tilespmem:s24+$0x10] =	vst v15  }
0x170: {  	v35 =	vmul.f32 $1.131370830e+01, v28;
	v3 =	vmul.f32 $1.131370830e+01, v3;
	v37 =	vld [tilespmem:s14+$0x20];
	[tilespmem:s24+$0xA0] =	vst v11  }
0x171: {  	v11 =	vmul.f32 $1.131370830e+01, v32;
	v38 =	vld [tilespmem:s14+$0xB0]  }
0x172: {  	v5 =	vadd.f32 v5, v3;
	v3 =	vld [tilespmem:s20+$0x60];
	v13 =	vadd.f32 v33, v35  }
0x173: {  	v9 =	vld [tilespmem:s24+$0xFFFFFF30];
	v10 =	vmul.f32 $1.131370830e+01, v10;
	v11 =	vadd.f32 v34, v11  }
0x174: {  	v41 =	vmul.f32 $1.131370830e+01, v36;
	v4 =	vld [tilespmem:s20+$0xFFFFFF70];
	[tilespmem:s24+$0xFFFFFF20] =	vst v13  }
0x175: {  	v10 =	vadd.f32 v37, v10;
	v42 =	vld [tilespmem:s14+$0xFFFFFF30];
	[tilespmem:s24+$0xFFFFFFA0] =	vst v11  }
0x176: {  	v43 =	vld [tilespmem:s14+$0xFFFFFFB0];
	v12 =	vadd.f32 v38, v41  }
0x177: {  	[tilespmem:s24+$0x20] =	vst v10;
	v10 =	vld [tilespmem:s24+$0xC0]  }
0x178: {  	v6 =	vmul.f32 $1.131370830e+01, v6;
	v9 =	vmul.f32 $1.131370830e+01, v9;
	v44 =	vld [tilespmem:s14+$0x30];
	[tilespmem:s24+$0xB0] =	vst v12  }
0x179: {  	v45 =	vmul.f32 $1.131370830e+01, v39;
	[tilespmem:s20+$0xFFFFFFD0] =	vst v5;
	v46 =	vld [tilespmem:s14+$0xC0]  }
0x17a: {  	v5 =	vadd.f32 v8, v6;
	v6 =	vld [tilespmem:s22+$0xFFFFFFE0];
	v9 =	vadd.f32 v42, v9  }
0x17b: {  	v17 =	vmul.f32 $1.131370830e+01, v40;
	v11 =	vld [tilespmem:s24+$0xFFFFFF40];
	v12 =	vadd.f32 v43, v45  }
0x17c: {  	v8 =	vld [tilespmem:s20+$0xF0];
	[tilespmem:s24+$0xFFFFFF30] =	vst v9;
	v9 =	vmul.f32 $1.131370830e+01, v10  }
0x17d: {  	v13 =	vadd.f32 v44, v17;
	v10 =	vld [tilespmem:s14+$0xFFFFFF40];
	[tilespmem:s24+$0xFFFFFFB0] =	vst v12  }
0x17e: {  	[tilespmem:s20+$0x50] =	vst v5;
	v50 =	vld [tilespmem:s14+$0xFFFFFFC0];
	v9 =	vadd.f32 v46, v9  }
0x17f: {  	v7 =	vld [tilespmem:s22+$0x60];
	[tilespmem:s24+$0x30] =	vst v13  }
0x180: {  	v11 =	vmul.f32 $1.131370830e+01, v11;
	v52 =	vld [tilespmem:s14+$0x40];
	[tilespmem:s24+$0xC0] =	vst v9  }
0x181: {  	v9 =	vmul.f32 $1.131370830e+01, v47;
	v53 =	vld [tilespmem:s14+$0xD0]  }
0x182: {  	v1 =	vld [tilespmem:s20+$0xFFFFFFF0];
	v10 =	vadd.f32 v10, v11  }
0x183: {  	v16 =	vmul.f32 $1.131370830e+01, v48;
	[tilespmem:s20+$0xE0] =	vst v0;
	v0 =	vld [tilespmem:s20+$0x70];
	v9 =	vadd.f32 v50, v9  }
0x184: {  	v11 =	vld [tilespmem:s24+$0xFFFFFFD0];
	[tilespmem:s24+$0xFFFFFF40] =	vst v10;
	v10 =	vmul.f32 $1.131370830e+01, v51  }
0x185: {  	v14 =	vadd.f32 v52, v16;
	v55 =	vld [tilespmem:s14+$0xFFFFFF50];
	[tilespmem:s24+$0xFFFFFFC0] =	vst v9  }
0x186: {  	v56 =	vld [tilespmem:s14+$0xFFFFFFD0];
	v10 =	vadd.f32 v53, v10  }
0x187: {  	v2 =	vmul.f32 $1.131370830e+01, v2;
	v5 =	vld [tilespmem:s22+$0xF0];
	[tilespmem:s24+$0x40] =	vst v14  }
0x188: {  	v12 =	vmul.f32 $1.131370830e+01, v49;
	v58 =	vld [tilespmem:s14+$0x50];
	[tilespmem:s24+$0xD0] =	vst v10  }
0x189: {  	v2 =	vadd.f32 v6, v2;
	v10 =	vmul.f32 $1.131370830e+01, v11;
	v11 =	vld [tilespmem:s14+$0xE0]  }
0x18a: {  	v6 =	vld [tilespmem:s22+$0xFFFFFF70];
	v12 =	vadd.f32 v55, v12  }
0x18b: {  	[tilespmem:s20+$0xFFFFFFE0] =	vst v2;
	v17 =	vmul.f32 $1.131370830e+01, v54;
	v9 =	vld [tilespmem:s24+$0xFFFFFF60];
	v10 =	vadd.f32 v56, v10  }
0x18c: {  	v2 =	vld [tilespmem:s22+$0xFFFFFFF0];
	v14 =	vmul.f32 $1.131370830e+01, v57;
	[tilespmem:s24+$0xFFFFFF50] =	vst v12  }
0x18d: {  	v3 =	vmul.f32 $1.131370830e+01, v3;
	v62 =	vld [tilespmem:s14+$0xFFFFFF60];
	[tilespmem:s24+$0xFFFFFFD0] =	vst v10;
	v10 =	vadd.f32 v58, v17  }
0x18e: {  	v8 =	vmul.f32 $1.131370830e+01, v8;
	v63 =	vld [tilespmem:s14+$0xFFFFFFE0];
	v11 =	vadd.f32 v11, v14  }
0x18f: {  	v4 =	vmul.f32 $1.131370830e+01, v4;
	v3 =	vadd.f32 v7, v3;
	v7 =	vld [tilespmem:s24+$0xF0];
	[tilespmem:s24+$0x50] =	vst v10  }
0x190: {  	v5 =	vadd.f32 v5, v8;
	v8 =	vmul.f32 $1.131370830e+01, v9;
	v9 =	vld [tilespmem:s14+$0x60];
	[tilespmem:s24+$0xE0] =	vst v11  }
0x191: {  	[tilespmem:s20+$0x60] =	vst v3;
	v3 =	vadd.f32 v6, v4;
	v6 =	vmul.f32 $1.131370830e+01, v59;
	v10 =	vld [tilespmem:s14+$0xF0]  }
0x192: {  	v1 =	vmul.f32 $1.131370830e+01, v1;
	[tilespmem:s20+$0xF0] =	vst v5;
	v4 =	vld [tilespmem:s24+$0xFFFFFFF0];
	v5 =	vadd.f32 v62, v8  }
0x193: {  	[tilespmem:s20+$0xFFFFFF70] =	vst v3;
	v3 =	vld [tilespmem:s24+$0x70];
	v8 =	vmul.f32 $1.131370830e+01, v60;
	v6 =	vadd.f32 v63, v6  }
0x194: {  	v1 =	vadd.f32 v2, v1;
	v7 =	vmul.f32 $1.131370830e+01, v7;
	v2 =	vld [tilespmem:s22+$0x70];
	[tilespmem:s24+$0xFFFFFF60] =	vst v5  }
0x195: {  	v5 =	vld [tilespmem:s14+$0xFFFFFF70];
	[tilespmem:s24+$0xFFFFFFE0] =	vst v6;
	v8 =	vadd.f32 v9, v8  }
0x196: {  	s12 =	simm.s32 $0x8500;
	s6 =	simm.s32 $0x4;
	v0 =	vmul.f32 $1.131370830e+01, v0;
	s22 =	simm.s32 $0x300;
	[tilespmem:s20+$0xFFFFFFF0] =	vst v1;
	v1 =	vmul.f32 $1.131370830e+01, v61;
	v6 =	vld [tilespmem:s14+$0xFFFFFFF0];
	v7 =	vadd.f32 v10, v7  }
.LBB2_5:
0x197: {  	v9 =	vld [tilespmem:s12+$0x80];
	s6 =	sadd.s32 $0x4, s6;
	v4 =	vmul.f32 $1.131370830e+01, v4;
	[tilespmem:s24+$0x60] =	vst v8  }
0x198: {  	s14 =	sadd.s32 $0x200, s14;
	v8 =	vld [tilespmem:s12+$0xFFFFFF80];
	p0 =	slt.u32 s6, $0x7C;
	v3 =	vmul.f32 $1.131370830e+01, v3;
	[tilespmem:s24+$0xF0] =	vst v7  }
0x199: {  	v7 =	vld [tilespmem:s14+$0x80];
	v2 =	vadd.f32 v2, v0  }
0x19a: {  	v10 =	vld [tilespmem:s12+$0x0];
	v1 =	vadd.f32 v5, v1;
	v0 =	vmov v3  }
0x19b: {  	v3 =	vld [tilespmem:s12+$0xFFFFFF00];
	v4 =	vadd.f32 v6, v4;
	[tilespmem:s20+$0x70] =	vst v2;
	s20 =	smov.u32 s24;
	s24 =	smov.u32 s12  }
0x19c: {  	v2 =	vld [tilespmem:s14+$0xFFFFFF00];
	v5 =	vmul.f32 $1.131370830e+01, v9;
	[tilespmem:s20+$0xFFFFFF70] =	vst v1  }
0x19d: {  	v1 =	vmul.f32 $1.131370830e+01, v8;
	v6 =	vld [tilespmem:s14+$0xFFFFFF80];
	[tilespmem:s20+$0xFFFFFFF0] =	vst v4  }
0x19e: {  	v4 =	vld [tilespmem:s14+$0x0];
	v5 =	vadd.f32 v7, v5  }
0x19f: {  	v7 =	vmul.f32 $1.131370830e+01, v10;
	v8 =	vld [tilespmem:s12+$0x90]  }
0x1a0: {  	v3 =	vmul.f32 $1.131370830e+01, v3;
	v9 =	vld [tilespmem:s12+$0xFFFFFF10];
	[tilespmem:s12+$0x80] =	vst v5  }
0x1a1: {  	v5 =	vld [tilespmem:s14+$0x90]  }
0x1a2: {  	v2 =	vadd.f32 v2, v3;
	v1 =	vadd.f32 v6, v1;
	v3 =	vld [tilespmem:s12+$0xFFFFFF90]  }
0x1a3: {  	v4 =	vadd.f32 v4, v7;
	v6 =	vld [tilespmem:s12+$0x10]  }
0x1a4: {  	[tilespmem:s12+$0xFFFFFF00] =	vst v2;
	v2 =	vld [tilespmem:s12+$0xFFFFFF20];
	v7 =	vmul.f32 $1.131370830e+01, v8  }
0x1a5: {  	v8 =	vmul.f32 $1.131370830e+01, v9;
	v9 =	vld [tilespmem:s14+$0xFFFFFF10];
	[tilespmem:s12+$0xFFFFFF80] =	vst v1  }
0x1a6: {  	v1 =	vld [tilespmem:s14+$0xFFFFFF90];
	[tilespmem:s12+$0x0] =	vst v4;
	v4 =	vadd.f32 v5, v7  }
0x1a7: {  	v3 =	vmul.f32 $1.131370830e+01, v3;
	v5 =	vld [tilespmem:s12+$0xA0]  }
0x1a8: {  	v6 =	vmul.f32 $1.131370830e+01, v6;
	v7 =	vld [tilespmem:s14+$0x10];
	[tilespmem:s12+$0x90] =	vst v4  }
0x1a9: {  	v2 =	vmul.f32 $1.131370830e+01, v2;
	v4 =	vld [tilespmem:s14+$0xA0]  }
0x1aa: {  	v8 =	vadd.f32 v9, v8;
	v9 =	vld [tilespmem:s12+$0xFFFFFFA0]  }
0x1ab: {  	v1 =	vadd.f32 v1, v3;
	v3 =	vld [tilespmem:s12+$0x20]  }
0x1ac: {  	[tilespmem:s12+$0xFFFFFF10] =	vst v8;
	v8 =	vld [tilespmem:s12+$0xFFFFFF30];
	v5 =	vmul.f32 $1.131370830e+01, v5  }
0x1ad: {  	v10 =	vld [tilespmem:s14+$0xFFFFFF20];
	[tilespmem:s12+$0xFFFFFF90] =	vst v1;
	v1 =	vadd.f32 v7, v6  }
0x1ae: {  	v6 =	vld [tilespmem:s14+$0xFFFFFFA0];
	v4 =	vadd.f32 v4, v5  }
0x1af: {  	v5 =	vmul.f32 $1.131370830e+01, v9;
	[tilespmem:s12+$0x10] =	vst v1;
	v1 =	vld [tilespmem:s12+$0xB0]  }
0x1b0: {  	v3 =	vmul.f32 $1.131370830e+01, v3;
	v7 =	vld [tilespmem:s14+$0x20];
	[tilespmem:s12+$0xA0] =	vst v4  }
0x1b1: {  	v4 =	vmul.f32 $1.131370830e+01, v8;
	v8 =	vld [tilespmem:s14+$0xB0]  }
0x1b2: {  	v2 =	vadd.f32 v10, v2;
	v9 =	vld [tilespmem:s12+$0xFFFFFFB0]  }
0x1b3: {  	v5 =	vadd.f32 v6, v5;
	v6 =	vld [tilespmem:s12+$0x30]  }
0x1b4: {  	[tilespmem:s12+$0xFFFFFF20] =	vst v2;
	v2 =	vld [tilespmem:s12+$0xFFFFFF40];
	v1 =	vmul.f32 $1.131370830e+01, v1  }
0x1b5: {  	v10 =	vld [tilespmem:s14+$0xFFFFFF30];
	[tilespmem:s12+$0xFFFFFFA0] =	vst v5;
	v3 =	vadd.f32 v7, v3  }
0x1b6: {  	v5 =	vld [tilespmem:s14+$0xFFFFFFB0];
	v1 =	vadd.f32 v8, v1  }
0x1b7: {  	v7 =	vmul.f32 $1.131370830e+01, v9;
	[tilespmem:s12+$0x20] =	vst v3;
	v3 =	vld [tilespmem:s12+$0xC0]  }
0x1b8: {  	v6 =	vmul.f32 $1.131370830e+01, v6;
	v8 =	vld [tilespmem:s14+$0x30];
	[tilespmem:s12+$0xB0] =	vst v1  }
0x1b9: {  	v1 =	vmul.f32 $1.131370830e+01, v2;
	v2 =	vld [tilespmem:s14+$0xC0]  }
0x1ba: {  	v4 =	vadd.f32 v10, v4;
	v9 =	vld [tilespmem:s12+$0xFFFFFFC0]  }
0x1bb: {  	v5 =	vadd.f32 v5, v7;
	v7 =	vld [tilespmem:s12+$0x40]  }
0x1bc: {  	[tilespmem:s12+$0xFFFFFF30] =	vst v4;
	v4 =	vld [tilespmem:s12+$0xFFFFFF50];
	v3 =	vmul.f32 $1.131370830e+01, v3  }
0x1bd: {  	v10 =	vld [tilespmem:s14+$0xFFFFFF40];
	[tilespmem:s12+$0xFFFFFFB0] =	vst v5;
	v5 =	vadd.f32 v8, v6  }
0x1be: {  	v6 =	vld [tilespmem:s14+$0xFFFFFFC0];
	v2 =	vadd.f32 v2, v3  }
0x1bf: {  	v3 =	vmul.f32 $1.131370830e+01, v9;
	[tilespmem:s12+$0x30] =	vst v5;
	v5 =	vld [tilespmem:s12+$0xD0]  }
0x1c0: {  	v7 =	vmul.f32 $1.131370830e+01, v7;
	v8 =	vld [tilespmem:s14+$0x40];
	[tilespmem:s12+$0xC0] =	vst v2  }
0x1c1: {  	v2 =	vmul.f32 $1.131370830e+01, v4;
	v4 =	vld [tilespmem:s14+$0xD0]  }
0x1c2: {  	v1 =	vadd.f32 v10, v1;
	v9 =	vld [tilespmem:s12+$0xFFFFFFD0]  }
0x1c3: {  	v3 =	vadd.f32 v6, v3;
	v6 =	vld [tilespmem:s12+$0x50]  }
0x1c4: {  	[tilespmem:s12+$0xFFFFFF40] =	vst v1;
	v1 =	vld [tilespmem:s12+$0xFFFFFF60];
	v5 =	vmul.f32 $1.131370830e+01, v5  }
0x1c5: {  	v10 =	vld [tilespmem:s14+$0xFFFFFF50];
	[tilespmem:s12+$0xFFFFFFC0] =	vst v3;
	v3 =	vadd.f32 v8, v7  }
0x1c6: {  	v7 =	vld [tilespmem:s14+$0xFFFFFFD0];
	v4 =	vadd.f32 v4, v5  }
0x1c7: {  	v5 =	vmul.f32 $1.131370830e+01, v9;
	[tilespmem:s12+$0x40] =	vst v3;
	v3 =	vld [tilespmem:s12+$0xE0]  }
0x1c8: {  	v6 =	vmul.f32 $1.131370830e+01, v6;
	v8 =	vld [tilespmem:s14+$0x50];
	[tilespmem:s12+$0xD0] =	vst v4  }
0x1c9: {  	v4 =	vmul.f32 $1.131370830e+01, v1;
	v1 =	vld [tilespmem:s14+$0xE0]  }
0x1ca: {  	v2 =	vadd.f32 v10, v2;
	v9 =	vld [tilespmem:s12+$0xFFFFFFE0]  }
0x1cb: {  	v5 =	vadd.f32 v7, v5;
	v7 =	vld [tilespmem:s12+$0x60]  }
0x1cc: {  	[tilespmem:s12+$0xFFFFFF50] =	vst v2;
	v2 =	vld [tilespmem:s12+$0xFFFFFF70];
	v3 =	vmul.f32 $1.131370830e+01, v3  }
0x1cd: {  	v10 =	vld [tilespmem:s14+$0xFFFFFF60];
	[tilespmem:s12+$0xFFFFFFD0] =	vst v5;
	v5 =	vadd.f32 v8, v6  }
0x1ce: {  	v6 =	vld [tilespmem:s14+$0xFFFFFFE0];
	v1 =	vadd.f32 v1, v3  }
0x1cf: {  	v3 =	vmul.f32 $1.131370830e+01, v9;
	[tilespmem:s12+$0x50] =	vst v5;
	v5 =	vld [tilespmem:s12+$0xF0]  }
0x1d0: {  	v7 =	vmul.f32 $1.131370830e+01, v7;
	v8 =	vld [tilespmem:s14+$0x60];
	[tilespmem:s12+$0xE0] =	vst v1  }
0x1d1: {  	v1 =	vmul.f32 $1.131370830e+01, v2;
	v9 =	vld [tilespmem:s14+$0xF0]  }
.Ltmp3:
0x1d2: {  	v2 =	vadd.f32 v10, v4;
	v4 =	vld [tilespmem:s12+$0xFFFFFFF0];
	(pc) =	sbr.rel @p0 .LBB2_5-.Ltmp3, $4  }
0x1d3: {  	v6 =	vadd.f32 v6, v3;
	v3 =	vld [tilespmem:s12+$0x70]  }
0x1d4: {  	[tilespmem:s12+$0xFFFFFF60] =	vst v2;
	v10 =	vmul.f32 $1.131370830e+01, v5;
	v2 =	vld [tilespmem:s22+$0x70];
	s22 =	smov.u32 s14  }
0x1d5: {  	v5 =	vld [tilespmem:s14+$0xFFFFFF70];
	[tilespmem:s12+$0xFFFFFFE0] =	vst v6;
	v8 =	vadd.f32 v8, v7  }
0x1d6: {  	s12 =	sadd.s32 $0x200, s12;
	v6 =	vld [tilespmem:s14+$0xFFFFFFF0];
	v7 =	vadd.f32 v9, v10  }
0x1d7: {  	[tilespmem:s24+$0x60] =	vst v8  }
0x1d8: {  	v8 =	vld [tilespmem:s22+$0x70];
	_ =	sdelay $0x1  }
0x1d9: {  	v4 =	vmul.f32 $1.131370830e+01, v4;
	v0 =	vadd.f32 v2, v0  }
0x1da: {  	[tilespmem:s24+$0xF0] =	vst v7;
	v2 =	vmul.f32 $1.131370830e+01, v3;
	v1 =	vadd.f32 v5, v1  }
0x1db: {  	v3 =	vadd.f32 v6, v4;
	[tilespmem:s20+$0x70] =	vst v0  }
0x1dc: {  	[tilespmem:s24+$0xFFFFFF70] =	vst v1;
	v0 =	vadd.f32 v8, v2  }
0x1dd: {  	[tilespmem:s24+$0xFFFFFFF0] =	vst v3  }
0x1de: {  	[tilespmem:s24+$0x70] =	vst v0  }
0x1df: {  	s6 =	rddreg [dreg:$0xc]  }
0x1e0: {  	p0 =	seq.s32 s28, $0x1F;
	s6 =	sadd.s32 s2, s6  }
0x1e1: {  	[hbm4b:s6+s4] =	stream.linear.scatter [tilespmem:s26], [sflag:$0x6], $0x4000, $0x38;
	[tilespmem:$0x14200] =	vst v63  }
0x1e2: {  	s20 =	sshll.u32 @!p0 s28, $0xE;
	s6 =	rddreg [dreg:$0x9]  }
0x1e3: {  	s6 =	sadd.s32 @!p0 s6, s20  }
0x1e4: {  	p1 =	seq.s32 @!p0 s28, $0x0;
	s12 =	simm.s32 @!p0 $0x0;
	s6 =	sshrl.u32 @!p0 s6, $0x3  }
0x1e5: {  	s13 =	simm.s32 @!p0 $0x14000;
	p1 =	por p0, !p1;
	s6 =	sadd.s32 @!p0 s5, s6  }
0x1e6: {  	[tilespmem:s13], [sflag:$0x9] =	stream.linear.gather @!p0 [hbm4b:s6+s12], $0x80, $0x38;
	[tilespmem:$0x14200] =	vst v63  }
0x1e7: {  	s6 =	simm.s32 @p1 $0x8  }
0x1e8: {  	_ =	swait.ge @p1 [sflag:s6], $0x4000  }
0x1e9: {  	[sflag:s6] =	ssyncset.done @p1 $0x0  }
0x1ea: {  	[sflag:s6] =	ssyncadd.s32 @p1 $0xFFFFC000  }
0x1eb: {  	_ =	swait.ge [sflag:s19], $0x80  }
0x1ec: {  	[sflag:s19] =	ssyncset.done $0x0  }
0x1ed: {  	[sflag:s19] =	ssyncadd.s32 $0xFFFFFF80  }
0x1ee: {  	[tilespmem:s9], [sflag:$0x4] =	stream.indirect.gather [hbm4b:s1+s23], $0x80, s30, s23, $0xb8;
	[tilespmem:$0x14200] =	vst v63  }
0x1ef: {  	_ =	swait.ge [sflag:s10], $0x4000  }
0x1f0: {  	[sflag:s10] =	ssyncset.done $0x0  }
0x1f1: {  	s24 =	simm.s32 $0xC100;
	[sflag:s10] =	ssyncadd.s32 $0xFFFFC000  }
0x1f2: {  	v0 =	vld [tilespmem:s24+$0x80]  }
0x1f3: {  	s13 =	simm.s32 $0x100;
	v1 =	vld [tilespmem:s24+$0xFFFFFF80]  }
0x1f4: {  	v2 =	vld [tilespmem:s13+$0x80]  }
0x1f5: {  	v3 =	vld [tilespmem:s24+$0xFFFFFF00]  }
0x1f6: {  	v4 =	vld [tilespmem:s24+$0x0]  }
0x1f7: {  	v5 =	vld [tilespmem:s13+$0xFFFFFF00]  }
0x1f8: {  	v6 =	vld [tilespmem:s13+$0xFFFFFF80]  }
0x1f9: {  	v7 =	vld [tilespmem:s13+$0x0]  }
0x1fa: {  	s14 =	simm.s32 $0xC300;
	v8 =	vld [tilespmem:s24+$0xFFFFFF10]  }
0x1fb: {  	s22 =	simm.s32 $0x300;
	v10 =	vld [tilespmem:s14+$0xFFFFFF80];
	v0 =	vmul.f32 $1.131370830e+01, v0  }
0x1fc: {  	v11 =	vld [tilespmem:s22+$0x80]  }
0x1fd: {  	v12 =	vld [tilespmem:s14+$0xFFFFFF00];
	v3 =	vmul.f32 $1.131370830e+01, v3;
	v0 =	vadd.f32 v2, v0  }
0x1fe: {  	v2 =	vld [tilespmem:s24+$0x90]  }
0x1ff: {  	v13 =	vld [tilespmem:s14+$0x0];
	v1 =	vmul.f32 $1.131370830e+01, v1;
	v3 =	vadd.f32 v5, v3;
	[tilespmem:s24+$0x80] =	vst v0  }
0x200: {  	v0 =	vld [tilespmem:s13+$0x90]  }
0x201: {  	v4 =	vmul.f32 $1.131370830e+01, v4;
	v1 =	vadd.f32 v6, v1;
	v5 =	vld [tilespmem:s24+$0xFFFFFF90];
	[tilespmem:s24+$0xFFFFFF00] =	vst v3  }
0x202: {  	v3 =	vld [tilespmem:s13+$0xFFFFFF10]  }
0x203: {  	v6 =	vld [tilespmem:s24+$0x10];
	[tilespmem:s24+$0xFFFFFF80] =	vst v1;
	v1 =	vadd.f32 v7, v4;
	v2 =	vmul.f32 $1.131370830e+01, v2  }
0x204: {  	v4 =	vld [tilespmem:s13+$0xFFFFFF90]  }
0x205: {  	[tilespmem:s24+$0x0] =	vst v1;
	v1 =	vld [tilespmem:s24+$0xA0];
	v0 =	vadd.f32 v0, v2;
	v2 =	vmul.f32 $1.131370830e+01, v8  }
0x206: {  	v8 =	vld [tilespmem:s13+$0x10]  }
0x207: {  	v7 =	vld [tilespmem:s24+$0xFFFFFF20];
	v5 =	vmul.f32 $1.131370830e+01, v5;
	[tilespmem:s24+$0x90] =	vst v0;
	v2 =	vadd.f32 v3, v2  }
0x208: {  	v0 =	vld [tilespmem:s13+$0xA0]  }
0x209: {  	v4 =	vadd.f32 v4, v5;
	v5 =	vmul.f32 $1.131370830e+01, v6;
	v3 =	vld [tilespmem:s24+$0xFFFFFFA0];
	[tilespmem:s24+$0xFFFFFF10] =	vst v2  }
0x20a: {  	v2 =	vld [tilespmem:s13+$0xFFFFFF20]  }
0x20b: {  	v6 =	vld [tilespmem:s24+$0x20];
	v1 =	vmul.f32 $1.131370830e+01, v1;
	[tilespmem:s24+$0xFFFFFF90] =	vst v4;
	v4 =	vadd.f32 v8, v5  }
0x20c: {  	v5 =	vld [tilespmem:s13+$0xFFFFFFA0]  }
0x20d: {  	[tilespmem:s24+$0x10] =	vst v4;
	v4 =	vld [tilespmem:s24+$0xB0];
	v0 =	vadd.f32 v0, v1;
	v1 =	vmul.f32 $1.131370830e+01, v7  }
0x20e: {  	v7 =	vld [tilespmem:s13+$0x20]  }
0x20f: {  	v8 =	vld [tilespmem:s24+$0xFFFFFF30];
	v3 =	vmul.f32 $1.131370830e+01, v3;
	[tilespmem:s24+$0xA0] =	vst v0;
	v1 =	vadd.f32 v2, v1  }
0x210: {  	v0 =	vld [tilespmem:s13+$0xB0]  }
0x211: {  	v2 =	vld [tilespmem:s24+$0xFFFFFFB0];
	v3 =	vadd.f32 v5, v3;
	v5 =	vmul.f32 $1.131370830e+01, v6;
	[tilespmem:s24+$0xFFFFFF20] =	vst v1  }
0x212: {  	v1 =	vmul.f32 $1.131370830e+01, v4;
	v4 =	vld [tilespmem:s13+$0xFFFFFF30]  }
0x213: {  	v6 =	vld [tilespmem:s24+$0x30];
	[tilespmem:s24+$0xFFFFFFA0] =	vst v3;
	v3 =	vadd.f32 v7, v5  }
0x214: {  	v5 =	vld [tilespmem:s13+$0xFFFFFFB0]  }
0x215: {  	[tilespmem:s24+$0x20] =	vst v3;
	v3 =	vld [tilespmem:s24+$0xC0];
	v0 =	vadd.f32 v0, v1;
	v1 =	vmul.f32 $1.131370830e+01, v8  }
0x216: {  	v8 =	vld [tilespmem:s13+$0x30]  }
0x217: {  	v7 =	vld [tilespmem:s24+$0xFFFFFF40];
	v2 =	vmul.f32 $1.131370830e+01, v2;
	[tilespmem:s24+$0xB0] =	vst v0;
	v1 =	vadd.f32 v4, v1  }
0x218: {  	v0 =	vld [tilespmem:s13+$0xC0]  }
0x219: {  	v4 =	vld [tilespmem:s24+$0xFFFFFFC0];
	v2 =	vadd.f32 v5, v2;
	v5 =	vmul.f32 $1.131370830e+01, v6;
	[tilespmem:s24+$0xFFFFFF30] =	vst v1  }
0x21a: {  	v1 =	vmul.f32 $1.131370830e+01, v3;
	v3 =	vld [tilespmem:s13+$0xFFFFFF40]  }
0x21b: {  	v6 =	vld [tilespmem:s24+$0x40];
	[tilespmem:s24+$0xFFFFFFB0] =	vst v2;
	v2 =	vadd.f32 v8, v5  }
0x21c: {  	v5 =	vld [tilespmem:s13+$0xFFFFFFC0]  }
0x21d: {  	[tilespmem:s24+$0x30] =	vst v2;
	v2 =	vld [tilespmem:s24+$0xD0];
	v0 =	vadd.f32 v0, v1;
	v1 =	vmul.f32 $1.131370830e+01, v7  }
0x21e: {  	v8 =	vld [tilespmem:s24+$0xFFFFFF50]  }
0x21f: {  	v7 =	vld [tilespmem:s13+$0x40];
	[tilespmem:s24+$0xC0] =	vst v0;
	v1 =	vadd.f32 v3, v1  }
0x220: {  	v4 =	vmul.f32 $1.131370830e+01, v4;
	v0 =	vld [tilespmem:s13+$0xD0]  }
0x221: {  	v14 =	vld [tilespmem:s22+$0xFFFFFF00];
	[tilespmem:s24+$0xFFFFFF40] =	vst v1  }
0x222: {  	v4 =	vadd.f32 v5, v4;
	v5 =	vmul.f32 $1.131370830e+01, v6;
	v1 =	vmul.f32 $1.131370830e+01, v2;
	v2 =	vld [tilespmem:s13+$0xFFFFFF50]  }
0x223: {  	v15 =	vld [tilespmem:s22+$0xFFFFFF80]  }
0x224: {  	v16 =	vld [tilespmem:s22+$0x0];
	[tilespmem:s24+$0xFFFFFFC0] =	vst v4;
	v4 =	vadd.f32 v7, v5  }
0x225: {  	v17 =	vld [tilespmem:s14+$0xFFFFFF10];
	v0 =	vadd.f32 v0, v1;
	v1 =	vmul.f32 $1.131370830e+01, v8  }
0x226: {  	[tilespmem:s24+$0x40] =	vst v4;
	v4 =	vld [tilespmem:s24+$0xE0]  }
0x227: {  	v7 =	vld [tilespmem:s24+$0xFFFFFF60];
	[tilespmem:s24+$0xD0] =	vst v0;
	v1 =	vadd.f32 v2, v1  }
0x228: {  	v0 =	vld [tilespmem:s13+$0xE0]  }
0x229: {  	v26 =	vld [tilespmem:s14+$0xFFFFFF90];
	[tilespmem:s24+$0xFFFFFF50] =	vst v1  }
0x22a: {  	v9 =	vld [tilespmem:s13+$0xFFFFFF60]  }
0x22b: {  	v27 =	vld [tilespmem:s14+$0x10];
	v1 =	vmul.f32 $1.131370830e+01, v4  }
0x22c: {  	v28 =	vld [tilespmem:s14+$0xFFFFFF20]  }
0x22d: {  	v29 =	vld [tilespmem:s14+$0xA0];
	v0 =	vadd.f32 v0, v1;
	v1 =	vmul.f32 $1.131370830e+01, v7  }
0x22e: {  	v32 =	vld [tilespmem:s14+$0xFFFFFFA0]  }
0x22f: {  	v36 =	vld [tilespmem:s14+$0xB0];
	v9 =	vadd.f32 v9, v1  }
0x230: {  	v39 =	vld [tilespmem:s14+$0xFFFFFFB0]  }
0x231: {  	[tilespmem:s24+$0xFFFFFF60] =	vst v9;
	v9 =	vld [tilespmem:s14+$0x80]  }
0x232: {  	v40 =	vld [tilespmem:s14+$0x30]  }
0x233: {  	v47 =	vld [tilespmem:s14+$0xFFFFFFC0]  }
0x234: {  	v48 =	vld [tilespmem:s14+$0x40]  }
0x235: {  	v49 =	vld [tilespmem:s14+$0xFFFFFF50]  }
0x236: {  	v51 =	vld [tilespmem:s14+$0xD0];
	v9 =	vmul.f32 $1.131370830e+01, v9  }
0x237: {  	v54 =	vld [tilespmem:s14+$0x50]  }
0x238: {  	v57 =	vld [tilespmem:s14+$0xE0];
	v9 =	vadd.f32 v11, v9  }
0x239: {  	v12 =	vmul.f32 $1.131370830e+01, v12;
	v11 =	vld [tilespmem:s14+$0x90]  }
0x23a: {  	v59 =	vld [tilespmem:s14+$0xFFFFFFE0];
	v13 =	vmul.f32 $1.131370830e+01, v13;
	[tilespmem:s14+$0x80] =	vst v9  }
0x23b: {  	v12 =	vadd.f32 v14, v12;
	v9 =	vmul.f32 $1.131370830e+01, v10;
	v10 =	vld [tilespmem:s22+$0x90]  }
0x23c: {  	v60 =	vld [tilespmem:s14+$0x60];
	v13 =	vadd.f32 v16, v13  }
0x23d: {  	v61 =	vld [tilespmem:s14+$0xFFFFFF70];
	[tilespmem:s14+$0xFFFFFF00] =	vst v12;
	v9 =	vadd.f32 v15, v9  }
0x23e: {  	[tilespmem:s14+$0x0] =	vst v13;
	v12 =	vld [tilespmem:s22+$0xFFFFFF10];
	v11 =	vmul.f32 $1.131370830e+01, v11  }
0x23f: {  	v30 =	vld [tilespmem:s22+$0x10];
	[tilespmem:s14+$0xFFFFFF80] =	vst v9  }
0x240: {  	v9 =	vld [tilespmem:s22+$0xFFFFFF90];
	v10 =	vadd.f32 v10, v11  }
0x241: {  	v3 =	vld [tilespmem:s24+$0xFFFFFFD0]  }
0x242: {  	v6 =	vld [tilespmem:s24+$0x50];
	v11 =	vmul.f32 $1.131370830e+01, v17;
	[tilespmem:s14+$0x90] =	vst v10  }
0x243: {  	v10 =	vmul.f32 $1.131370830e+01, v26;
	v31 =	vld [tilespmem:s22+$0xA0]  }
0x244: {  	v5 =	vld [tilespmem:s13+$0xFFFFFFD0];
	v11 =	vadd.f32 v12, v11  }
0x245: {  	v8 =	vld [tilespmem:s13+$0x50];
	v15 =	vmul.f32 $1.131370830e+01, v27;
	v9 =	vadd.f32 v9, v10  }
0x246: {  	v10 =	vld [tilespmem:s14+$0x20];
	[tilespmem:s14+$0xFFFFFF10] =	vst v11;
	v11 =	vmul.f32 $1.131370830e+01, v29  }
0x247: {  	v15 =	vadd.f32 v30, v15;
	v33 =	vld [tilespmem:s22+$0xFFFFFF20];
	[tilespmem:s14+$0xFFFFFF90] =	vst v9  }
0x248: {  	v34 =	vld [tilespmem:s22+$0xFFFFFFA0];
	v11 =	vadd.f32 v31, v11  }
0x249: {  	v2 =	vld [tilespmem:s24+$0xFFFFFFE0];
	[tilespmem:s14+$0x10] =	vst v15  }
0x24a: {  	v35 =	vmul.f32 $1.131370830e+01, v28;
	v3 =	vmul.f32 $1.131370830e+01, v3;
	v37 =	vld [tilespmem:s22+$0x20];
	[tilespmem:s14+$0xA0] =	vst v11  }
0x24b: {  	v11 =	vmul.f32 $1.131370830e+01, v32;
	v38 =	vld [tilespmem:s22+$0xB0]  }
0x24c: {  	v5 =	vadd.f32 v5, v3;
	v3 =	vld [tilespmem:s24+$0x60];
	v13 =	vadd.f32 v33, v35  }
0x24d: {  	v9 =	vld [tilespmem:s14+$0xFFFFFF30];
	v10 =	vmul.f32 $1.131370830e+01, v10;
	v11 =	vadd.f32 v34, v11  }
0x24e: {  	v41 =	vmul.f32 $1.131370830e+01, v36;
	v4 =	vld [tilespmem:s24+$0xFFFFFF70];
	[tilespmem:s14+$0xFFFFFF20] =	vst v13  }
0x24f: {  	v10 =	vadd.f32 v37, v10;
	v42 =	vld [tilespmem:s22+$0xFFFFFF30];
	[tilespmem:s14+$0xFFFFFFA0] =	vst v11  }
0x250: {  	v43 =	vld [tilespmem:s22+$0xFFFFFFB0];
	v12 =	vadd.f32 v38, v41  }
0x251: {  	[tilespmem:s14+$0x20] =	vst v10;
	v10 =	vld [tilespmem:s14+$0xC0]  }
0x252: {  	v6 =	vmul.f32 $1.131370830e+01, v6;
	v9 =	vmul.f32 $1.131370830e+01, v9;
	v44 =	vld [tilespmem:s22+$0x30];
	[tilespmem:s14+$0xB0] =	vst v12  }
0x253: {  	v45 =	vmul.f32 $1.131370830e+01, v39;
	[tilespmem:s24+$0xFFFFFFD0] =	vst v5;
	v46 =	vld [tilespmem:s22+$0xC0]  }
0x254: {  	v5 =	vadd.f32 v8, v6;
	v6 =	vld [tilespmem:s13+$0xFFFFFFE0];
	v9 =	vadd.f32 v42, v9  }
0x255: {  	v17 =	vmul.f32 $1.131370830e+01, v40;
	v11 =	vld [tilespmem:s14+$0xFFFFFF40];
	v12 =	vadd.f32 v43, v45  }
0x256: {  	v8 =	vld [tilespmem:s24+$0xF0];
	[tilespmem:s14+$0xFFFFFF30] =	vst v9;
	v9 =	vmul.f32 $1.131370830e+01, v10  }
0x257: {  	v13 =	vadd.f32 v44, v17;
	v10 =	vld [tilespmem:s22+$0xFFFFFF40];
	[tilespmem:s14+$0xFFFFFFB0] =	vst v12  }
0x258: {  	[tilespmem:s24+$0x50] =	vst v5;
	v50 =	vld [tilespmem:s22+$0xFFFFFFC0];
	v9 =	vadd.f32 v46, v9  }
0x259: {  	v7 =	vld [tilespmem:s13+$0x60];
	[tilespmem:s14+$0x30] =	vst v13  }
0x25a: {  	v11 =	vmul.f32 $1.131370830e+01, v11;
	v52 =	vld [tilespmem:s22+$0x40];
	[tilespmem:s14+$0xC0] =	vst v9  }
0x25b: {  	v9 =	vmul.f32 $1.131370830e+01, v47;
	v53 =	vld [tilespmem:s22+$0xD0]  }
0x25c: {  	v1 =	vld [tilespmem:s24+$0xFFFFFFF0];
	v10 =	vadd.f32 v10, v11  }
0x25d: {  	v16 =	vmul.f32 $1.131370830e+01, v48;
	[tilespmem:s24+$0xE0] =	vst v0;
	v0 =	vld [tilespmem:s24+$0x70];
	v9 =	vadd.f32 v50, v9  }
0x25e: {  	v11 =	vld [tilespmem:s14+$0xFFFFFFD0];
	[tilespmem:s14+$0xFFFFFF40] =	vst v10;
	v10 =	vmul.f32 $1.131370830e+01, v51  }
0x25f: {  	v14 =	vadd.f32 v52, v16;
	v55 =	vld [tilespmem:s22+$0xFFFFFF50];
	[tilespmem:s14+$0xFFFFFFC0] =	vst v9  }
0x260: {  	v56 =	vld [tilespmem:s22+$0xFFFFFFD0];
	v10 =	vadd.f32 v53, v10  }
0x261: {  	v2 =	vmul.f32 $1.131370830e+01, v2;
	v5 =	vld [tilespmem:s13+$0xF0];
	[tilespmem:s14+$0x40] =	vst v14  }
0x262: {  	v12 =	vmul.f32 $1.131370830e+01, v49;
	v58 =	vld [tilespmem:s22+$0x50];
	[tilespmem:s14+$0xD0] =	vst v10  }
0x263: {  	v2 =	vadd.f32 v6, v2;
	v10 =	vmul.f32 $1.131370830e+01, v11;
	v11 =	vld [tilespmem:s22+$0xE0]  }
0x264: {  	v6 =	vld [tilespmem:s13+$0xFFFFFF70];
	v12 =	vadd.f32 v55, v12  }
0x265: {  	[tilespmem:s24+$0xFFFFFFE0] =	vst v2;
	v17 =	vmul.f32 $1.131370830e+01, v54;
	v9 =	vld [tilespmem:s14+$0xFFFFFF60];
	v10 =	vadd.f32 v56, v10  }
0x266: {  	v2 =	vld [tilespmem:s13+$0xFFFFFFF0];
	v14 =	vmul.f32 $1.131370830e+01, v57;
	[tilespmem:s14+$0xFFFFFF50] =	vst v12  }
0x267: {  	v3 =	vmul.f32 $1.131370830e+01, v3;
	v62 =	vld [tilespmem:s22+$0xFFFFFF60];
	[tilespmem:s14+$0xFFFFFFD0] =	vst v10;
	v10 =	vadd.f32 v58, v17  }
0x268: {  	v8 =	vmul.f32 $1.131370830e+01, v8;
	v63 =	vld [tilespmem:s22+$0xFFFFFFE0];
	v11 =	vadd.f32 v11, v14  }
0x269: {  	v4 =	vmul.f32 $1.131370830e+01, v4;
	v3 =	vadd.f32 v7, v3;
	v7 =	vld [tilespmem:s14+$0xF0];
	[tilespmem:s14+$0x50] =	vst v10  }
0x26a: {  	v5 =	vadd.f32 v5, v8;
	v8 =	vmul.f32 $1.131370830e+01, v9;
	v9 =	vld [tilespmem:s22+$0x60];
	[tilespmem:s14+$0xE0] =	vst v11  }
0x26b: {  	[tilespmem:s24+$0x60] =	vst v3;
	v3 =	vadd.f32 v6, v4;
	v6 =	vmul.f32 $1.131370830e+01, v59;
	v10 =	vld [tilespmem:s22+$0xF0]  }
0x26c: {  	v1 =	vmul.f32 $1.131370830e+01, v1;
	[tilespmem:s24+$0xF0] =	vst v5;
	v4 =	vld [tilespmem:s14+$0xFFFFFFF0];
	v5 =	vadd.f32 v62, v8  }
0x26d: {  	[tilespmem:s24+$0xFFFFFF70] =	vst v3;
	v3 =	vld [tilespmem:s14+$0x70];
	v8 =	vmul.f32 $1.131370830e+01, v60;
	v6 =	vadd.f32 v63, v6  }
0x26e: {  	v1 =	vadd.f32 v2, v1;
	v7 =	vmul.f32 $1.131370830e+01, v7;
	v2 =	vld [tilespmem:s13+$0x70];
	[tilespmem:s14+$0xFFFFFF60] =	vst v5  }
0x26f: {  	v5 =	vld [tilespmem:s22+$0xFFFFFF70];
	[tilespmem:s14+$0xFFFFFFE0] =	vst v6;
	v8 =	vadd.f32 v9, v8  }
0x270: {  	s12 =	simm.s32 $0x300;
	s6 =	simm.s32 $0x4;
	v0 =	vmul.f32 $1.131370830e+01, v0;
	s13 =	simm.s32 $0xC500;
	[tilespmem:s24+$0xFFFFFFF0] =	vst v1;
	v1 =	vmul.f32 $1.131370830e+01, v61;
	v6 =	vld [tilespmem:s22+$0xFFFFFFF0];
	v7 =	vadd.f32 v10, v7  }
.LBB2_7:
0x271: {  	v9 =	vld [tilespmem:s13+$0x80];
	s6 =	sadd.s32 $0x4, s6;
	v4 =	vmul.f32 $1.131370830e+01, v4;
	[tilespmem:s14+$0x60] =	vst v8  }
0x272: {  	s22 =	sadd.s32 $0x200, s22;
	v8 =	vld [tilespmem:s13+$0xFFFFFF80];
	p1 =	slt.u32 s6, $0x7C;
	v3 =	vmul.f32 $1.131370830e+01, v3;
	[tilespmem:s14+$0xF0] =	vst v7  }
0x273: {  	v7 =	vld [tilespmem:s22+$0x80];
	v2 =	vadd.f32 v2, v0  }
0x274: {  	v10 =	vld [tilespmem:s13+$0x0];
	v1 =	vadd.f32 v5, v1;
	v0 =	vmov v3  }
0x275: {  	v3 =	vld [tilespmem:s13+$0xFFFFFF00];
	v4 =	vadd.f32 v6, v4;
	[tilespmem:s24+$0x70] =	vst v2;
	s24 =	smov.u32 s14;
	s14 =	smov.u32 s13  }
0x276: {  	v2 =	vld [tilespmem:s22+$0xFFFFFF00];
	v5 =	vmul.f32 $1.131370830e+01, v9;
	[tilespmem:s24+$0xFFFFFF70] =	vst v1  }
0x277: {  	v1 =	vmul.f32 $1.131370830e+01, v8;
	v6 =	vld [tilespmem:s22+$0xFFFFFF80];
	[tilespmem:s24+$0xFFFFFFF0] =	vst v4  }
0x278: {  	v4 =	vld [tilespmem:s22+$0x0];
	v5 =	vadd.f32 v7, v5  }
0x279: {  	v7 =	vmul.f32 $1.131370830e+01, v10;
	v8 =	vld [tilespmem:s13+$0x90]  }
0x27a: {  	v3 =	vmul.f32 $1.131370830e+01, v3;
	v9 =	vld [tilespmem:s13+$0xFFFFFF10];
	[tilespmem:s13+$0x80] =	vst v5  }
0x27b: {  	v5 =	vld [tilespmem:s22+$0x90]  }
0x27c: {  	v2 =	vadd.f32 v2, v3;
	v1 =	vadd.f32 v6, v1;
	v3 =	vld [tilespmem:s13+$0xFFFFFF90]  }
0x27d: {  	v4 =	vadd.f32 v4, v7;
	v6 =	vld [tilespmem:s13+$0x10]  }
0x27e: {  	[tilespmem:s13+$0xFFFFFF00] =	vst v2;
	v2 =	vld [tilespmem:s13+$0xFFFFFF20];
	v7 =	vmul.f32 $1.131370830e+01, v8  }
0x27f: {  	v8 =	vmul.f32 $1.131370830e+01, v9;
	v9 =	vld [tilespmem:s22+$0xFFFFFF10];
	[tilespmem:s13+$0xFFFFFF80] =	vst v1  }
0x280: {  	v1 =	vld [tilespmem:s22+$0xFFFFFF90];
	[tilespmem:s13+$0x0] =	vst v4;
	v4 =	vadd.f32 v5, v7  }
0x281: {  	v3 =	vmul.f32 $1.131370830e+01, v3;
	v5 =	vld [tilespmem:s13+$0xA0]  }
0x282: {  	v6 =	vmul.f32 $1.131370830e+01, v6;
	v7 =	vld [tilespmem:s22+$0x10];
	[tilespmem:s13+$0x90] =	vst v4  }
0x283: {  	v2 =	vmul.f32 $1.131370830e+01, v2;
	v4 =	vld [tilespmem:s22+$0xA0]  }
0x284: {  	v8 =	vadd.f32 v9, v8;
	v9 =	vld [tilespmem:s13+$0xFFFFFFA0]  }
0x285: {  	v1 =	vadd.f32 v1, v3;
	v3 =	vld [tilespmem:s13+$0x20]  }
0x286: {  	[tilespmem:s13+$0xFFFFFF10] =	vst v8;
	v8 =	vld [tilespmem:s13+$0xFFFFFF30];
	v5 =	vmul.f32 $1.131370830e+01, v5  }
0x287: {  	v10 =	vld [tilespmem:s22+$0xFFFFFF20];
	[tilespmem:s13+$0xFFFFFF90] =	vst v1;
	v1 =	vadd.f32 v7, v6  }
0x288: {  	v6 =	vld [tilespmem:s22+$0xFFFFFFA0];
	v4 =	vadd.f32 v4, v5  }
0x289: {  	v5 =	vmul.f32 $1.131370830e+01, v9;
	[tilespmem:s13+$0x10] =	vst v1;
	v1 =	vld [tilespmem:s13+$0xB0]  }
0x28a: {  	v3 =	vmul.f32 $1.131370830e+01, v3;
	v7 =	vld [tilespmem:s22+$0x20];
	[tilespmem:s13+$0xA0] =	vst v4  }
0x28b: {  	v4 =	vmul.f32 $1.131370830e+01, v8;
	v8 =	vld [tilespmem:s22+$0xB0]  }
0x28c: {  	v2 =	vadd.f32 v10, v2;
	v9 =	vld [tilespmem:s13+$0xFFFFFFB0]  }
0x28d: {  	v5 =	vadd.f32 v6, v5;
	v6 =	vld [tilespmem:s13+$0x30]  }
0x28e: {  	[tilespmem:s13+$0xFFFFFF20] =	vst v2;
	v2 =	vld [tilespmem:s13+$0xFFFFFF40];
	v1 =	vmul.f32 $1.131370830e+01, v1  }
0x28f: {  	v10 =	vld [tilespmem:s22+$0xFFFFFF30];
	[tilespmem:s13+$0xFFFFFFA0] =	vst v5;
	v3 =	vadd.f32 v7, v3  }
0x290: {  	v5 =	vld [tilespmem:s22+$0xFFFFFFB0];
	v1 =	vadd.f32 v8, v1  }
0x291: {  	v7 =	vmul.f32 $1.131370830e+01, v9;
	[tilespmem:s13+$0x20] =	vst v3;
	v3 =	vld [tilespmem:s13+$0xC0]  }
0x292: {  	v6 =	vmul.f32 $1.131370830e+01, v6;
	v8 =	vld [tilespmem:s22+$0x30];
	[tilespmem:s13+$0xB0] =	vst v1  }
0x293: {  	v1 =	vmul.f32 $1.131370830e+01, v2;
	v2 =	vld [tilespmem:s22+$0xC0]  }
0x294: {  	v4 =	vadd.f32 v10, v4;
	v9 =	vld [tilespmem:s13+$0xFFFFFFC0]  }
0x295: {  	v5 =	vadd.f32 v5, v7;
	v7 =	vld [tilespmem:s13+$0x40]  }
0x296: {  	[tilespmem:s13+$0xFFFFFF30] =	vst v4;
	v4 =	vld [tilespmem:s13+$0xFFFFFF50];
	v3 =	vmul.f32 $1.131370830e+01, v3  }
0x297: {  	v10 =	vld [tilespmem:s22+$0xFFFFFF40];
	[tilespmem:s13+$0xFFFFFFB0] =	vst v5;
	v5 =	vadd.f32 v8, v6  }
0x298: {  	v6 =	vld [tilespmem:s22+$0xFFFFFFC0];
	v2 =	vadd.f32 v2, v3  }
0x299: {  	v3 =	vmul.f32 $1.131370830e+01, v9;
	[tilespmem:s13+$0x30] =	vst v5;
	v5 =	vld [tilespmem:s13+$0xD0]  }
0x29a: {  	v7 =	vmul.f32 $1.131370830e+01, v7;
	v8 =	vld [tilespmem:s22+$0x40];
	[tilespmem:s13+$0xC0] =	vst v2  }
0x29b: {  	v2 =	vmul.f32 $1.131370830e+01, v4;
	v4 =	vld [tilespmem:s22+$0xD0]  }
0x29c: {  	v1 =	vadd.f32 v10, v1;
	v9 =	vld [tilespmem:s13+$0xFFFFFFD0]  }
0x29d: {  	v3 =	vadd.f32 v6, v3;
	v6 =	vld [tilespmem:s13+$0x50]  }
0x29e: {  	[tilespmem:s13+$0xFFFFFF40] =	vst v1;
	v1 =	vld [tilespmem:s13+$0xFFFFFF60];
	v5 =	vmul.f32 $1.131370830e+01, v5  }
0x29f: {  	v10 =	vld [tilespmem:s22+$0xFFFFFF50];
	[tilespmem:s13+$0xFFFFFFC0] =	vst v3;
	v3 =	vadd.f32 v8, v7  }
0x2a0: {  	v7 =	vld [tilespmem:s22+$0xFFFFFFD0];
	v4 =	vadd.f32 v4, v5  }
0x2a1: {  	v5 =	vmul.f32 $1.131370830e+01, v9;
	[tilespmem:s13+$0x40] =	vst v3;
	v3 =	vld [tilespmem:s13+$0xE0]  }
0x2a2: {  	v6 =	vmul.f32 $1.131370830e+01, v6;
	v8 =	vld [tilespmem:s22+$0x50];
	[tilespmem:s13+$0xD0] =	vst v4  }
0x2a3: {  	v4 =	vmul.f32 $1.131370830e+01, v1;
	v1 =	vld [tilespmem:s22+$0xE0]  }
0x2a4: {  	v2 =	vadd.f32 v10, v2;
	v9 =	vld [tilespmem:s13+$0xFFFFFFE0]  }
0x2a5: {  	v5 =	vadd.f32 v7, v5;
	v7 =	vld [tilespmem:s13+$0x60]  }
0x2a6: {  	[tilespmem:s13+$0xFFFFFF50] =	vst v2;
	v2 =	vld [tilespmem:s13+$0xFFFFFF70];
	v3 =	vmul.f32 $1.131370830e+01, v3  }
0x2a7: {  	v10 =	vld [tilespmem:s22+$0xFFFFFF60];
	[tilespmem:s13+$0xFFFFFFD0] =	vst v5;
	v5 =	vadd.f32 v8, v6  }
0x2a8: {  	v6 =	vld [tilespmem:s22+$0xFFFFFFE0];
	v1 =	vadd.f32 v1, v3  }
0x2a9: {  	v3 =	vmul.f32 $1.131370830e+01, v9;
	[tilespmem:s13+$0x50] =	vst v5;
	v5 =	vld [tilespmem:s13+$0xF0]  }
0x2aa: {  	v7 =	vmul.f32 $1.131370830e+01, v7;
	v8 =	vld [tilespmem:s22+$0x60];
	[tilespmem:s13+$0xE0] =	vst v1  }
0x2ab: {  	v1 =	vmul.f32 $1.131370830e+01, v2;
	v9 =	vld [tilespmem:s22+$0xF0]  }
.Ltmp4:
0x2ac: {  	v2 =	vadd.f32 v10, v4;
	v4 =	vld [tilespmem:s13+$0xFFFFFFF0];
	(pc) =	sbr.rel @p1 .LBB2_7-.Ltmp4, $4  }
0x2ad: {  	v6 =	vadd.f32 v6, v3;
	v3 =	vld [tilespmem:s13+$0x70]  }
0x2ae: {  	[tilespmem:s13+$0xFFFFFF60] =	vst v2;
	v10 =	vmul.f32 $1.131370830e+01, v5;
	v2 =	vld [tilespmem:s12+$0x70];
	s12 =	smov.u32 s22  }
0x2af: {  	v5 =	vld [tilespmem:s22+$0xFFFFFF70];
	[tilespmem:s13+$0xFFFFFFE0] =	vst v6;
	v8 =	vadd.f32 v8, v7  }
0x2b0: {  	s13 =	sadd.s32 $0x200, s13;
	v6 =	vld [tilespmem:s22+$0xFFFFFFF0];
	v7 =	vadd.f32 v9, v10  }
0x2b1: {  	[tilespmem:s14+$0x60] =	vst v8  }
0x2b2: {  	v8 =	vld [tilespmem:s12+$0x70];
	_ =	sdelay $0x1  }
0x2b3: {  	v4 =	vmul.f32 $1.131370830e+01, v4;
	v0 =	vadd.f32 v2, v0  }
0x2b4: {  	[tilespmem:s14+$0xF0] =	vst v7;
	v2 =	vmul.f32 $1.131370830e+01, v3;
	v1 =	vadd.f32 v5, v1  }
0x2b5: {  	v3 =	vadd.f32 v6, v4;
	[tilespmem:s24+$0x70] =	vst v0  }
0x2b6: {  	[tilespmem:s14+$0xFFFFFF70] =	vst v1;
	v0 =	vadd.f32 v8, v2  }
0x2b7: {  	[tilespmem:s14+$0xFFFFFFF0] =	vst v3  }
0x2b8: {  	s2 =	sadd.s32 s2, s16;
	[tilespmem:s14+$0x70] =	vst v0  }
0x2b9: {  	[hbm4b:s2+s4] =	stream.linear.scatter [tilespmem:s0], [sflag:$0x7], $0x4000, $0x38;
	[tilespmem:$0x14200] =	vst v63  }
0x2ba: {  	s2 =	rddreg [dreg:$0xa]  }
0x2bb: {  	s2 =	sadd.s32 @!p0 s2, s20  }
0x2bc: {  	s2 =	sshrl.u32 @!p0 s2, $0x3  }
0x2bd: {  	s6 =	simm.s32 @!p0 $0x0;
	s12 =	simm.s32 @!p0 $0x14080;
	s2 =	sadd.s32 @!p0 s5, s2  }
0x2be: {  	[tilespmem:s12], [sflag:$0xA] =	stream.linear.gather @!p0 [hbm4b:s2+s6], $0x80, $0x38;
	[tilespmem:$0x14200] =	vst v63  }
0x2bf: {  	s2 =	simm.s32 @!p0 $0x5  }
0x2c0: {  	_ =	swait.ge @!p0 [sflag:s2], $0x4000  }
0x2c1: {  	[sflag:s2] =	ssyncset.done @!p0 $0x0  }
0x2c2: {  	[sflag:s2] =	ssyncadd.s32 @!p0 $0xFFFFC000;
	s2 =	simm.s32 @!p0 $0x9  }
0x2c3: {  	_ =	swait.ge @!p0 [sflag:s2], $0x80  }
0x2c4: {  	s6 =	simm.s32 @!p0 $0x14000;
	[sflag:s2] =	ssyncset.done @!p0 $0x0  }
0x2c5: {  	s12 =	simm.s32 @!p0 $0x4000;
	[sflag:s2] =	ssyncadd.s32 @!p0 $0xFFFFFF80;
	s2 =	simm.s32 @!p0 $0x80  }
0x2c6: {  	[tilespmem:s12], [sflag:$0x1] =	stream.indirect.gather @!p0 [hbm4b:s1+s2], $0x80, s6, s2, $0xb8;
	[tilespmem:$0x14200] =	vst v63  }
0x2c7: {  	_ =	swait.ge [sflag:s11], $0x4000  }
0x2c8: {  	[sflag:s11] =	ssyncset.done $0x0  }
0x2c9: {  	s2 =	simm.s32 $0x10100;
	[sflag:s11] =	ssyncadd.s32 $0xFFFFC000  }
0x2ca: {  	v0 =	vld [tilespmem:s2+$0x80]  }
0x2cb: {  	s24 =	simm.s32 $0x100;
	v1 =	vld [tilespmem:s2+$0xFFFFFF80]  }
0x2cc: {  	v2 =	vld [tilespmem:s24+$0x80]  }
0x2cd: {  	v3 =	vld [tilespmem:s2+$0xFFFFFF00]  }
0x2ce: {  	v4 =	vld [tilespmem:s2+$0x0]  }
0x2cf: {  	v5 =	vld [tilespmem:s24+$0xFFFFFF00]  }
0x2d0: {  	v6 =	vld [tilespmem:s24+$0xFFFFFF80]  }
0x2d1: {  	v7 =	vld [tilespmem:s24+$0x0]  }
0x2d2: {  	s20 =	simm.s32 $0x10300;
	v8 =	vld [tilespmem:s2+$0xFFFFFF10]  }
0x2d3: {  	s14 =	simm.s32 $0x300;
	v10 =	vld [tilespmem:s20+$0xFFFFFF80];
	v0 =	vmul.f32 $1.131370830e+01, v0  }
0x2d4: {  	v11 =	vld [tilespmem:s14+$0x80]  }
0x2d5: {  	v12 =	vld [tilespmem:s20+$0xFFFFFF00];
	v3 =	vmul.f32 $1.131370830e+01, v3;
	v0 =	vadd.f32 v2, v0  }
0x2d6: {  	v2 =	vld [tilespmem:s2+$0x90]  }
0x2d7: {  	v13 =	vld [tilespmem:s20+$0x0];
	v1 =	vmul.f32 $1.131370830e+01, v1;
	v3 =	vadd.f32 v5, v3;
	[tilespmem:s2+$0x80] =	vst v0  }
0x2d8: {  	v0 =	vld [tilespmem:s24+$0x90]  }
0x2d9: {  	v4 =	vmul.f32 $1.131370830e+01, v4;
	v1 =	vadd.f32 v6, v1;
	v5 =	vld [tilespmem:s2+$0xFFFFFF90];
	[tilespmem:s2+$0xFFFFFF00] =	vst v3  }
0x2da: {  	v3 =	vld [tilespmem:s24+$0xFFFFFF10]  }
0x2db: {  	v6 =	vld [tilespmem:s2+$0x10];
	[tilespmem:s2+$0xFFFFFF80] =	vst v1;
	v1 =	vadd.f32 v7, v4;
	v2 =	vmul.f32 $1.131370830e+01, v2  }
0x2dc: {  	v4 =	vld [tilespmem:s24+$0xFFFFFF90]  }
0x2dd: {  	[tilespmem:s2+$0x0] =	vst v1;
	v1 =	vld [tilespmem:s2+$0xA0];
	v0 =	vadd.f32 v0, v2;
	v2 =	vmul.f32 $1.131370830e+01, v8  }
0x2de: {  	v8 =	vld [tilespmem:s24+$0x10]  }
0x2df: {  	v7 =	vld [tilespmem:s2+$0xFFFFFF20];
	v5 =	vmul.f32 $1.131370830e+01, v5;
	[tilespmem:s2+$0x90] =	vst v0;
	v2 =	vadd.f32 v3, v2  }
0x2e0: {  	v0 =	vld [tilespmem:s24+$0xA0]  }
0x2e1: {  	v4 =	vadd.f32 v4, v5;
	v5 =	vmul.f32 $1.131370830e+01, v6;
	v3 =	vld [tilespmem:s2+$0xFFFFFFA0];
	[tilespmem:s2+$0xFFFFFF10] =	vst v2  }
0x2e2: {  	v2 =	vld [tilespmem:s24+$0xFFFFFF20]  }
0x2e3: {  	v6 =	vld [tilespmem:s2+$0x20];
	v1 =	vmul.f32 $1.131370830e+01, v1;
	[tilespmem:s2+$0xFFFFFF90] =	vst v4;
	v4 =	vadd.f32 v8, v5  }
0x2e4: {  	v5 =	vld [tilespmem:s24+$0xFFFFFFA0]  }
0x2e5: {  	[tilespmem:s2+$0x10] =	vst v4;
	v4 =	vld [tilespmem:s2+$0xB0];
	v0 =	vadd.f32 v0, v1;
	v1 =	vmul.f32 $1.131370830e+01, v7  }
0x2e6: {  	v7 =	vld [tilespmem:s24+$0x20]  }
0x2e7: {  	v8 =	vld [tilespmem:s2+$0xFFFFFF30];
	v3 =	vmul.f32 $1.131370830e+01, v3;
	[tilespmem:s2+$0xA0] =	vst v0;
	v1 =	vadd.f32 v2, v1  }
0x2e8: {  	v0 =	vld [tilespmem:s24+$0xB0]  }
0x2e9: {  	v2 =	vld [tilespmem:s2+$0xFFFFFFB0];
	v3 =	vadd.f32 v5, v3;
	v5 =	vmul.f32 $1.131370830e+01, v6;
	[tilespmem:s2+$0xFFFFFF20] =	vst v1  }
0x2ea: {  	v1 =	vmul.f32 $1.131370830e+01, v4;
	v4 =	vld [tilespmem:s24+$0xFFFFFF30]  }
0x2eb: {  	v6 =	vld [tilespmem:s2+$0x30];
	[tilespmem:s2+$0xFFFFFFA0] =	vst v3;
	v3 =	vadd.f32 v7, v5  }
0x2ec: {  	v5 =	vld [tilespmem:s24+$0xFFFFFFB0]  }
0x2ed: {  	[tilespmem:s2+$0x20] =	vst v3;
	v3 =	vld [tilespmem:s2+$0xC0];
	v0 =	vadd.f32 v0, v1;
	v1 =	vmul.f32 $1.131370830e+01, v8  }
0x2ee: {  	v8 =	vld [tilespmem:s24+$0x30]  }
0x2ef: {  	v7 =	vld [tilespmem:s2+$0xFFFFFF40];
	v2 =	vmul.f32 $1.131370830e+01, v2;
	[tilespmem:s2+$0xB0] =	vst v0;
	v1 =	vadd.f32 v4, v1  }
0x2f0: {  	v0 =	vld [tilespmem:s24+$0xC0]  }
0x2f1: {  	v4 =	vld [tilespmem:s2+$0xFFFFFFC0];
	v2 =	vadd.f32 v5, v2;
	v5 =	vmul.f32 $1.131370830e+01, v6;
	[tilespmem:s2+$0xFFFFFF30] =	vst v1  }
0x2f2: {  	v1 =	vmul.f32 $1.131370830e+01, v3;
	v3 =	vld [tilespmem:s24+$0xFFFFFF40]  }
0x2f3: {  	v6 =	vld [tilespmem:s2+$0x40];
	[tilespmem:s2+$0xFFFFFFB0] =	vst v2;
	v2 =	vadd.f32 v8, v5  }
0x2f4: {  	v5 =	vld [tilespmem:s24+$0xFFFFFFC0]  }
0x2f5: {  	[tilespmem:s2+$0x30] =	vst v2;
	v2 =	vld [tilespmem:s2+$0xD0];
	v0 =	vadd.f32 v0, v1;
	v1 =	vmul.f32 $1.131370830e+01, v7  }
0x2f6: {  	v8 =	vld [tilespmem:s2+$0xFFFFFF50]  }
0x2f7: {  	v7 =	vld [tilespmem:s24+$0x40];
	[tilespmem:s2+$0xC0] =	vst v0;
	v1 =	vadd.f32 v3, v1  }
0x2f8: {  	v4 =	vmul.f32 $1.131370830e+01, v4;
	v0 =	vld [tilespmem:s24+$0xD0]  }
0x2f9: {  	v14 =	vld [tilespmem:s14+$0xFFFFFF00];
	[tilespmem:s2+$0xFFFFFF40] =	vst v1  }
0x2fa: {  	v4 =	vadd.f32 v5, v4;
	v5 =	vmul.f32 $1.131370830e+01, v6;
	v1 =	vmul.f32 $1.131370830e+01, v2;
	v2 =	vld [tilespmem:s24+$0xFFFFFF50]  }
0x2fb: {  	v15 =	vld [tilespmem:s14+$0xFFFFFF80]  }
0x2fc: {  	v16 =	vld [tilespmem:s14+$0x0];
	[tilespmem:s2+$0xFFFFFFC0] =	vst v4;
	v4 =	vadd.f32 v7, v5  }
0x2fd: {  	v17 =	vld [tilespmem:s20+$0xFFFFFF10];
	v0 =	vadd.f32 v0, v1;
	v1 =	vmul.f32 $1.131370830e+01, v8  }
0x2fe: {  	[tilespmem:s2+$0x40] =	vst v4;
	v4 =	vld [tilespmem:s2+$0xE0]  }
0x2ff: {  	v7 =	vld [tilespmem:s2+$0xFFFFFF60];
	[tilespmem:s2+$0xD0] =	vst v0;
	v1 =	vadd.f32 v2, v1  }
0x300: {  	v0 =	vld [tilespmem:s24+$0xE0]  }
0x301: {  	v26 =	vld [tilespmem:s20+$0xFFFFFF90];
	[tilespmem:s2+$0xFFFFFF50] =	vst v1  }
0x302: {  	v9 =	vld [tilespmem:s24+$0xFFFFFF60]  }
0x303: {  	v27 =	vld [tilespmem:s20+$0x10];
	v1 =	vmul.f32 $1.131370830e+01, v4  }
0x304: {  	v28 =	vld [tilespmem:s20+$0xFFFFFF20]  }
0x305: {  	v29 =	vld [tilespmem:s20+$0xA0];
	v0 =	vadd.f32 v0, v1;
	v1 =	vmul.f32 $1.131370830e+01, v7  }
0x306: {  	v32 =	vld [tilespmem:s20+$0xFFFFFFA0]  }
0x307: {  	v36 =	vld [tilespmem:s20+$0xB0];
	v9 =	vadd.f32 v9, v1  }
0x308: {  	v39 =	vld [tilespmem:s20+$0xFFFFFFB0]  }
0x309: {  	[tilespmem:s2+$0xFFFFFF60] =	vst v9;
	v9 =	vld [tilespmem:s20+$0x80]  }
0x30a: {  	v40 =	vld [tilespmem:s20+$0x30]  }
0x30b: {  	v47 =	vld [tilespmem:s20+$0xFFFFFFC0]  }
0x30c: {  	v48 =	vld [tilespmem:s20+$0x40]  }
0x30d: {  	v49 =	vld [tilespmem:s20+$0xFFFFFF50]  }
0x30e: {  	v51 =	vld [tilespmem:s20+$0xD0];
	v9 =	vmul.f32 $1.131370830e+01, v9  }
0x30f: {  	v54 =	vld [tilespmem:s20+$0x50]  }
0x310: {  	v57 =	vld [tilespmem:s20+$0xE0];
	v9 =	vadd.f32 v11, v9  }
0x311: {  	v12 =	vmul.f32 $1.131370830e+01, v12;
	v11 =	vld [tilespmem:s20+$0x90]  }
0x312: {  	v59 =	vld [tilespmem:s20+$0xFFFFFFE0];
	v13 =	vmul.f32 $1.131370830e+01, v13;
	[tilespmem:s20+$0x80] =	vst v9  }
0x313: {  	v12 =	vadd.f32 v14, v12;
	v9 =	vmul.f32 $1.131370830e+01, v10;
	v10 =	vld [tilespmem:s14+$0x90]  }
0x314: {  	v60 =	vld [tilespmem:s20+$0x60];
	v13 =	vadd.f32 v16, v13  }
0x315: {  	v61 =	vld [tilespmem:s20+$0xFFFFFF70];
	[tilespmem:s20+$0xFFFFFF00] =	vst v12;
	v9 =	vadd.f32 v15, v9  }
0x316: {  	[tilespmem:s20+$0x0] =	vst v13;
	v12 =	vld [tilespmem:s14+$0xFFFFFF10];
	v11 =	vmul.f32 $1.131370830e+01, v11  }
0x317: {  	v30 =	vld [tilespmem:s14+$0x10];
	[tilespmem:s20+$0xFFFFFF80] =	vst v9  }
0x318: {  	v9 =	vld [tilespmem:s14+$0xFFFFFF90];
	v10 =	vadd.f32 v10, v11  }
0x319: {  	v3 =	vld [tilespmem:s2+$0xFFFFFFD0]  }
0x31a: {  	v6 =	vld [tilespmem:s2+$0x50];
	v11 =	vmul.f32 $1.131370830e+01, v17;
	[tilespmem:s20+$0x90] =	vst v10  }
0x31b: {  	v10 =	vmul.f32 $1.131370830e+01, v26;
	v31 =	vld [tilespmem:s14+$0xA0]  }
0x31c: {  	v5 =	vld [tilespmem:s24+$0xFFFFFFD0];
	v11 =	vadd.f32 v12, v11  }
0x31d: {  	v8 =	vld [tilespmem:s24+$0x50];
	v15 =	vmul.f32 $1.131370830e+01, v27;
	v9 =	vadd.f32 v9, v10  }
0x31e: {  	v10 =	vld [tilespmem:s20+$0x20];
	[tilespmem:s20+$0xFFFFFF10] =	vst v11;
	v11 =	vmul.f32 $1.131370830e+01, v29  }
0x31f: {  	v15 =	vadd.f32 v30, v15;
	v33 =	vld [tilespmem:s14+$0xFFFFFF20];
	[tilespmem:s20+$0xFFFFFF90] =	vst v9  }
0x320: {  	v34 =	vld [tilespmem:s14+$0xFFFFFFA0];
	v11 =	vadd.f32 v31, v11  }
0x321: {  	v2 =	vld [tilespmem:s2+$0xFFFFFFE0];
	[tilespmem:s20+$0x10] =	vst v15  }
0x322: {  	v35 =	vmul.f32 $1.131370830e+01, v28;
	v3 =	vmul.f32 $1.131370830e+01, v3;
	v37 =	vld [tilespmem:s14+$0x20];
	[tilespmem:s20+$0xA0] =	vst v11  }
0x323: {  	v11 =	vmul.f32 $1.131370830e+01, v32;
	v38 =	vld [tilespmem:s14+$0xB0]  }
0x324: {  	v5 =	vadd.f32 v5, v3;
	v3 =	vld [tilespmem:s2+$0x60];
	v13 =	vadd.f32 v33, v35  }
0x325: {  	v9 =	vld [tilespmem:s20+$0xFFFFFF30];
	v10 =	vmul.f32 $1.131370830e+01, v10;
	v11 =	vadd.f32 v34, v11  }
0x326: {  	v41 =	vmul.f32 $1.131370830e+01, v36;
	v4 =	vld [tilespmem:s2+$0xFFFFFF70];
	[tilespmem:s20+$0xFFFFFF20] =	vst v13  }
0x327: {  	v10 =	vadd.f32 v37, v10;
	v42 =	vld [tilespmem:s14+$0xFFFFFF30];
	[tilespmem:s20+$0xFFFFFFA0] =	vst v11  }
0x328: {  	v43 =	vld [tilespmem:s14+$0xFFFFFFB0];
	v12 =	vadd.f32 v38, v41  }
0x329: {  	[tilespmem:s20+$0x20] =	vst v10;
	v10 =	vld [tilespmem:s20+$0xC0]  }
0x32a: {  	v6 =	vmul.f32 $1.131370830e+01, v6;
	v9 =	vmul.f32 $1.131370830e+01, v9;
	v44 =	vld [tilespmem:s14+$0x30];
	[tilespmem:s20+$0xB0] =	vst v12  }
0x32b: {  	v45 =	vmul.f32 $1.131370830e+01, v39;
	[tilespmem:s2+$0xFFFFFFD0] =	vst v5;
	v46 =	vld [tilespmem:s14+$0xC0]  }
0x32c: {  	v5 =	vadd.f32 v8, v6;
	v6 =	vld [tilespmem:s24+$0xFFFFFFE0];
	v9 =	vadd.f32 v42, v9  }
0x32d: {  	v17 =	vmul.f32 $1.131370830e+01, v40;
	v11 =	vld [tilespmem:s20+$0xFFFFFF40];
	v12 =	vadd.f32 v43, v45  }
0x32e: {  	v8 =	vld [tilespmem:s2+$0xF0];
	[tilespmem:s20+$0xFFFFFF30] =	vst v9;
	v9 =	vmul.f32 $1.131370830e+01, v10  }
0x32f: {  	v13 =	vadd.f32 v44, v17;
	v10 =	vld [tilespmem:s14+$0xFFFFFF40];
	[tilespmem:s20+$0xFFFFFFB0] =	vst v12  }
0x330: {  	[tilespmem:s2+$0x50] =	vst v5;
	v50 =	vld [tilespmem:s14+$0xFFFFFFC0];
	v9 =	vadd.f32 v46, v9  }
0x331: {  	v7 =	vld [tilespmem:s24+$0x60];
	[tilespmem:s20+$0x30] =	vst v13  }
0x332: {  	v11 =	vmul.f32 $1.131370830e+01, v11;
	v52 =	vld [tilespmem:s14+$0x40];
	[tilespmem:s20+$0xC0] =	vst v9  }
0x333: {  	v9 =	vmul.f32 $1.131370830e+01, v47;
	v53 =	vld [tilespmem:s14+$0xD0]  }
0x334: {  	v1 =	vld [tilespmem:s2+$0xFFFFFFF0];
	v10 =	vadd.f32 v10, v11  }
0x335: {  	v16 =	vmul.f32 $1.131370830e+01, v48;
	[tilespmem:s2+$0xE0] =	vst v0;
	v0 =	vld [tilespmem:s2+$0x70];
	v9 =	vadd.f32 v50, v9  }
0x336: {  	v11 =	vld [tilespmem:s20+$0xFFFFFFD0];
	[tilespmem:s20+$0xFFFFFF40] =	vst v10;
	v10 =	vmul.f32 $1.131370830e+01, v51  }
0x337: {  	v14 =	vadd.f32 v52, v16;
	v55 =	vld [tilespmem:s14+$0xFFFFFF50];
	[tilespmem:s20+$0xFFFFFFC0] =	vst v9  }
0x338: {  	v56 =	vld [tilespmem:s14+$0xFFFFFFD0];
	v10 =	vadd.f32 v53, v10  }
0x339: {  	v2 =	vmul.f32 $1.131370830e+01, v2;
	v5 =	vld [tilespmem:s24+$0xF0];
	[tilespmem:s20+$0x40] =	vst v14  }
0x33a: {  	v12 =	vmul.f32 $1.131370830e+01, v49;
	v58 =	vld [tilespmem:s14+$0x50];
	[tilespmem:s20+$0xD0] =	vst v10  }
0x33b: {  	v2 =	vadd.f32 v6, v2;
	v10 =	vmul.f32 $1.131370830e+01, v11;
	v11 =	vld [tilespmem:s14+$0xE0]  }
0x33c: {  	v6 =	vld [tilespmem:s24+$0xFFFFFF70];
	v12 =	vadd.f32 v55, v12  }
0x33d: {  	[tilespmem:s2+$0xFFFFFFE0] =	vst v2;
	v17 =	vmul.f32 $1.131370830e+01, v54;
	v9 =	vld [tilespmem:s20+$0xFFFFFF60];
	v10 =	vadd.f32 v56, v10  }
0x33e: {  	v2 =	vld [tilespmem:s24+$0xFFFFFFF0];
	v14 =	vmul.f32 $1.131370830e+01, v57;
	[tilespmem:s20+$0xFFFFFF50] =	vst v12  }
0x33f: {  	v3 =	vmul.f32 $1.131370830e+01, v3;
	v62 =	vld [tilespmem:s14+$0xFFFFFF60];
	[tilespmem:s20+$0xFFFFFFD0] =	vst v10;
	v10 =	vadd.f32 v58, v17  }
0x340: {  	v8 =	vmul.f32 $1.131370830e+01, v8;
	v63 =	vld [tilespmem:s14+$0xFFFFFFE0];
	v11 =	vadd.f32 v11, v14  }
0x341: {  	v4 =	vmul.f32 $1.131370830e+01, v4;
	v3 =	vadd.f32 v7, v3;
	v7 =	vld [tilespmem:s20+$0xF0];
	[tilespmem:s20+$0x50] =	vst v10  }
0x342: {  	v5 =	vadd.f32 v5, v8;
	v8 =	vmul.f32 $1.131370830e+01, v9;
	v9 =	vld [tilespmem:s14+$0x60];
	[tilespmem:s20+$0xE0] =	vst v11  }
0x343: {  	[tilespmem:s2+$0x60] =	vst v3;
	v3 =	vadd.f32 v6, v4;
	v6 =	vmul.f32 $1.131370830e+01, v59;
	v10 =	vld [tilespmem:s14+$0xF0]  }
0x344: {  	v1 =	vmul.f32 $1.131370830e+01, v1;
	[tilespmem:s2+$0xF0] =	vst v5;
	v4 =	vld [tilespmem:s20+$0xFFFFFFF0];
	v5 =	vadd.f32 v62, v8  }
0x345: {  	[tilespmem:s2+$0xFFFFFF70] =	vst v3;
	v3 =	vld [tilespmem:s20+$0x70];
	v8 =	vmul.f32 $1.131370830e+01, v60;
	v6 =	vadd.f32 v63, v6  }
0x346: {  	v1 =	vadd.f32 v2, v1;
	v7 =	vmul.f32 $1.131370830e+01, v7;
	v2 =	vld [tilespmem:s24+$0x70];
	[tilespmem:s20+$0xFFFFFF60] =	vst v5  }
0x347: {  	v5 =	vld [tilespmem:s14+$0xFFFFFF70];
	[tilespmem:s20+$0xFFFFFFE0] =	vst v6;
	v8 =	vadd.f32 v9, v8  }
0x348: {  	s13 =	simm.s32 $0x10500;
	s6 =	simm.s32 $0x4;
	s12 =	simm.s32 $0x300;
	v0 =	vmul.f32 $1.131370830e+01, v0;
	[tilespmem:s2+$0xFFFFFFF0] =	vst v1;
	v1 =	vmul.f32 $1.131370830e+01, v61;
	v6 =	vld [tilespmem:s14+$0xFFFFFFF0];
	v7 =	vadd.f32 v10, v7  }
.LBB2_9:
0x349: {  	v9 =	vld [tilespmem:s13+$0x80];
	s6 =	sadd.s32 $0x4, s6;
	v4 =	vmul.f32 $1.131370830e+01, v4;
	[tilespmem:s20+$0x60] =	vst v8  }
0x34a: {  	s14 =	sadd.s32 $0x200, s14;
	v8 =	vld [tilespmem:s13+$0xFFFFFF80];
	p1 =	slt.u32 s6, $0x7C;
	v3 =	vmul.f32 $1.131370830e+01, v3;
	[tilespmem:s20+$0xF0] =	vst v7  }
0x34b: {  	v7 =	vld [tilespmem:s14+$0x80];
	v2 =	vadd.f32 v2, v0  }
0x34c: {  	v10 =	vld [tilespmem:s13+$0x0];
	v1 =	vadd.f32 v5, v1;
	v0 =	vmov v3  }
0x34d: {  	v3 =	vld [tilespmem:s13+$0xFFFFFF00];
	v4 =	vadd.f32 v6, v4;
	[tilespmem:s2+$0x70] =	vst v2;
	s2 =	smov.u32 s20;
	s20 =	smov.u32 s13  }
0x34e: {  	v2 =	vld [tilespmem:s14+$0xFFFFFF00];
	v5 =	vmul.f32 $1.131370830e+01, v9;
	[tilespmem:s2+$0xFFFFFF70] =	vst v1  }
0x34f: {  	v1 =	vmul.f32 $1.131370830e+01, v8;
	v6 =	vld [tilespmem:s14+$0xFFFFFF80];
	[tilespmem:s2+$0xFFFFFFF0] =	vst v4  }
0x350: {  	v4 =	vld [tilespmem:s14+$0x0];
	v5 =	vadd.f32 v7, v5  }
0x351: {  	v7 =	vmul.f32 $1.131370830e+01, v10;
	v8 =	vld [tilespmem:s13+$0x90]  }
0x352: {  	v3 =	vmul.f32 $1.131370830e+01, v3;
	v9 =	vld [tilespmem:s13+$0xFFFFFF10];
	[tilespmem:s13+$0x80] =	vst v5  }
0x353: {  	v5 =	vld [tilespmem:s14+$0x90]  }
0x354: {  	v2 =	vadd.f32 v2, v3;
	v1 =	vadd.f32 v6, v1;
	v3 =	vld [tilespmem:s13+$0xFFFFFF90]  }
0x355: {  	v4 =	vadd.f32 v4, v7;
	v6 =	vld [tilespmem:s13+$0x10]  }
0x356: {  	[tilespmem:s13+$0xFFFFFF00] =	vst v2;
	v2 =	vld [tilespmem:s13+$0xFFFFFF20];
	v7 =	vmul.f32 $1.131370830e+01, v8  }
0x357: {  	v8 =	vmul.f32 $1.131370830e+01, v9;
	v9 =	vld [tilespmem:s14+$0xFFFFFF10];
	[tilespmem:s13+$0xFFFFFF80] =	vst v1  }
0x358: {  	v1 =	vld [tilespmem:s14+$0xFFFFFF90];
	[tilespmem:s13+$0x0] =	vst v4;
	v4 =	vadd.f32 v5, v7  }
0x359: {  	v3 =	vmul.f32 $1.131370830e+01, v3;
	v5 =	vld [tilespmem:s13+$0xA0]  }
0x35a: {  	v6 =	vmul.f32 $1.131370830e+01, v6;
	v7 =	vld [tilespmem:s14+$0x10];
	[tilespmem:s13+$0x90] =	vst v4  }
0x35b: {  	v2 =	vmul.f32 $1.131370830e+01, v2;
	v4 =	vld [tilespmem:s14+$0xA0]  }
0x35c: {  	v8 =	vadd.f32 v9, v8;
	v9 =	vld [tilespmem:s13+$0xFFFFFFA0]  }
0x35d: {  	v1 =	vadd.f32 v1, v3;
	v3 =	vld [tilespmem:s13+$0x20]  }
0x35e: {  	[tilespmem:s13+$0xFFFFFF10] =	vst v8;
	v8 =	vld [tilespmem:s13+$0xFFFFFF30];
	v5 =	vmul.f32 $1.131370830e+01, v5  }
0x35f: {  	v10 =	vld [tilespmem:s14+$0xFFFFFF20];
	[tilespmem:s13+$0xFFFFFF90] =	vst v1;
	v1 =	vadd.f32 v7, v6  }
0x360: {  	v6 =	vld [tilespmem:s14+$0xFFFFFFA0];
	v4 =	vadd.f32 v4, v5  }
0x361: {  	v5 =	vmul.f32 $1.131370830e+01, v9;
	[tilespmem:s13+$0x10] =	vst v1;
	v1 =	vld [tilespmem:s13+$0xB0]  }
0x362: {  	v3 =	vmul.f32 $1.131370830e+01, v3;
	v7 =	vld [tilespmem:s14+$0x20];
	[tilespmem:s13+$0xA0] =	vst v4  }
0x363: {  	v4 =	vmul.f32 $1.131370830e+01, v8;
	v8 =	vld [tilespmem:s14+$0xB0]  }
0x364: {  	v2 =	vadd.f32 v10, v2;
	v9 =	vld [tilespmem:s13+$0xFFFFFFB0]  }
0x365: {  	v5 =	vadd.f32 v6, v5;
	v6 =	vld [tilespmem:s13+$0x30]  }
0x366: {  	[tilespmem:s13+$0xFFFFFF20] =	vst v2;
	v2 =	vld [tilespmem:s13+$0xFFFFFF40];
	v1 =	vmul.f32 $1.131370830e+01, v1  }
0x367: {  	v10 =	vld [tilespmem:s14+$0xFFFFFF30];
	[tilespmem:s13+$0xFFFFFFA0] =	vst v5;
	v3 =	vadd.f32 v7, v3  }
0x368: {  	v5 =	vld [tilespmem:s14+$0xFFFFFFB0];
	v1 =	vadd.f32 v8, v1  }
0x369: {  	v7 =	vmul.f32 $1.131370830e+01, v9;
	[tilespmem:s13+$0x20] =	vst v3;
	v3 =	vld [tilespmem:s13+$0xC0]  }
0x36a: {  	v6 =	vmul.f32 $1.131370830e+01, v6;
	v8 =	vld [tilespmem:s14+$0x30];
	[tilespmem:s13+$0xB0] =	vst v1  }
0x36b: {  	v1 =	vmul.f32 $1.131370830e+01, v2;
	v2 =	vld [tilespmem:s14+$0xC0]  }
0x36c: {  	v4 =	vadd.f32 v10, v4;
	v9 =	vld [tilespmem:s13+$0xFFFFFFC0]  }
0x36d: {  	v5 =	vadd.f32 v5, v7;
	v7 =	vld [tilespmem:s13+$0x40]  }
0x36e: {  	[tilespmem:s13+$0xFFFFFF30] =	vst v4;
	v4 =	vld [tilespmem:s13+$0xFFFFFF50];
	v3 =	vmul.f32 $1.131370830e+01, v3  }
0x36f: {  	v10 =	vld [tilespmem:s14+$0xFFFFFF40];
	[tilespmem:s13+$0xFFFFFFB0] =	vst v5;
	v5 =	vadd.f32 v8, v6  }
0x370: {  	v6 =	vld [tilespmem:s14+$0xFFFFFFC0];
	v2 =	vadd.f32 v2, v3  }
0x371: {  	v3 =	vmul.f32 $1.131370830e+01, v9;
	[tilespmem:s13+$0x30] =	vst v5;
	v5 =	vld [tilespmem:s13+$0xD0]  }
0x372: {  	v7 =	vmul.f32 $1.131370830e+01, v7;
	v8 =	vld [tilespmem:s14+$0x40];
	[tilespmem:s13+$0xC0] =	vst v2  }
0x373: {  	v2 =	vmul.f32 $1.131370830e+01, v4;
	v4 =	vld [tilespmem:s14+$0xD0]  }
0x374: {  	v1 =	vadd.f32 v10, v1;
	v9 =	vld [tilespmem:s13+$0xFFFFFFD0]  }
0x375: {  	v3 =	vadd.f32 v6, v3;
	v6 =	vld [tilespmem:s13+$0x50]  }
0x376: {  	[tilespmem:s13+$0xFFFFFF40] =	vst v1;
	v1 =	vld [tilespmem:s13+$0xFFFFFF60];
	v5 =	vmul.f32 $1.131370830e+01, v5  }
0x377: {  	v10 =	vld [tilespmem:s14+$0xFFFFFF50];
	[tilespmem:s13+$0xFFFFFFC0] =	vst v3;
	v3 =	vadd.f32 v8, v7  }
0x378: {  	v7 =	vld [tilespmem:s14+$0xFFFFFFD0];
	v4 =	vadd.f32 v4, v5  }
0x379: {  	v5 =	vmul.f32 $1.131370830e+01, v9;
	[tilespmem:s13+$0x40] =	vst v3;
	v3 =	vld [tilespmem:s13+$0xE0]  }
0x37a: {  	v6 =	vmul.f32 $1.131370830e+01, v6;
	v8 =	vld [tilespmem:s14+$0x50];
	[tilespmem:s13+$0xD0] =	vst v4  }
0x37b: {  	v4 =	vmul.f32 $1.131370830e+01, v1;
	v1 =	vld [tilespmem:s14+$0xE0]  }
0x37c: {  	v2 =	vadd.f32 v10, v2;
	v9 =	vld [tilespmem:s13+$0xFFFFFFE0]  }
0x37d: {  	v5 =	vadd.f32 v7, v5;
	v7 =	vld [tilespmem:s13+$0x60]  }
0x37e: {  	[tilespmem:s13+$0xFFFFFF50] =	vst v2;
	v2 =	vld [tilespmem:s13+$0xFFFFFF70];
	v3 =	vmul.f32 $1.131370830e+01, v3  }
0x37f: {  	v10 =	vld [tilespmem:s14+$0xFFFFFF60];
	[tilespmem:s13+$0xFFFFFFD0] =	vst v5;
	v5 =	vadd.f32 v8, v6  }
0x380: {  	v6 =	vld [tilespmem:s14+$0xFFFFFFE0];
	v1 =	vadd.f32 v1, v3  }
0x381: {  	v3 =	vmul.f32 $1.131370830e+01, v9;
	[tilespmem:s13+$0x50] =	vst v5;
	v5 =	vld [tilespmem:s13+$0xF0]  }
0x382: {  	v7 =	vmul.f32 $1.131370830e+01, v7;
	v8 =	vld [tilespmem:s14+$0x60];
	[tilespmem:s13+$0xE0] =	vst v1  }
0x383: {  	v1 =	vmul.f32 $1.131370830e+01, v2;
	v9 =	vld [tilespmem:s14+$0xF0]  }
.Ltmp5:
0x384: {  	v2 =	vadd.f32 v10, v4;
	v4 =	vld [tilespmem:s13+$0xFFFFFFF0];
	(pc) =	sbr.rel @p1 .LBB2_9-.Ltmp5, $4  }
0x385: {  	v6 =	vadd.f32 v6, v3;
	v3 =	vld [tilespmem:s13+$0x70]  }
0x386: {  	[tilespmem:s13+$0xFFFFFF60] =	vst v2;
	v10 =	vmul.f32 $1.131370830e+01, v5;
	v2 =	vld [tilespmem:s12+$0x70];
	s12 =	smov.u32 s14  }
0x387: {  	v5 =	vld [tilespmem:s14+$0xFFFFFF70];
	[tilespmem:s13+$0xFFFFFFE0] =	vst v6;
	v8 =	vadd.f32 v8, v7  }
0x388: {  	s13 =	sadd.s32 $0x200, s13;
	v6 =	vld [tilespmem:s14+$0xFFFFFFF0];
	v7 =	vadd.f32 v9, v10  }
0x389: {  	[tilespmem:s20+$0x60] =	vst v8  }
0x38a: {  	v8 =	vld [tilespmem:s12+$0x70];
	_ =	sdelay $0x1  }
0x38b: {  	v4 =	vmul.f32 $1.131370830e+01, v4;
	v0 =	vadd.f32 v2, v0  }
0x38c: {  	v61 =	vmul.f32 $1.131370830e+01, v3;
	[tilespmem:s20+$0xF0] =	vst v7;
	v1 =	vadd.f32 v5, v1  }
.Ltmp6:
0x38d: {  	v62 =	vadd.f32 v6, v4;
	[tilespmem:s2+$0x70] =	vst v0;
	(pc) =	sbr.rel @p0 .LBB2_12-.Ltmp6, $4  }
0x38e: {  	[tilespmem:s20+$0xFFFFFF70] =	vst v1;
	v63 =	vadd.f32 v8, v61  }
0x38f: {  	s24 =	sshll.u32 s7, $0x10;
	[tilespmem:s20+$0xFFFFFFF0] =	vst v62  }
0x390: {  	s2 =	sadd.s32 s24, s17;
	[tilespmem:s20+$0x70] =	vst v63  }
0x391: {  	[hbm4b:s2+s4] =	stream.linear.scatter [tilespmem:s9], [sflag:$0x8], $0x4000, $0x38;
	[tilespmem:$0x14200] =	vst v63  }
0x392: {  	s2 =	sshll.u32 s28, $0xE;
	s6 =	rddreg [dreg:$0xb]  }
0x393: {  	s2 =	sadd.s32 s6, s2  }
0x394: {  	s2 =	sshrl.u32 s2, $0x3  }
0x395: {  	s2 =	sadd.s32 s5, s2  }
0x396: {  	[tilespmem:s21], [sflag:$0xB] =	stream.linear.gather [hbm4b:s2+s4], $0x80, $0x38;
	[tilespmem:$0x14200] =	vst v63  }
0x397: {  	_ =	swait.ge [sflag:s18], $0x4000  }
0x398: {  	[sflag:s18] =	ssyncset.done $0x0  }
.Ltmp7:
0x399: {  	[sflag:s18] =	ssyncadd.s32 $0xFFFFC000;
	(pc) =	sbr.rel .LBB2_2-.Ltmp7, $4  }
0x39a: {  	_ =	swait.ge [sflag:s25], $0x80  }
0x39b: {  	[sflag:s25] =	ssyncset.done $0x0  }
0x39c: {  	s24 =	simm.s32 $0x14080;
	s28 =	sadd.s32 $0x1, s28;
	[sflag:s25] =	ssyncadd.s32 $0xFFFFFF80  }
0x39d: {  	[tilespmem:s26], [sflag:$0x2] =	stream.indirect.gather [hbm4b:s1+s23], $0x80, s24, s23, $0xb8;
	[tilespmem:$0x14200] =	vst v63  }
.LBB2_13:
0x39e: {  	_ =	sfence.sel $0x180000  }
0x39f: {  	[bflag:$0x0] =	sbarrier.arrive $0xFFFF  }
0x3a0: {  	_ =	strace $0x90000047  }
0x3a1: {  	s0 =	stileid.u32;
	[bflag:$0x2] =	sbarrier.arrive $0xFFFF  }
0x3a2: {  	p0 =	sne.s32 s0, $0x0;
	s0 =	rddreg [dreg:$0x4]  }
0x3a3: {  	s0 =	sadd.s32 @!p0 $0x100000, s0  }
0x3a4: {  	[sflag:s0] =	ssyncadd.tile.s32 @!p0 $0x1;
	_ =	shalt  }
.Lfunc_end2:
_tile_overlayer_lowered:
.L_overlay_start_2:
0x3a5: {  	(tag) =	ssettag $0x2  }
0x3a6: {  	s0 =	rddreg [dreg:$0x0];
	s2 =	stileid.u32  }
0x3a7: {  	s1 =	rddreg [dreg:$0x1];
	p0 =	sne.s32 s2, $0x0  }
0x3a8: {  	s3 =	rddreg [dreg:$0x2];
	[bflag:$0x3] =	sbarrier.arrive $0xFFFF;
	s2 =	simm.s32 @!p0 $0x1C0D  }
0x3a9: {  	[timem:s3], [sflag:s2] =	dma.local @!p0 [hbm:s0], s1  }
0x3aa: {  	s0 =	simm.s32 @!p0 $0xD  }
0x3ab: {  	_ =	swait.ge @!p0 [sflag:s0], s1  }
0x3ac: {  	s1 =	ssub.s32 @!p0 $0x0, s1;
	[sflag:s0] =	ssyncset.done @!p0 $0x0  }
0x3ad: {  	[sflag:s0] =	ssyncadd.s32 @!p0 s1  }
0x3ae: {  	[bflag:$0x3] =	sbarrier.arrive $0xFFFF  }
0x3af: {  	_ =	shalt  }

</sc_bundles>
